<compile_context>
chip_gen: v7x
topology: tpu7x:2x2x1
jax: 0.10.2.dev20260603
libtpu: 0.0.44.dev20260713+nightly
codegen_flags: <defaults>
</compile_context>

<pallas_src>
import functools
import math

import jax
import jax.numpy as jnp
from jax import lax
from jax.experimental import pallas as pl
from jax.experimental.pallas import tpu as pltpu
from jax.experimental.pallas import tpu_sc as plsc

_N = 10000
_E = 320000
_D = 128
_NG = 64
_BN_EPS = 1e-5
_SLOPE = 0.01

_CHUNK = 64
_EPT = _E // 32
_CPT = 160
_HALF = 40
_NCHUNKS = 32 * _CPT
_PPT = _CPT * _CHUNK - _EPT
_NPAD = 16 * _PPT
_ROWS_A = 624
_NBUF = 4


def _agg_body(h_hbm, src_hbm, dst_hbm, out_hbm, idx_s, idx_d, bufs, zbuf,
              acc, sem0, sem1, sem2, sem3):
    sems = (sem0, sem1, sem2, sem3)
    cid = lax.axis_index("c")
    sid = lax.axis_index("s")
    wid = cid * 16 + sid

    def zstore(i, carry):
        r = i // 8
        c = (i % 8) * 16
        zbuf[r, pl.ds(c, 16)] = jnp.zeros((16,), jnp.float32)
        return carry

    lax.fori_loop(0, 64, zstore, 0)

    row0 = sid * _ROWS_A
    nz = jnp.where(sid == 15, 40, 39)

    def zcopy(j, carry):
        pltpu.sync_copy(zbuf, acc.at[pl.ds(row0 + j * 8, 8)])
        return carry

    lax.fori_loop(0, 2 * nz, zcopy, 0)
    plsc.subcore_barrier()

    def fire(g, b):
        pltpu.async_copy(h_hbm.at[idx_s.at[g]], bufs.at[b], sems[b])

    def drain_and_scatter(g, b):
        pltpu.make_async_copy(h_hbm.at[idx_s.at[g]], bufs.at[b],
                              sems[b]).wait()
        pltpu.sync_copy(bufs.at[b], acc.at[idx_d.at[g]], add=True)

    for half in range(_CPT // _HALF):
        c0 = wid * _CPT + half * _HALF
        pltpu.sync_copy(src_hbm.at[pl.ds(c0, _HALF)], idx_s)
        pltpu.sync_copy(dst_hbm.at[pl.ds(c0, _HALF)], idx_d)

        for b in range(_NBUF):
            fire(b, b)

        def estep(i, carry):
            g0 = i * _NBUF
            for b in range(_NBUF):
                drain_and_scatter(g0 + b, b)
                fire(g0 + b + _NBUF, b)
            return carry

        lax.fori_loop(0, _HALF // _NBUF - 1, estep, 0)
        for b in range(_NBUF):
            drain_and_scatter(_HALF - _NBUF + b, b)

    plsc.subcore_barrier()

    @pl.when(sid != 15)
    def _():
        pltpu.sync_copy(
            acc.at[pl.ds(row0, _ROWS_A)],
            out_hbm.at[pl.ds(cid * _N + row0, _ROWS_A)],
        )

    @pl.when(sid == 15)
    def _():
        pltpu.sync_copy(
            acc.at[pl.ds(row0, _N - 15 * _ROWS_A)],
            out_hbm.at[pl.ds(cid * _N + row0, _N - 15 * _ROWS_A)],
        )


@jax.jit
def _edge_agg(h, src_c, dst_c):
    mesh = plsc.VectorSubcoreMesh(core_axis_name="c", subcore_axis_name="s")
    fn = pl.kernel(
        _agg_body,
        mesh=mesh,
        out_type=jax.ShapeDtypeStruct((2 * _N, _D), jnp.float32),
        scratch_types=[
            pltpu.VMEM((_HALF, _CHUNK), jnp.int32),
            pltpu.VMEM((_HALF, _CHUNK), jnp.int32),
            pltpu.VMEM((_NBUF, _CHUNK, _D), jnp.float32),
            pltpu.VMEM((8, _D), jnp.float32),
            pltpu.VMEM_SHARED((_N, _D), jnp.float32),
            pltpu.SemaphoreType.DMA,
            pltpu.SemaphoreType.DMA,
            pltpu.SemaphoreType.DMA,
            pltpu.SemaphoreType.DMA,
        ],
    )
    return fn(h, src_c, dst_c)


_BNF = 1.0 / math.sqrt(1.0 + _BN_EPS)


def _conv_tc_body(h_ref, agg_ref, w_ref, b_ref, g_ref, bt_ref, ep_ref, o_ref):
    a = agg_ref[0:_N, :] + agg_ref[_N:2 * _N, :]
    x2 = (1.0 + ep_ref[...]) * h_ref[0:_N, :] + a
    t = jnp.dot(x2, w_ref[...], preferred_element_type=jnp.float32)
    t = (t + b_ref[...]) * (g_ref[...] * _BNF) + bt_ref[...]
    o_ref[0:_N, :] = jnp.where(t >= 0.0, t, t * (_SLOPE * _SLOPE))
    o_ref[_N:_N + _NPAD, :] = jnp.zeros((_NPAD, _D), jnp.float32)


@jax.jit
def _conv_update(h, agg2, w, b, gamma, beta, epsv):
    return pl.pallas_call(
        _conv_tc_body,
        out_shape=jax.ShapeDtypeStruct((_N + _NPAD, _D), jnp.float32),
    )(h, agg2, w, b, gamma, beta, epsv)


def _head_body(h_ref, agg_ref, w_ref, b_ref, g_ref, bt_ref, ep_ref,
               g2_ref, g3_ref, bat_ref, w1_ref, b1_ref, w2_ref,
               b2_ref, w3_ref, b3_ref, wf_ref, bf_ref, o_ref):
    a = agg_ref[0:_N, :] + agg_ref[_N:2 * _N, :]
    x2 = (1.0 + ep_ref[...]) * h_ref[0:_N, :] + a
    t = jnp.dot(x2, w_ref[...], preferred_element_type=jnp.float32)
    t = (t + b_ref[...]) * (g_ref[...] * _BNF) + bt_ref[...]
    g4 = jnp.where(t >= 0.0, t, t * (_SLOPE * _SLOPE))
    bat = bat_ref[...]
    gi = lax.broadcasted_iota(jnp.int32, (_NG, _N), 0)
    oh = jnp.where(gi == bat, 1.0, 0.0).astype(jnp.float32)
    pool = jnp.dot(oh, g4, preferred_element_type=jnp.float32)
    hp = lax.dot_general(oh, pool, (((0,), (0,)), ((), ())),
                         preferred_element_type=jnp.float32)
    w1 = w1_ref[...]
    z = jnp.dot(g2_ref[0:_N, :], w1[0:_D, :],
                preferred_element_type=jnp.float32)
    z = z + jnp.dot(g3_ref[0:_N, :], w1[_D:2 * _D, :],
                    preferred_element_type=jnp.float32)
    z = z + jnp.dot(g4, w1[2 * _D:3 * _D, :],
                    preferred_element_type=jnp.float32)
    z = z + jnp.dot(hp, w1[3 * _D:4 * _D, :],
                    preferred_element_type=jnp.float32)
    z = z + b1_ref[...]
    z = jnp.dot(z, w2_ref[...], preferred_element_type=jnp.float32) + b2_ref[...]
    z = jnp.where(z >= 0.0, z, z * _SLOPE)
    z = jnp.dot(z, w3_ref[...], preferred_element_type=jnp.float32) + b3_ref[...]
    z = jnp.where(z >= 0.0, z, z * _SLOPE)
    z = jnp.dot(z, wf_ref[...], preferred_element_type=jnp.float32) + bf_ref[...]
    o_ref[...] = 1.0 / (1.0 + jnp.exp(-z))


@jax.jit
def _head(h, agg2, w, b, gamma, beta, epsv, g2, g3, bati,
          w1, b1, w2, b2, w3, b3, wfp, bfp):
    return pl.pallas_call(
        _head_body,
        out_shape=jax.ShapeDtypeStruct((_N, _D), jnp.float32),
    )(h, agg2, w, b, gamma, beta, epsv, g2, g3, bati,
      w1, b1, w2, b2, w3, b3, wfp, bfp)


def kernel(x, edge_index, batch, params):
    src_n = edge_index[0].astype(jnp.int32).reshape(32, _EPT)
    dst_n = edge_index[1].astype(jnp.int32).reshape(32, _EPT)
    pad_src = (_N + (jnp.arange(32, dtype=jnp.int32) % 16)[:, None] * _PPT
               + jnp.arange(_PPT, dtype=jnp.int32)[None, :])
    src_c = jnp.concatenate(
        [src_n, pad_src],
        axis=1).reshape(_NCHUNKS, _CHUNK)
    pad_dst = (jnp.arange(32, dtype=jnp.int32)[:, None] * _PPT
               + jnp.arange(_PPT, dtype=jnp.int32)[None, :])
    dst_c = jnp.concatenate([dst_n, pad_dst],
                            axis=1).reshape(_NCHUNKS, _CHUNK)
    bati = batch.astype(jnp.int32).reshape(1, _N)

    def conv_params(p):
        return (p['W'], p['b'].reshape(1, _D), p['gamma'].reshape(1, _D),
                p['beta'].reshape(1, _D),
                jnp.broadcast_to(p['eps'].reshape(1, 1), (1, _D)))

    h = jnp.pad(x, ((0, _NPAD), (0, 0)))
    hs = []
    plist = [params['conv1']] + list(params['convs'])
    for i, p in enumerate(plist[:3]):
        agg2 = _edge_agg(h, src_c, dst_c)
        w, b, gamma, beta, epsv = conv_params(p)
        h = _conv_update(h, agg2, w, b, gamma, beta, epsv)
        if i > 0:
            hs.append(h)

    agg2 = _edge_agg(h, src_c, dst_c)
    w, b, gamma, beta, epsv = conv_params(plist[3])
    wfp = jnp.pad(params['final']['W'], ((0, 0), (0, _D - 1)))
    bfp = jnp.pad(params['final']['b'], (0, _D - 1)).reshape(1, _D)
    out = _head(
        h, agg2, w, b, gamma, beta, epsv,
        hs[0], hs[1], bati,
        params['cls1']['W'], params['cls1']['b'].reshape(1, _D),
        params['cls'][0]['W'], params['cls'][0]['b'].reshape(1, _D),
        params['cls'][1]['W'], params['cls'][1]['b'].reshape(1, _D),
        wfp, bfp,
    )
    return out[:, :1]

# --- scband reference (transcript-rebuilt; emitter-appended) ---
"""Pipeline reference for scband-gin-76699525972534 (READ-ONLY COPY).

The authoritative reference and input builder live on the scoring server;
editing this copy changes nothing except your own understanding.
"""

import jax, jax.numpy as jnp
import numpy as np

N = 10000
E = 320000
D_IN = 128
D_OUT = 128
N_CONV = 3
N_CLS = 2
D_CLS = 128
N_GRAPHS = 64
BN_EPS = 1e-5
LRELU_SLOPE = 0.01


def _linear_init(key, fan_in, fan_out):
    kw, kb = jax.random.split(key)
    bound = 1.0 / np.sqrt(fan_in)
    W = jax.random.uniform(kw, (fan_in, fan_out), jnp.float32, -bound, bound)
    b = jax.random.uniform(kb, (fan_out,), jnp.float32, -bound, bound)
    return W, b


def _make_params(key):
    keys = jax.random.split(key, 2 + N_CONV + 1 + N_CLS + 1)
    ki = 0
    params = {}
    W, b = _linear_init(keys[ki], D_IN, D_OUT); ki += 1
    params['conv1'] = {'W': W, 'b': b, 'gamma': jnp.ones((D_OUT,), jnp.float32), 'beta': jnp.zeros((D_OUT,), jnp.float32), 'eps': jnp.zeros((), jnp.float32)}
    convs = []
    for _ in range(N_CONV):
        W, b = _linear_init(keys[ki], D_OUT, D_OUT); ki += 1
        convs.append({'W': W, 'b': b, 'gamma': jnp.ones((D_OUT,), jnp.float32), 'beta': jnp.zeros((D_OUT,), jnp.float32), 'eps': jnp.zeros((), jnp.float32)})
    params['convs'] = convs
    W, b = _linear_init(keys[ki], D_OUT * (N_CONV + 1), D_CLS); ki += 1
    params['cls1'] = {'W': W, 'b': b}
    cls = []
    for _ in range(N_CLS):
        W, b = _linear_init(keys[ki], D_CLS, D_CLS); ki += 1
        cls.append({'W': W, 'b': b})
    params['cls'] = cls
    W, b = _linear_init(keys[ki], D_CLS, 1); ki += 1
    params['final'] = {'W': W, 'b': b}
    return params


def setup_inputs(seed: int = 0) -> dict:
    key = jax.random.key(seed)
    k1, k2, k3, k4 = jax.random.split(key, 4)
    x = jax.random.normal(k1, (N, D_IN), jnp.float32)
    edge_index = jax.random.randint(k2, (2, E), 0, N, dtype=jnp.int64)
    batch = jnp.sort(jax.random.randint(k3, (N,), 0, N_GRAPHS, dtype=jnp.int64))
    params = _make_params(k4)
    return {'x': x, 'edge_index': edge_index, 'batch': batch, 'params': params}


def _leaky(h):
    return jax.nn.leaky_relu(h, LRELU_SLOPE)


def _gin_conv(h, edge_index, p, num_nodes):
    # message passing: sum aggregation of source features into dst nodes
    msgs = jnp.take(h, edge_index[0], axis=0)
    agg = jax.ops.segment_sum(msgs, edge_index[1], num_segments=num_nodes)
    out = (1.0 + p['eps']) * h + agg
    # nn: Linear -> BatchNorm1d (eval: running_mean=0, running_var=1) -> LeakyReLU -> Dropout(p=0.0)
    out = out @ p['W'] + p['b']
    out = (out / jnp.sqrt(1.0 + BN_EPS)) * p['gamma'] + p['beta']
    out = _leaky(out)
    return out


def _forward(x, edge_index, batch, params):
    h = _gin_conv(x, edge_index, params['conv1'], N)
    h = _leaky(h)
    hs = []
    for p in params['convs']:
        h = _gin_conv(h, edge_index, p, N)
        h = _leaky(h)
        hs.append(h)
    num_graphs = N_GRAPHS
    h_pool = jax.ops.segment_sum(h, batch, num_segments=num_graphs)
    # batch is sorted, so repeat_interleave(h_pool, counts) == h_pool[batch]
    h_pool_ = jnp.take(h_pool, batch, axis=0)
    h = jnp.concatenate(hs + [h_pool_], axis=1)
    h = h @ params['cls1']['W'] + params['cls1']['b']
    for p in params['cls']:
        h = h @ p['W'] + p['b']
        h = _leaky(h)
    h = h @ params['final']['W'] + params['final']['b']
    return jax.nn.sigmoid(h)


def reference(x, edge_index, batch, params):
    return _forward(x, edge_index, batch, params)

if __name__ == "__main__":
    import jax
    _d = setup_inputs()
    print(jax.jit(kernel)(*tuple(_d.values())))

</pallas_src>

<mosaic_0001>
#map = affine_map<(d0, d1) -> (0, 0)>
module attributes {stable_mosaic.version = 14 : i64} {
  func.func @_agg_body(%arg0: i32, %arg1: i32, %arg2: memref<13840x128xf32, #tpu.memory_space<hbm>>, %arg3: memref<5120x64xi32, #tpu.memory_space<hbm>>, %arg4: memref<5120x64xi32, #tpu.memory_space<hbm>>, %arg5: memref<20000x128xf32, #tpu.memory_space<hbm>>, %arg6: memref<40x64xi32, #tpu.memory_space<vmem>>, %arg7: memref<40x64xi32, #tpu.memory_space<vmem>>, %arg8: memref<4x64x128xf32, #tpu.memory_space<vmem>>, %arg9: memref<8x128xf32, #tpu.memory_space<vmem>>, %arg10: memref<10000x128xf32, #tpu.memory_space<vmem_shared>>, %arg11: memref<!tpu.dma_semaphore, #tpu.memory_space<semaphore_mem>>, %arg12: memref<!tpu.dma_semaphore, #tpu.memory_space<semaphore_mem>>, %arg13: memref<!tpu.dma_semaphore, #tpu.memory_space<semaphore_mem>>, %arg14: memref<!tpu.dma_semaphore, #tpu.memory_space<semaphore_mem>>) attributes {dimension_semantics = [#tpu.dimension_semantics<core_parallel>, #tpu.dimension_semantics<subcore_parallel>], iteration_bounds = array<i64: 2, 16>, scalar_prefetch = 0 : i64, scratch_operands = 9 : i64, tpu.core_type = #tpu.core_type<sc_vector_subcore>, window_params = [{transform_indices = #map}, {transform_indices = #map}, {transform_indices = #map}, {transform_indices = #map}]} {
    %mul3A = arith.constant 16 : i32
    %mul3A_0 = arith.muli %arg0, %mul3A : i32
    %add3A = arith.addi %mul3A_0, %arg1 : i32
    %scan3A = arith.constant 0 : i32
    %scan3A_1 = arith.constant 0 : i32
    %scan3A_2 = arith.constant 64 : i32
    %scan3A_3 = arith.addi %scan3A_1, %scan3A_2 : i32
    %scan3A_4 = arith.constant 1 : i32
    scf.for %scan3A_482 = %scan3A_1 to %scan3A_3 step %scan3A_4  : i32 {
      %jit3A_483 = arith.constant 8 : i32
      %div3A = arith.divsi %scan3A_482, %jit3A_483 : i32
      %sign3A = arith.constant 0 : i32
      %sign3A_484 = arith.cmpi sgt, %scan3A_482, %sign3A : i32
      %sign3A_485 = arith.extui %sign3A_484 : i1 to i32
      %sign3A_486 = arith.constant 0 : i32
      %sign3A_487 = arith.cmpi slt, %scan3A_482, %sign3A_486 : i32
      %sign3A_488 = arith.extui %sign3A_487 : i1 to i32
      %sign3A_489 = arith.subi %sign3A_485, %sign3A_488 : i32
      %sign3A_490 = arith.constant 0 : i32
      %sign3A_491 = arith.cmpi sgt, %jit3A_483, %sign3A_490 : i32
      %sign3A_492 = arith.extui %sign3A_491 : i1 to i32
      %sign3A_493 = arith.constant 0 : i32
      %sign3A_494 = arith.cmpi slt, %jit3A_483, %sign3A_493 : i32
      %sign3A_495 = arith.extui %sign3A_494 : i1 to i32
      %sign3A_496 = arith.subi %sign3A_492, %sign3A_495 : i32
      %ne3A_497 = arith.cmpi ne, %sign3A_489, %sign3A_496 : i32
      %rem3A = arith.remsi %scan3A_482, %jit3A_483 : i32
      %ne3A_498 = arith.constant 0 : i32
      %ne3A_499 = arith.cmpi ne, %rem3A, %ne3A_498 : i32
      %and3A = arith.andi %ne3A_497, %ne3A_499 : i1
      %sub3A = arith.constant 1 : i32
      %sub3A_500 = arith.subi %div3A, %sub3A : i32
      %select_n3A_501 = arith.select %and3A, %sub3A_500, %div3A : i32
      %jit3A_502 = arith.constant 8 : i32
      %eq3A_503 = arith.constant 0 : i32
      %eq3A_504 = arith.cmpi eq, %jit3A_502, %eq3A_503 : i32
      %jit3A_505 = arith.constant 1 : i32
      %select_n3A_506 = arith.select %eq3A_504, %jit3A_505, %jit3A_502 : i32
      %rem3A_507 = arith.remsi %scan3A_482, %select_n3A_506 : i32
      %ne3A_508 = arith.constant 0 : i32
      %ne3A_509 = arith.cmpi ne, %rem3A_507, %ne3A_508 : i32
      %lt3A = arith.constant 0 : i32
      %lt3A_510 = arith.cmpi slt, %rem3A_507, %lt3A : i32
      %lt3A_511 = arith.constant 0 : i32
      %lt3A_512 = arith.cmpi slt, %select_n3A_506, %lt3A_511 : i32
      %ne3A_513 = arith.xori %lt3A_510, %lt3A_512 : i1
      %and3A_514 = arith.andi %ne3A_513, %ne3A_509 : i1
      %add3A_515 = arith.addi %rem3A_507, %select_n3A_506 : i32
      %select_n3A_516 = arith.select %and3A_514, %add3A_515, %rem3A_507 : i32
      %mul3A_517 = arith.constant 16 : i32
      %mul3A_518 = arith.muli %select_n3A_516, %mul3A_517 : i32
      %broadcast_in_dim3A = arith.constant 0.000000e+00 : f32
      %broadcast_in_dim3A_519 = vector.broadcast %broadcast_in_dim3A : f32 to vector<16xf32>
      %swap3A = arith.index_cast %select_n3A_501 : i32 to index
      %swap3A_520 = arith.index_cast %mul3A_518 : i32 to index
      %swap3A_521 = tpu.vector_load %arg9[%swap3A, %swap3A_520] {strides = array<i32>} : memref<8x128xf32, #tpu.memory_space<vmem>>, vector<1x16xf32>,
      %swap3A_522 = vector.shape_cast %swap3A_521 : vector<1x16xf32> to vector<16xf32>
      %swap3A_523 = vector.shape_cast %broadcast_in_dim3A_519 : vector<16xf32> to vector<1x16xf32>
      tpu.vector_store %arg9[%swap3A, %swap3A_520], %swap3A_523 {strides = array<i32>} : memref<8x128xf32, #tpu.memory_space<vmem>>, vector<1x16xf32>,
    }
    %scan3A_5 = arith.constant 64 : i32
    %mul3A_6 = arith.constant 624 : i32
    %mul3A_7 = arith.muli %arg1, %mul3A_6 : i32
    %eq3A = arith.constant 15 : i32
    %eq3A_8 = arith.cmpi eq, %arg1, %eq3A : i32
    %jit3A = arith.constant 40 : i32
    %jit3A_9 = arith.constant 39 : i32
    %select_n3A = arith.select %eq3A_8, %jit3A, %jit3A_9 : i32
    %mul3A_10 = arith.constant 2 : i32
    %mul3A_11 = arith.muli %mul3A_10, %select_n3A : i32
    %while3A = arith.constant 0 : i32
    %while3A_12 = arith.constant 0 : i32
    %while3A_13 = arith.subi %mul3A_11, %while3A_12 : i32
    %while3A_14 = arith.addi %while3A_12, %while3A_13 : i32
    %while3A_15 = arith.constant 1 : i32
    %while3A_16 = arith.divsi %while3A_13, %while3A_15 : i32
    %while3A_17 = arith.muli %while3A_16, %while3A_15 : i32
    %while3A_18 = arith.addi %while3A_12, %while3A_17 : i32
    %while3A_19 = arith.constant 1 : i32
    scf.for %while3A_482 = %while3A_12 to %while3A_18 step %while3A_19  : i32 {
      %mul3A_483 = arith.constant 8 : i32
      %mul3A_484 = arith.muli %while3A_482, %mul3A_483 : i32
      %add3A_485 = arith.addi %mul3A_7, %mul3A_484 : i32
      "tpu.region"() ({
        %run_scoped3A_486 = tpu.sem_alloc : memref<!tpu.dma_semaphore, #tpu.memory_space<semaphore_mem>>
        %dma_start3A_487 = arith.constant 0 : i32
        %dma_start3A_488 = tpu.memref_slice %arg10[%add3A_485, %dma_start3A_487] : memref<10000x128xf32, #tpu.memory_space<vmem_shared>> -> memref<8x128xf32, #tpu.memory_space<vmem_shared>>
        %dma_start3A_489 = arith.constant 0 : i32
        %dma_start3A_490 = tpu.memref_slice %arg10[%add3A_485, %dma_start3A_489] : memref<10000x128xf32, #tpu.memory_space<vmem_shared>> -> memref<8x128xf32, #tpu.memory_space<vmem_shared>>
        tpu.enqueue_dma source(%arg9 : memref<8x128xf32, #tpu.memory_space<vmem>>) target(%dma_start3A_490 : memref<8x128xf32, #tpu.memory_space<vmem_shared>>) target_semaphore(%run_scoped3A_486 : memref<!tpu.dma_semaphore, #tpu.memory_space<semaphore_mem>>)
        %dma_wait3A_491 = arith.constant 0 : i32
        %dma_wait3A_492 = tpu.memref_slice %arg10[%add3A_485, %dma_wait3A_491] : memref<10000x128xf32, #tpu.memory_space<vmem_shared>> -> memref<8x128xf32, #tpu.memory_space<vmem_shared>>
        %dma_wait3A_493 = arith.constant 0 : i32
        %dma_wait3A_494 = tpu.memref_slice %arg10[%add3A_485, %dma_wait3A_493] : memref<10000x128xf32, #tpu.memory_space<vmem_shared>> -> memref<8x128xf32, #tpu.memory_space<vmem_shared>>
        tpu.wait_dma2 semaphore(%run_scoped3A_486 : memref<!tpu.dma_semaphore, #tpu.memory_space<semaphore_mem>>) src(%arg9 : memref<8x128xf32, #tpu.memory_space<vmem>>) dst(%dma_wait3A_494 : memref<8x128xf32, #tpu.memory_space<vmem_shared>>)
        tpu.yield
      }) : () -> ()
    }
    %while3A_20 = arith.constant 1 : i32
    scf.for %while3A_482 = %while3A_18 to %while3A_14 step %while3A_20  : i32 {
      %mul3A_483 = arith.constant 8 : i32
      %mul3A_484 = arith.muli %while3A_482, %mul3A_483 : i32
      %add3A_485 = arith.addi %mul3A_7, %mul3A_484 : i32
      "tpu.region"() ({
        %run_scoped3A_486 = tpu.sem_alloc : memref<!tpu.dma_semaphore, #tpu.memory_space<semaphore_mem>>
        %dma_start3A_487 = arith.constant 0 : i32
        %dma_start3A_488 = tpu.memref_slice %arg10[%add3A_485, %dma_start3A_487] : memref<10000x128xf32, #tpu.memory_space<vmem_shared>> -> memref<8x128xf32, #tpu.memory_space<vmem_shared>>
        %dma_start3A_489 = arith.constant 0 : i32
        %dma_start3A_490 = tpu.memref_slice %arg10[%add3A_485, %dma_start3A_489] : memref<10000x128xf32, #tpu.memory_space<vmem_shared>> -> memref<8x128xf32, #tpu.memory_space<vmem_shared>>
        tpu.enqueue_dma source(%arg9 : memref<8x128xf32, #tpu.memory_space<vmem>>) target(%dma_start3A_490 : memref<8x128xf32, #tpu.memory_space<vmem_shared>>) target_semaphore(%run_scoped3A_486 : memref<!tpu.dma_semaphore, #tpu.memory_space<semaphore_mem>>)
        %dma_wait3A_491 = arith.constant 0 : i32
        %dma_wait3A_492 = tpu.memref_slice %arg10[%add3A_485, %dma_wait3A_491] : memref<10000x128xf32, #tpu.memory_space<vmem_shared>> -> memref<8x128xf32, #tpu.memory_space<vmem_shared>>
        %dma_wait3A_493 = arith.constant 0 : i32
        %dma_wait3A_494 = tpu.memref_slice %arg10[%add3A_485, %dma_wait3A_493] : memref<10000x128xf32, #tpu.memory_space<vmem_shared>> -> memref<8x128xf32, #tpu.memory_space<vmem_shared>>
        tpu.wait_dma2 semaphore(%run_scoped3A_486 : memref<!tpu.dma_semaphore, #tpu.memory_space<semaphore_mem>>) src(%arg9 : memref<8x128xf32, #tpu.memory_space<vmem>>) dst(%dma_wait3A_494 : memref<8x128xf32, #tpu.memory_space<vmem_shared>>)
        tpu.yield
      }) : () -> ()
    }
    %barrier3A = arith.constant 0 : index
    tpu.barrier barrier_id(%barrier3A)
    %mul3A_21 = arith.constant 160 : i32
    %mul3A_22 = arith.muli %add3A, %mul3A_21 : i32
    %add3A_23 = arith.constant 0 : i32
    %add3A_24 = arith.addi %mul3A_22, %add3A_23 : i32
    "tpu.region"() ({
      %run_scoped3A_482 = tpu.sem_alloc : memref<!tpu.dma_semaphore, #tpu.memory_space<semaphore_mem>>
      %dma_start3A_483 = arith.constant 0 : i32
      %dma_start3A_484 = tpu.memref_slice %arg3[%add3A_24, %dma_start3A_483] : memref<5120x64xi32, #tpu.memory_space<hbm>> -> memref<40x64xi32, #tpu.memory_space<hbm>>
      %dma_start3A_485 = arith.constant 0 : i32
      %dma_start3A_486 = tpu.memref_slice %arg3[%add3A_24, %dma_start3A_485] : memref<5120x64xi32, #tpu.memory_space<hbm>> -> memref<40x64xi32, #tpu.memory_space<hbm>>
      tpu.enqueue_dma source(%dma_start3A_486 : memref<40x64xi32, #tpu.memory_space<hbm>>) target(%arg6 : memref<40x64xi32, #tpu.memory_space<vmem>>) target_semaphore(%run_scoped3A_482 : memref<!tpu.dma_semaphore, #tpu.memory_space<semaphore_mem>>)
      %dma_wait3A_487 = arith.constant 0 : i32
      %dma_wait3A_488 = tpu.memref_slice %arg3[%add3A_24, %dma_wait3A_487] : memref<5120x64xi32, #tpu.memory_space<hbm>> -> memref<40x64xi32, #tpu.memory_space<hbm>>
      %dma_wait3A_489 = arith.constant 0 : i32
      %dma_wait3A_490 = tpu.memref_slice %arg3[%add3A_24, %dma_wait3A_489] : memref<5120x64xi32, #tpu.memory_space<hbm>> -> memref<40x64xi32, #tpu.memory_space<hbm>>
      tpu.wait_dma2 semaphore(%run_scoped3A_482 : memref<!tpu.dma_semaphore, #tpu.memory_space<semaphore_mem>>) src(%dma_wait3A_490 : memref<40x64xi32, #tpu.memory_space<hbm>>) dst(%arg6 : memref<40x64xi32, #tpu.memory_space<vmem>>)
      tpu.yield
    }) : () -> ()
    "tpu.region"() ({
      %run_scoped3A_482 = tpu.sem_alloc : memref<!tpu.dma_semaphore, #tpu.memory_space<semaphore_mem>>
      %dma_start3A_483 = arith.constant 0 : i32
      %dma_start3A_484 = tpu.memref_slice %arg4[%add3A_24, %dma_start3A_483] : memref<5120x64xi32, #tpu.memory_space<hbm>> -> memref<40x64xi32, #tpu.memory_space<hbm>>
      %dma_start3A_485 = arith.constant 0 : i32
      %dma_start3A_486 = tpu.memref_slice %arg4[%add3A_24, %dma_start3A_485] : memref<5120x64xi32, #tpu.memory_space<hbm>> -> memref<40x64xi32, #tpu.memory_space<hbm>>
      tpu.enqueue_dma source(%dma_start3A_486 : memref<40x64xi32, #tpu.memory_space<hbm>>) target(%arg7 : memref<40x64xi32, #tpu.memory_space<vmem>>) target_semaphore(%run_scoped3A_482 : memref<!tpu.dma_semaphore, #tpu.memory_space<semaphore_mem>>)
      %dma_wait3A_487 = arith.constant 0 : i32
      %dma_wait3A_488 = tpu.memref_slice %arg4[%add3A_24, %dma_wait3A_487] : memref<5120x64xi32, #tpu.memory_space<hbm>> -> memref<40x64xi32, #tpu.memory_space<hbm>>
      %dma_wait3A_489 = arith.constant 0 : i32
      %dma_wait3A_490 = tpu.memref_slice %arg4[%add3A_24, %dma_wait3A_489] : memref<5120x64xi32, #tpu.memory_space<hbm>> -> memref<40x64xi32, #tpu.memory_space<hbm>>
      tpu.wait_dma2 semaphore(%run_scoped3A_482 : memref<!tpu.dma_semaphore, #tpu.memory_space<semaphore_mem>>) src(%dma_wait3A_490 : memref<40x64xi32, #tpu.memory_space<hbm>>) dst(%arg7 : memref<40x64xi32, #tpu.memory_space<vmem>>)
      tpu.yield
    }) : () -> ()
    %dma_start3A = arith.constant 0 : i32
    %dma_start3A_25 = arith.constant 0 : i32
    %dma_start3A_26 = arith.constant 0 : i32
    %dma_start3A_27 = arith.constant 0 : i32
    %dma_start3A_28 = tpu.memref_slice %arg8[%dma_start3A_25, %dma_start3A_26, %dma_start3A_27] : memref<4x64x128xf32, #tpu.memory_space<vmem>> -> memref<1x64x128xf32, #tpu.memory_space<vmem>>
    %dma_start3A_29 = tpu.memref_squeeze %dma_start3A_28 : memref<1x64x128xf32, #tpu.memory_space<vmem>> -> memref<64x128xf32, #tpu.memory_space<vmem>>
    %dma_start3A_30 = arith.constant 0 : i32
    %dma_start3A_31 = tpu.memref_slice %arg6[%dma_start3A, %dma_start3A_30] : memref<40x64xi32, #tpu.memory_space<vmem>> -> memref<1x64xi32, #tpu.memory_space<vmem>>
    %dma_start3A_32 = tpu.memref_squeeze %dma_start3A_31 : memref<1x64xi32, #tpu.memory_space<vmem>> -> memref<64xi32, #tpu.memory_space<vmem>>
    %dma_start3A_33 = arith.constant 0 : i32
    %dma_start3A_34 = arith.constant 0 : i32
    %dma_start3A_35 = tpu.memref_slice %arg2[%dma_start3A_33, %dma_start3A_34] : memref<13840x128xf32, #tpu.memory_space<hbm>> -> memref<13840x128xf32, #tpu.memory_space<hbm>>
    tpu.enqueue_indirect_dma source(%dma_start3A_35 : memref<13840x128xf32, #tpu.memory_space<hbm>>) target(%dma_start3A_29 : memref<64x128xf32, #tpu.memory_space<vmem>>) offsets(%dma_start3A_32 : memref<64xi32, #tpu.memory_space<vmem>>) semaphore(%arg11 : memref<!tpu.dma_semaphore, #tpu.memory_space<semaphore_mem>>)
    %dma_start3A_36 = arith.constant 1 : i32
    %dma_start3A_37 = arith.constant 1 : i32
    %dma_start3A_38 = arith.constant 0 : i32
    %dma_start3A_39 = arith.constant 0 : i32
    %dma_start3A_40 = tpu.memref_slice %arg8[%dma_start3A_37, %dma_start3A_38, %dma_start3A_39] : memref<4x64x128xf32, #tpu.memory_space<vmem>> -> memref<1x64x128xf32, #tpu.memory_space<vmem>>
    %dma_start3A_41 = tpu.memref_squeeze %dma_start3A_40 : memref<1x64x128xf32, #tpu.memory_space<vmem>> -> memref<64x128xf32, #tpu.memory_space<vmem>>
    %dma_start3A_42 = arith.constant 0 : i32
    %dma_start3A_43 = tpu.memref_slice %arg6[%dma_start3A_36, %dma_start3A_42] : memref<40x64xi32, #tpu.memory_space<vmem>> -> memref<1x64xi32, #tpu.memory_space<vmem>>
    %dma_start3A_44 = tpu.memref_squeeze %dma_start3A_43 : memref<1x64xi32, #tpu.memory_space<vmem>> -> memref<64xi32, #tpu.memory_space<vmem>>
    %dma_start3A_45 = arith.constant 0 : i32
    %dma_start3A_46 = arith.constant 0 : i32
    %dma_start3A_47 = tpu.memref_slice %arg2[%dma_start3A_45, %dma_start3A_46] : memref<13840x128xf32, #tpu.memory_space<hbm>> -> memref<13840x128xf32, #tpu.memory_space<hbm>>
    tpu.enqueue_indirect_dma source(%dma_start3A_47 : memref<13840x128xf32, #tpu.memory_space<hbm>>) target(%dma_start3A_41 : memref<64x128xf32, #tpu.memory_space<vmem>>) offsets(%dma_start3A_44 : memref<64xi32, #tpu.memory_space<vmem>>) semaphore(%arg12 : memref<!tpu.dma_semaphore, #tpu.memory_space<semaphore_mem>>)
    %dma_start3A_48 = arith.constant 2 : i32
    %dma_start3A_49 = arith.constant 2 : i32
    %dma_start3A_50 = arith.constant 0 : i32
    %dma_start3A_51 = arith.constant 0 : i32
    %dma_start3A_52 = tpu.memref_slice %arg8[%dma_start3A_49, %dma_start3A_50, %dma_start3A_51] : memref<4x64x128xf32, #tpu.memory_space<vmem>> -> memref<1x64x128xf32, #tpu.memory_space<vmem>>
    %dma_start3A_53 = tpu.memref_squeeze %dma_start3A_52 : memref<1x64x128xf32, #tpu.memory_space<vmem>> -> memref<64x128xf32, #tpu.memory_space<vmem>>
    %dma_start3A_54 = arith.constant 0 : i32
    %dma_start3A_55 = tpu.memref_slice %arg6[%dma_start3A_48, %dma_start3A_54] : memref<40x64xi32, #tpu.memory_space<vmem>> -> memref<1x64xi32, #tpu.memory_space<vmem>>
    %dma_start3A_56 = tpu.memref_squeeze %dma_start3A_55 : memref<1x64xi32, #tpu.memory_space<vmem>> -> memref<64xi32, #tpu.memory_space<vmem>>
    %dma_start3A_57 = arith.constant 0 : i32
    %dma_start3A_58 = arith.constant 0 : i32
    %dma_start3A_59 = tpu.memref_slice %arg2[%dma_start3A_57, %dma_start3A_58] : memref<13840x128xf32, #tpu.memory_space<hbm>> -> memref<13840x128xf32, #tpu.memory_space<hbm>>
    tpu.enqueue_indirect_dma source(%dma_start3A_59 : memref<13840x128xf32, #tpu.memory_space<hbm>>) target(%dma_start3A_53 : memref<64x128xf32, #tpu.memory_space<vmem>>) offsets(%dma_start3A_56 : memref<64xi32, #tpu.memory_space<vmem>>) semaphore(%arg13 : memref<!tpu.dma_semaphore, #tpu.memory_space<semaphore_mem>>)
    %dma_start3A_60 = arith.constant 3 : i32
    %dma_start3A_61 = arith.constant 3 : i32
    %dma_start3A_62 = arith.constant 0 : i32
    %dma_start3A_63 = arith.constant 0 : i32
    %dma_start3A_64 = tpu.memref_slice %arg8[%dma_start3A_61, %dma_start3A_62, %dma_start3A_63] : memref<4x64x128xf32, #tpu.memory_space<vmem>> -> memref<1x64x128xf32, #tpu.memory_space<vmem>>
    %dma_start3A_65 = tpu.memref_squeeze %dma_start3A_64 : memref<1x64x128xf32, #tpu.memory_space<vmem>> -> memref<64x128xf32, #tpu.memory_space<vmem>>
    %dma_start3A_66 = arith.constant 0 : i32
    %dma_start3A_67 = tpu.memref_slice %arg6[%dma_start3A_60, %dma_start3A_66] : memref<40x64xi32, #tpu.memory_space<vmem>> -> memref<1x64xi32, #tpu.memory_space<vmem>>
    %dma_start3A_68 = tpu.memref_squeeze %dma_start3A_67 : memref<1x64xi32, #tpu.memory_space<vmem>> -> memref<64xi32, #tpu.memory_space<vmem>>
    %dma_start3A_69 = arith.constant 0 : i32
    %dma_start3A_70 = arith.constant 0 : i32
    %dma_start3A_71 = tpu.memref_slice %arg2[%dma_start3A_69, %dma_start3A_70] : memref<13840x128xf32, #tpu.memory_space<hbm>> -> memref<13840x128xf32, #tpu.memory_space<hbm>>
    tpu.enqueue_indirect_dma source(%dma_start3A_71 : memref<13840x128xf32, #tpu.memory_space<hbm>>) target(%dma_start3A_65 : memref<64x128xf32, #tpu.memory_space<vmem>>) offsets(%dma_start3A_68 : memref<64xi32, #tpu.memory_space<vmem>>) semaphore(%arg14 : memref<!tpu.dma_semaphore, #tpu.memory_space<semaphore_mem>>)
    %scan3A_72 = arith.constant 0 : i32
    %scan3A_73 = arith.constant 0 : i32
    %scan3A_74 = arith.constant 9 : i32
    %scan3A_75 = arith.addi %scan3A_73, %scan3A_74 : i32
    %scan3A_76 = arith.constant 1 : i32
    scf.for %scan3A_482 = %scan3A_73 to %scan3A_75 step %scan3A_76  : i32 {
      %mul3A_483 = arith.constant 4 : i32
      %mul3A_484 = arith.muli %scan3A_482, %mul3A_483 : i32
      %add3A_485 = arith.constant 0 : i32
      %add3A_486 = arith.addi %mul3A_484, %add3A_485 : i32
      %dma_wait3A_487 = arith.constant 0 : i32
      %dma_wait3A_488 = arith.constant 0 : i32
      %dma_wait3A_489 = arith.constant 0 : i32
      %dma_wait3A_490 = tpu.memref_slice %arg8[%dma_wait3A_487, %dma_wait3A_488, %dma_wait3A_489] : memref<4x64x128xf32, #tpu.memory_space<vmem>> -> memref<1x64x128xf32, #tpu.memory_space<vmem>>
      %dma_wait3A_491 = tpu.memref_squeeze %dma_wait3A_490 : memref<1x64x128xf32, #tpu.memory_space<vmem>> -> memref<64x128xf32, #tpu.memory_space<vmem>>
      %dma_wait3A_492 = arith.constant 0 : i32
      %dma_wait3A_493 = tpu.memref_slice %arg6[%add3A_486, %dma_wait3A_492] : memref<40x64xi32, #tpu.memory_space<vmem>> -> memref<1x64xi32, #tpu.memory_space<vmem>>
      %dma_wait3A_494 = tpu.memref_squeeze %dma_wait3A_493 : memref<1x64xi32, #tpu.memory_space<vmem>> -> memref<64xi32, #tpu.memory_space<vmem>>
      %dma_wait3A_495 = arith.constant 0 : i32
      %dma_wait3A_496 = arith.constant 0 : i32
      %dma_wait3A_497 = tpu.memref_slice %arg2[%dma_wait3A_495, %dma_wait3A_496] : memref<13840x128xf32, #tpu.memory_space<hbm>> -> memref<13840x128xf32, #tpu.memory_space<hbm>>
      tpu.wait_indirect_dma semaphore(%arg11 : memref<!tpu.dma_semaphore, #tpu.memory_space<semaphore_mem>>) src(%dma_wait3A_497 : memref<13840x128xf32, #tpu.memory_space<hbm>>) dst(%dma_wait3A_491 : memref<64x128xf32, #tpu.memory_space<vmem>>)
      %run_scoped3A_498 = arith.constant 0 : i32
      "tpu.region"() ({
        %run_scoped3A_601 = tpu.sem_alloc : memref<!tpu.dma_semaphore, #tpu.memory_space<semaphore_mem>>
        %dma_start3A_602 = arith.constant 0 : i32
        %dma_start3A_603 = arith.constant 0 : i32
        %dma_start3A_604 = tpu.memref_slice %arg8[%run_scoped3A_498, %dma_start3A_602, %dma_start3A_603] : memref<4x64x128xf32, #tpu.memory_space<vmem>> -> memref<1x64x128xf32, #tpu.memory_space<vmem>>
        %dma_start3A_605 = tpu.memref_squeeze %dma_start3A_604 : memref<1x64x128xf32, #tpu.memory_space<vmem>> -> memref<64x128xf32, #tpu.memory_space<vmem>>
        %dma_start3A_606 = arith.constant 0 : i32
        %dma_start3A_607 = tpu.memref_slice %arg7[%add3A_486, %dma_start3A_606] : memref<40x64xi32, #tpu.memory_space<vmem>> -> memref<1x64xi32, #tpu.memory_space<vmem>>
        %dma_start3A_608 = tpu.memref_squeeze %dma_start3A_607 : memref<1x64xi32, #tpu.memory_space<vmem>> -> memref<64xi32, #tpu.memory_space<vmem>>
        %dma_start3A_609 = arith.constant 0 : i32
        %dma_start3A_610 = arith.constant 0 : i32
        %dma_start3A_611 = tpu.memref_slice %arg10[%dma_start3A_609, %dma_start3A_610] : memref<10000x128xf32, #tpu.memory_space<vmem_shared>> -> memref<10000x128xf32, #tpu.memory_space<vmem_shared>>
        tpu.enqueue_indirect_dma source(%dma_start3A_605 : memref<64x128xf32, #tpu.memory_space<vmem>>) target(%dma_start3A_611 : memref<10000x128xf32, #tpu.memory_space<vmem_shared>>) offsets(%dma_start3A_608 : memref<64xi32, #tpu.memory_space<vmem>>) semaphore(%run_scoped3A_601 : memref<!tpu.dma_semaphore, #tpu.memory_space<semaphore_mem>>) {add = true}
        %dma_wait3A_612 = arith.constant 0 : i32
        %dma_wait3A_613 = arith.constant 0 : i32
        %dma_wait3A_614 = tpu.memref_slice %arg8[%run_scoped3A_498, %dma_wait3A_612, %dma_wait3A_613] : memref<4x64x128xf32, #tpu.memory_space<vmem>> -> memref<1x64x128xf32, #tpu.memory_space<vmem>>
        %dma_wait3A_615 = tpu.memref_squeeze %dma_wait3A_614 : memref<1x64x128xf32, #tpu.memory_space<vmem>> -> memref<64x128xf32, #tpu.memory_space<vmem>>
        %dma_wait3A_616 = arith.constant 0 : i32
        %dma_wait3A_617 = tpu.memref_slice %arg7[%add3A_486, %dma_wait3A_616] : memref<40x64xi32, #tpu.memory_space<vmem>> -> memref<1x64xi32, #tpu.memory_space<vmem>>
        %dma_wait3A_618 = tpu.memref_squeeze %dma_wait3A_617 : memref<1x64xi32, #tpu.memory_space<vmem>> -> memref<64xi32, #tpu.memory_space<vmem>>
        %dma_wait3A_619 = arith.constant 0 : i32
        %dma_wait3A_620 = arith.constant 0 : i32
        %dma_wait3A_621 = tpu.memref_slice %arg10[%dma_wait3A_619, %dma_wait3A_620] : memref<10000x128xf32, #tpu.memory_space<vmem_shared>> -> memref<10000x128xf32, #tpu.memory_space<vmem_shared>>
        tpu.wait_indirect_dma semaphore(%run_scoped3A_601 : memref<!tpu.dma_semaphore, #tpu.memory_space<semaphore_mem>>) src(%dma_wait3A_615 : memref<64x128xf32, #tpu.memory_space<vmem>>) dst(%dma_wait3A_621 : memref<10000x128xf32, #tpu.memory_space<vmem_shared>>)
        tpu.yield
      }) : () -> ()
      %add3A_499 = arith.constant 0 : i32
      %add3A_500 = arith.addi %mul3A_484, %add3A_499 : i32
      %add3A_501 = arith.constant 4 : i32
      %add3A_502 = arith.addi %add3A_500, %add3A_501 : i32
      %dma_start3A_503 = arith.constant 0 : i32
      %dma_start3A_504 = arith.constant 0 : i32
      %dma_start3A_505 = arith.constant 0 : i32
      %dma_start3A_506 = tpu.memref_slice %arg8[%dma_start3A_503, %dma_start3A_504, %dma_start3A_505] : memref<4x64x128xf32, #tpu.memory_space<vmem>> -> memref<1x64x128xf32, #tpu.memory_space<vmem>>
      %dma_start3A_507 = tpu.memref_squeeze %dma_start3A_506 : memref<1x64x128xf32, #tpu.memory_space<vmem>> -> memref<64x128xf32, #tpu.memory_space<vmem>>
      %dma_start3A_508 = arith.constant 0 : i32
      %dma_start3A_509 = tpu.memref_slice %arg6[%add3A_502, %dma_start3A_508] : memref<40x64xi32, #tpu.memory_space<vmem>> -> memref<1x64xi32, #tpu.memory_space<vmem>>
      %dma_start3A_510 = tpu.memref_squeeze %dma_start3A_509 : memref<1x64xi32, #tpu.memory_space<vmem>> -> memref<64xi32, #tpu.memory_space<vmem>>
      %dma_start3A_511 = arith.constant 0 : i32
      %dma_start3A_512 = arith.constant 0 : i32
      %dma_start3A_513 = tpu.memref_slice %arg2[%dma_start3A_511, %dma_start3A_512] : memref<13840x128xf32, #tpu.memory_space<hbm>> -> memref<13840x128xf32, #tpu.memory_space<hbm>>
      tpu.enqueue_indirect_dma source(%dma_start3A_513 : memref<13840x128xf32, #tpu.memory_space<hbm>>) target(%dma_start3A_507 : memref<64x128xf32, #tpu.memory_space<vmem>>) offsets(%dma_start3A_510 : memref<64xi32, #tpu.memory_space<vmem>>) semaphore(%arg11 : memref<!tpu.dma_semaphore, #tpu.memory_space<semaphore_mem>>)
      %add3A_514 = arith.constant 1 : i32
      %add3A_515 = arith.addi %mul3A_484, %add3A_514 : i32
      %dma_wait3A_516 = arith.constant 1 : i32
      %dma_wait3A_517 = arith.constant 0 : i32
      %dma_wait3A_518 = arith.constant 0 : i32
      %dma_wait3A_519 = tpu.memref_slice %arg8[%dma_wait3A_516, %dma_wait3A_517, %dma_wait3A_518] : memref<4x64x128xf32, #tpu.memory_space<vmem>> -> memref<1x64x128xf32, #tpu.memory_space<vmem>>
      %dma_wait3A_520 = tpu.memref_squeeze %dma_wait3A_519 : memref<1x64x128xf32, #tpu.memory_space<vmem>> -> memref<64x128xf32, #tpu.memory_space<vmem>>
      %dma_wait3A_521 = arith.constant 0 : i32
      %dma_wait3A_522 = tpu.memref_slice %arg6[%add3A_515, %dma_wait3A_521] : memref<40x64xi32, #tpu.memory_space<vmem>> -> memref<1x64xi32, #tpu.memory_space<vmem>>
      %dma_wait3A_523 = tpu.memref_squeeze %dma_wait3A_522 : memref<1x64xi32, #tpu.memory_space<vmem>> -> memref<64xi32, #tpu.memory_space<vmem>>
      %dma_wait3A_524 = arith.constant 0 : i32
      %dma_wait3A_525 = arith.constant 0 : i32
      %dma_wait3A_526 = tpu.memref_slice %arg2[%dma_wait3A_524, %dma_wait3A_525] : memref<13840x128xf32, #tpu.memory_space<hbm>> -> memref<13840x128xf32, #tpu.memory_space<hbm>>
      tpu.wait_indirect_dma semaphore(%arg12 : memref<!tpu.dma_semaphore, #tpu.memory_space<semaphore_mem>>) src(%dma_wait3A_526 : memref<13840x128xf32, #tpu.memory_space<hbm>>) dst(%dma_wait3A_520 : memref<64x128xf32, #tpu.memory_space<vmem>>)
      %run_scoped3A_527 = arith.constant 1 : i32
      "tpu.region"() ({
        %run_scoped3A_601 = tpu.sem_alloc : memref<!tpu.dma_semaphore, #tpu.memory_space<semaphore_mem>>
        %dma_start3A_602 = arith.constant 0 : i32
        %dma_start3A_603 = arith.constant 0 : i32
        %dma_start3A_604 = tpu.memref_slice %arg8[%run_scoped3A_527, %dma_start3A_602, %dma_start3A_603] : memref<4x64x128xf32, #tpu.memory_space<vmem>> -> memref<1x64x128xf32, #tpu.memory_space<vmem>>
        %dma_start3A_605 = tpu.memref_squeeze %dma_start3A_604 : memref<1x64x128xf32, #tpu.memory_space<vmem>> -> memref<64x128xf32, #tpu.memory_space<vmem>>
        %dma_start3A_606 = arith.constant 0 : i32
        %dma_start3A_607 = tpu.memref_slice %arg7[%add3A_515, %dma_start3A_606] : memref<40x64xi32, #tpu.memory_space<vmem>> -> memref<1x64xi32, #tpu.memory_space<vmem>>
        %dma_start3A_608 = tpu.memref_squeeze %dma_start3A_607 : memref<1x64xi32, #tpu.memory_space<vmem>> -> memref<64xi32, #tpu.memory_space<vmem>>
        %dma_start3A_609 = arith.constant 0 : i32
        %dma_start3A_610 = arith.constant 0 : i32
        %dma_start3A_611 = tpu.memref_slice %arg10[%dma_start3A_609, %dma_start3A_610] : memref<10000x128xf32, #tpu.memory_space<vmem_shared>> -> memref<10000x128xf32, #tpu.memory_space<vmem_shared>>
        tpu.enqueue_indirect_dma source(%dma_start3A_605 : memref<64x128xf32, #tpu.memory_space<vmem>>) target(%dma_start3A_611 : memref<10000x128xf32, #tpu.memory_space<vmem_shared>>) offsets(%dma_start3A_608 : memref<64xi32, #tpu.memory_space<vmem>>) semaphore(%run_scoped3A_601 : memref<!tpu.dma_semaphore, #tpu.memory_space<semaphore_mem>>) {add = true}
        %dma_wait3A_612 = arith.constant 0 : i32
        %dma_wait3A_613 = arith.constant 0 : i32
        %dma_wait3A_614 = tpu.memref_slice %arg8[%run_scoped3A_527, %dma_wait3A_612, %dma_wait3A_613] : memref<4x64x128xf32, #tpu.memory_space<vmem>> -> memref<1x64x128xf32, #tpu.memory_space<vmem>>
        %dma_wait3A_615 = tpu.memref_squeeze %dma_wait3A_614 : memref<1x64x128xf32, #tpu.memory_space<vmem>> -> memref<64x128xf32, #tpu.memory_space<vmem>>
        %dma_wait3A_616 = arith.constant 0 : i32
        %dma_wait3A_617 = tpu.memref_slice %arg7[%add3A_515, %dma_wait3A_616] : memref<40x64xi32, #tpu.memory_space<vmem>> -> memref<1x64xi32, #tpu.memory_space<vmem>>
        %dma_wait3A_618 = tpu.memref_squeeze %dma_wait3A_617 : memref<1x64xi32, #tpu.memory_space<vmem>> -> memref<64xi32, #tpu.memory_space<vmem>>
        %dma_wait3A_619 = arith.constant 0 : i32
        %dma_wait3A_620 = arith.constant 0 : i32
        %dma_wait3A_621 = tpu.memref_slice %arg10[%dma_wait3A_619, %dma_wait3A_620] : memref<10000x128xf32, #tpu.memory_space<vmem_shared>> -> memref<10000x128xf32, #tpu.memory_space<vmem_shared>>
        tpu.wait_indirect_dma semaphore(%run_scoped3A_601 : memref<!tpu.dma_semaphore, #tpu.memory_space<semaphore_mem>>) src(%dma_wait3A_615 : memref<64x128xf32, #tpu.memory_space<vmem>>) dst(%dma_wait3A_621 : memref<10000x128xf32, #tpu.memory_space<vmem_shared>>)
        tpu.yield
      }) : () -> ()
      %add3A_528 = arith.constant 1 : i32
      %add3A_529 = arith.addi %mul3A_484, %add3A_528 : i32
      %add3A_530 = arith.constant 4 : i32
      %add3A_531 = arith.addi %add3A_529, %add3A_530 : i32
      %dma_start3A_532 = arith.constant 1 : i32
      %dma_start3A_533 = arith.constant 0 : i32
      %dma_start3A_534 = arith.constant 0 : i32
      %dma_start3A_535 = tpu.memref_slice %arg8[%dma_start3A_532, %dma_start3A_533, %dma_start3A_534] : memref<4x64x128xf32, #tpu.memory_space<vmem>> -> memref<1x64x128xf32, #tpu.memory_space<vmem>>
      %dma_start3A_536 = tpu.memref_squeeze %dma_start3A_535 : memref<1x64x128xf32, #tpu.memory_space<vmem>> -> memref<64x128xf32, #tpu.memory_space<vmem>>
      %dma_start3A_537 = arith.constant 0 : i32
      %dma_start3A_538 = tpu.memref_slice %arg6[%add3A_531, %dma_start3A_537] : memref<40x64xi32, #tpu.memory_space<vmem>> -> memref<1x64xi32, #tpu.memory_space<vmem>>
      %dma_start3A_539 = tpu.memref_squeeze %dma_start3A_538 : memref<1x64xi32, #tpu.memory_space<vmem>> -> memref<64xi32, #tpu.memory_space<vmem>>
      %dma_start3A_540 = arith.constant 0 : i32
      %dma_start3A_541 = arith.constant 0 : i32
      %dma_start3A_542 = tpu.memref_slice %arg2[%dma_start3A_540, %dma_start3A_541] : memref<13840x128xf32, #tpu.memory_space<hbm>> -> memref<13840x128xf32, #tpu.memory_space<hbm>>
      tpu.enqueue_indirect_dma source(%dma_start3A_542 : memref<13840x128xf32, #tpu.memory_space<hbm>>) target(%dma_start3A_536 : memref<64x128xf32, #tpu.memory_space<vmem>>) offsets(%dma_start3A_539 : memref<64xi32, #tpu.memory_space<vmem>>) semaphore(%arg12 : memref<!tpu.dma_semaphore, #tpu.memory_space<semaphore_mem>>)
      %add3A_543 = arith.constant 2 : i32
      %add3A_544 = arith.addi %mul3A_484, %add3A_543 : i32
      %dma_wait3A_545 = arith.constant 2 : i32
      %dma_wait3A_546 = arith.constant 0 : i32
      %dma_wait3A_547 = arith.constant 0 : i32
      %dma_wait3A_548 = tpu.memref_slice %arg8[%dma_wait3A_545, %dma_wait3A_546, %dma_wait3A_547] : memref<4x64x128xf32, #tpu.memory_space<vmem>> -> memref<1x64x128xf32, #tpu.memory_space<vmem>>
      %dma_wait3A_549 = tpu.memref_squeeze %dma_wait3A_548 : memref<1x64x128xf32, #tpu.memory_space<vmem>> -> memref<64x128xf32, #tpu.memory_space<vmem>>
      %dma_wait3A_550 = arith.constant 0 : i32
      %dma_wait3A_551 = tpu.memref_slice %arg6[%add3A_544, %dma_wait3A_550] : memref<40x64xi32, #tpu.memory_space<vmem>> -> memref<1x64xi32, #tpu.memory_space<vmem>>
      %dma_wait3A_552 = tpu.memref_squeeze %dma_wait3A_551 : memref<1x64xi32, #tpu.memory_space<vmem>> -> memref<64xi32, #tpu.memory_space<vmem>>
      %dma_wait3A_553 = arith.constant 0 : i32
      %dma_wait3A_554 = arith.constant 0 : i32
      %dma_wait3A_555 = tpu.memref_slice %arg2[%dma_wait3A_553, %dma_wait3A_554] : memref<13840x128xf32, #tpu.memory_space<hbm>> -> memref<13840x128xf32, #tpu.memory_space<hbm>>
      tpu.wait_indirect_dma semaphore(%arg13 : memref<!tpu.dma_semaphore, #tpu.memory_space<semaphore_mem>>) src(%dma_wait3A_555 : memref<13840x128xf32, #tpu.memory_space<hbm>>) dst(%dma_wait3A_549 : memref<64x128xf32, #tpu.memory_space<vmem>>)
      %run_scoped3A_556 = arith.constant 2 : i32
      "tpu.region"() ({
        %run_scoped3A_601 = tpu.sem_alloc : memref<!tpu.dma_semaphore, #tpu.memory_space<semaphore_mem>>
        %dma_start3A_602 = arith.constant 0 : i32
        %dma_start3A_603 = arith.constant 0 : i32
        %dma_start3A_604 = tpu.memref_slice %arg8[%run_scoped3A_556, %dma_start3A_602, %dma_start3A_603] : memref<4x64x128xf32, #tpu.memory_space<vmem>> -> memref<1x64x128xf32, #tpu.memory_space<vmem>>
        %dma_start3A_605 = tpu.memref_squeeze %dma_start3A_604 : memref<1x64x128xf32, #tpu.memory_space<vmem>> -> memref<64x128xf32, #tpu.memory_space<vmem>>
        %dma_start3A_606 = arith.constant 0 : i32
        %dma_start3A_607 = tpu.memref_slice %arg7[%add3A_544, %dma_start3A_606] : memref<40x64xi32, #tpu.memory_space<vmem>> -> memref<1x64xi32, #tpu.memory_space<vmem>>
        %dma_start3A_608 = tpu.memref_squeeze %dma_start3A_607 : memref<1x64xi32, #tpu.memory_space<vmem>> -> memref<64xi32, #tpu.memory_space<vmem>>
        %dma_start3A_609 = arith.constant 0 : i32
        %dma_start3A_610 = arith.constant 0 : i32
        %dma_start3A_611 = tpu.memref_slice %arg10[%dma_start3A_609, %dma_start3A_610] : memref<10000x128xf32, #tpu.memory_space<vmem_shared>> -> memref<10000x128xf32, #tpu.memory_space<vmem_shared>>
        tpu.enqueue_indirect_dma source(%dma_start3A_605 : memref<64x128xf32, #tpu.memory_space<vmem>>) target(%dma_start3A_611 : memref<10000x128xf32, #tpu.memory_space<vmem_shared>>) offsets(%dma_start3A_608 : memref<64xi32, #tpu.memory_space<vmem>>) semaphore(%run_scoped3A_601 : memref<!tpu.dma_semaphore, #tpu.memory_space<semaphore_mem>>) {add = true}
        %dma_wait3A_612 = arith.constant 0 : i32
        %dma_wait3A_613 = arith.constant 0 : i32
        %dma_wait3A_614 = tpu.memref_slice %arg8[%run_scoped3A_556, %dma_wait3A_612, %dma_wait3A_613] : memref<4x64x128xf32, #tpu.memory_space<vmem>> -> memref<1x64x128xf32, #tpu.memory_space<vmem>>
        %dma_wait3A_615 = tpu.memref_squeeze %dma_wait3A_614 : memref<1x64x128xf32, #tpu.memory_space<vmem>> -> memref<64x128xf32, #tpu.memory_space<vmem>>
        %dma_wait3A_616 = arith.constant 0 : i32
        %dma_wait3A_617 = tpu.memref_slice %arg7[%add3A_544, %dma_wait3A_616] : memref<40x64xi32, #tpu.memory_space<vmem>> -> memref<1x64xi32, #tpu.memory_space<vmem>>
        %dma_wait3A_618 = tpu.memref_squeeze %dma_wait3A_617 : memref<1x64xi32, #tpu.memory_space<vmem>> -> memref<64xi32, #tpu.memory_space<vmem>>
        %dma_wait3A_619 = arith.constant 0 : i32
        %dma_wait3A_620 = arith.constant 0 : i32
        %dma_wait3A_621 = tpu.memref_slice %arg10[%dma_wait3A_619, %dma_wait3A_620] : memref<10000x128xf32, #tpu.memory_space<vmem_shared>> -> memref<10000x128xf32, #tpu.memory_space<vmem_shared>>
        tpu.wait_indirect_dma semaphore(%run_scoped3A_601 : memref<!tpu.dma_semaphore, #tpu.memory_space<semaphore_mem>>) src(%dma_wait3A_615 : memref<64x128xf32, #tpu.memory_space<vmem>>) dst(%dma_wait3A_621 : memref<10000x128xf32, #tpu.memory_space<vmem_shared>>)
        tpu.yield
      }) : () -> ()
      %add3A_557 = arith.constant 2 : i32
      %add3A_558 = arith.addi %mul3A_484, %add3A_557 : i32
      %add3A_559 = arith.constant 4 : i32
      %add3A_560 = arith.addi %add3A_558, %add3A_559 : i32
      %dma_start3A_561 = arith.constant 2 : i32
      %dma_start3A_562 = arith.constant 0 : i32
      %dma_start3A_563 = arith.constant 0 : i32
      %dma_start3A_564 = tpu.memref_slice %arg8[%dma_start3A_561, %dma_start3A_562, %dma_start3A_563] : memref<4x64x128xf32, #tpu.memory_space<vmem>> -> memref<1x64x128xf32, #tpu.memory_space<vmem>>
      %dma_start3A_565 = tpu.memref_squeeze %dma_start3A_564 : memref<1x64x128xf32, #tpu.memory_space<vmem>> -> memref<64x128xf32, #tpu.memory_space<vmem>>
      %dma_start3A_566 = arith.constant 0 : i32
      %dma_start3A_567 = tpu.memref_slice %arg6[%add3A_560, %dma_start3A_566] : memref<40x64xi32, #tpu.memory_space<vmem>> -> memref<1x64xi32, #tpu.memory_space<vmem>>
      %dma_start3A_568 = tpu.memref_squeeze %dma_start3A_567 : memref<1x64xi32, #tpu.memory_space<vmem>> -> memref<64xi32, #tpu.memory_space<vmem>>
      %dma_start3A_569 = arith.constant 0 : i32
      %dma_start3A_570 = arith.constant 0 : i32
      %dma_start3A_571 = tpu.memref_slice %arg2[%dma_start3A_569, %dma_start3A_570] : memref<13840x128xf32, #tpu.memory_space<hbm>> -> memref<13840x128xf32, #tpu.memory_space<hbm>>
      tpu.enqueue_indirect_dma source(%dma_start3A_571 : memref<13840x128xf32, #tpu.memory_space<hbm>>) target(%dma_start3A_565 : memref<64x128xf32, #tpu.memory_space<vmem>>) offsets(%dma_start3A_568 : memref<64xi32, #tpu.memory_space<vmem>>) semaphore(%arg13 : memref<!tpu.dma_semaphore, #tpu.memory_space<semaphore_mem>>)
      %add3A_572 = arith.constant 3 : i32
      %add3A_573 = arith.addi %mul3A_484, %add3A_572 : i32
      %dma_wait3A_574 = arith.constant 3 : i32
      %dma_wait3A_575 = arith.constant 0 : i32
      %dma_wait3A_576 = arith.constant 0 : i32
      %dma_wait3A_577 = tpu.memref_slice %arg8[%dma_wait3A_574, %dma_wait3A_575, %dma_wait3A_576] : memref<4x64x128xf32, #tpu.memory_space<vmem>> -> memref<1x64x128xf32, #tpu.memory_space<vmem>>
      %dma_wait3A_578 = tpu.memref_squeeze %dma_wait3A_577 : memref<1x64x128xf32, #tpu.memory_space<vmem>> -> memref<64x128xf32, #tpu.memory_space<vmem>>
      %dma_wait3A_579 = arith.constant 0 : i32
      %dma_wait3A_580 = tpu.memref_slice %arg6[%add3A_573, %dma_wait3A_579] : memref<40x64xi32, #tpu.memory_space<vmem>> -> memref<1x64xi32, #tpu.memory_space<vmem>>
      %dma_wait3A_581 = tpu.memref_squeeze %dma_wait3A_580 : memref<1x64xi32, #tpu.memory_space<vmem>> -> memref<64xi32, #tpu.memory_space<vmem>>
      %dma_wait3A_582 = arith.constant 0 : i32
      %dma_wait3A_583 = arith.constant 0 : i32
      %dma_wait3A_584 = tpu.memref_slice %arg2[%dma_wait3A_582, %dma_wait3A_583] : memref<13840x128xf32, #tpu.memory_space<hbm>> -> memref<13840x128xf32, #tpu.memory_space<hbm>>
      tpu.wait_indirect_dma semaphore(%arg14 : memref<!tpu.dma_semaphore, #tpu.memory_space<semaphore_mem>>) src(%dma_wait3A_584 : memref<13840x128xf32, #tpu.memory_space<hbm>>) dst(%dma_wait3A_578 : memref<64x128xf32, #tpu.memory_space<vmem>>)
      %run_scoped3A_585 = arith.constant 3 : i32
      "tpu.region"() ({
        %run_scoped3A_601 = tpu.sem_alloc : memref<!tpu.dma_semaphore, #tpu.memory_space<semaphore_mem>>
        %dma_start3A_602 = arith.constant 0 : i32
        %dma_start3A_603 = arith.constant 0 : i32
        %dma_start3A_604 = tpu.memref_slice %arg8[%run_scoped3A_585, %dma_start3A_602, %dma_start3A_603] : memref<4x64x128xf32, #tpu.memory_space<vmem>> -> memref<1x64x128xf32, #tpu.memory_space<vmem>>
        %dma_start3A_605 = tpu.memref_squeeze %dma_start3A_604 : memref<1x64x128xf32, #tpu.memory_space<vmem>> -> memref<64x128xf32, #tpu.memory_space<vmem>>
        %dma_start3A_606 = arith.constant 0 : i32
        %dma_start3A_607 = tpu.memref_slice %arg7[%add3A_573, %dma_start3A_606] : memref<40x64xi32, #tpu.memory_space<vmem>> -> memref<1x64xi32, #tpu.memory_space<vmem>>
        %dma_start3A_608 = tpu.memref_squeeze %dma_start3A_607 : memref<1x64xi32, #tpu.memory_space<vmem>> -> memref<64xi32, #tpu.memory_space<vmem>>
        %dma_start3A_609 = arith.constant 0 : i32
        %dma_start3A_610 = arith.constant 0 : i32
        %dma_start3A_611 = tpu.memref_slice %arg10[%dma_start3A_609, %dma_start3A_610] : memref<10000x128xf32, #tpu.memory_space<vmem_shared>> -> memref<10000x128xf32, #tpu.memory_space<vmem_shared>>
        tpu.enqueue_indirect_dma source(%dma_start3A_605 : memref<64x128xf32, #tpu.memory_space<vmem>>) target(%dma_start3A_611 : memref<10000x128xf32, #tpu.memory_space<vmem_shared>>) offsets(%dma_start3A_608 : memref<64xi32, #tpu.memory_space<vmem>>) semaphore(%run_scoped3A_601 : memref<!tpu.dma_semaphore, #tpu.memory_space<semaphore_mem>>) {add = true}
        %dma_wait3A_612 = arith.constant 0 : i32
        %dma_wait3A_613 = arith.constant 0 : i32
        %dma_wait3A_614 = tpu.memref_slice %arg8[%run_scoped3A_585, %dma_wait3A_612, %dma_wait3A_613] : memref<4x64x128xf32, #tpu.memory_space<vmem>> -> memref<1x64x128xf32, #tpu.memory_space<vmem>>
        %dma_wait3A_615 = tpu.memref_squeeze %dma_wait3A_614 : memref<1x64x128xf32, #tpu.memory_space<vmem>> -> memref<64x128xf32, #tpu.memory_space<vmem>>
        %dma_wait3A_616 = arith.constant 0 : i32
        %dma_wait3A_617 = tpu.memref_slice %arg7[%add3A_573, %dma_wait3A_616] : memref<40x64xi32, #tpu.memory_space<vmem>> -> memref<1x64xi32, #tpu.memory_space<vmem>>
        %dma_wait3A_618 = tpu.memref_squeeze %dma_wait3A_617 : memref<1x64xi32, #tpu.memory_space<vmem>> -> memref<64xi32, #tpu.memory_space<vmem>>
        %dma_wait3A_619 = arith.constant 0 : i32
        %dma_wait3A_620 = arith.constant 0 : i32
        %dma_wait3A_621 = tpu.memref_slice %arg10[%dma_wait3A_619, %dma_wait3A_620] : memref<10000x128xf32, #tpu.memory_space<vmem_shared>> -> memref<10000x128xf32, #tpu.memory_space<vmem_shared>>
        tpu.wait_indirect_dma semaphore(%run_scoped3A_601 : memref<!tpu.dma_semaphore, #tpu.memory_space<semaphore_mem>>) src(%dma_wait3A_615 : memref<64x128xf32, #tpu.memory_space<vmem>>) dst(%dma_wait3A_621 : memref<10000x128xf32, #tpu.memory_space<vmem_shared>>)
        tpu.yield
      }) : () -> ()
      %add3A_586 = arith.constant 3 : i32
      %add3A_587 = arith.addi %mul3A_484, %add3A_586 : i32
      %add3A_588 = arith.constant 4 : i32
      %add3A_589 = arith.addi %add3A_587, %add3A_588 : i32
      %dma_start3A_590 = arith.constant 3 : i32
      %dma_start3A_591 = arith.constant 0 : i32
      %dma_start3A_592 = arith.constant 0 : i32
      %dma_start3A_593 = tpu.memref_slice %arg8[%dma_start3A_590, %dma_start3A_591, %dma_start3A_592] : memref<4x64x128xf32, #tpu.memory_space<vmem>> -> memref<1x64x128xf32, #tpu.memory_space<vmem>>
      %dma_start3A_594 = tpu.memref_squeeze %dma_start3A_593 : memref<1x64x128xf32, #tpu.memory_space<vmem>> -> memref<64x128xf32, #tpu.memory_space<vmem>>
      %dma_start3A_595 = arith.constant 0 : i32
      %dma_start3A_596 = tpu.memref_slice %arg6[%add3A_589, %dma_start3A_595] : memref<40x64xi32, #tpu.memory_space<vmem>> -> memref<1x64xi32, #tpu.memory_space<vmem>>
      %dma_start3A_597 = tpu.memref_squeeze %dma_start3A_596 : memref<1x64xi32, #tpu.memory_space<vmem>> -> memref<64xi32, #tpu.memory_space<vmem>>
      %dma_start3A_598 = arith.constant 0 : i32
      %dma_start3A_599 = arith.constant 0 : i32
      %dma_start3A_600 = tpu.memref_slice %arg2[%dma_start3A_598, %dma_start3A_599] : memref<13840x128xf32, #tpu.memory_space<hbm>> -> memref<13840x128xf32, #tpu.memory_space<hbm>>
      tpu.enqueue_indirect_dma source(%dma_start3A_600 : memref<13840x128xf32, #tpu.memory_space<hbm>>) target(%dma_start3A_594 : memref<64x128xf32, #tpu.memory_space<vmem>>) offsets(%dma_start3A_597 : memref<64xi32, #tpu.memory_space<vmem>>) semaphore(%arg14 : memref<!tpu.dma_semaphore, #tpu.memory_space<semaphore_mem>>)
    }
    %scan3A_77 = arith.constant 9 : i32
    %dma_wait3A = arith.constant 36 : i32
    %dma_wait3A_78 = arith.constant 0 : i32
    %dma_wait3A_79 = arith.constant 0 : i32
    %dma_wait3A_80 = arith.constant 0 : i32
    %dma_wait3A_81 = tpu.memref_slice %arg8[%dma_wait3A_78, %dma_wait3A_79, %dma_wait3A_80] : memref<4x64x128xf32, #tpu.memory_space<vmem>> -> memref<1x64x128xf32, #tpu.memory_space<vmem>>
    %dma_wait3A_82 = tpu.memref_squeeze %dma_wait3A_81 : memref<1x64x128xf32, #tpu.memory_space<vmem>> -> memref<64x128xf32, #tpu.memory_space<vmem>>
    %dma_wait3A_83 = arith.constant 0 : i32
    %dma_wait3A_84 = tpu.memref_slice %arg6[%dma_wait3A, %dma_wait3A_83] : memref<40x64xi32, #tpu.memory_space<vmem>> -> memref<1x64xi32, #tpu.memory_space<vmem>>
    %dma_wait3A_85 = tpu.memref_squeeze %dma_wait3A_84 : memref<1x64xi32, #tpu.memory_space<vmem>> -> memref<64xi32, #tpu.memory_space<vmem>>
    %dma_wait3A_86 = arith.constant 0 : i32
    %dma_wait3A_87 = arith.constant 0 : i32
    %dma_wait3A_88 = tpu.memref_slice %arg2[%dma_wait3A_86, %dma_wait3A_87] : memref<13840x128xf32, #tpu.memory_space<hbm>> -> memref<13840x128xf32, #tpu.memory_space<hbm>>
    tpu.wait_indirect_dma semaphore(%arg11 : memref<!tpu.dma_semaphore, #tpu.memory_space<semaphore_mem>>) src(%dma_wait3A_88 : memref<13840x128xf32, #tpu.memory_space<hbm>>) dst(%dma_wait3A_82 : memref<64x128xf32, #tpu.memory_space<vmem>>)
    %run_scoped3A = arith.constant 0 : i32
    %run_scoped3A_89 = arith.constant 36 : i32
    "tpu.region"() ({
      %run_scoped3A_482 = tpu.sem_alloc : memref<!tpu.dma_semaphore, #tpu.memory_space<semaphore_mem>>
      %dma_start3A_483 = arith.constant 0 : i32
      %dma_start3A_484 = arith.constant 0 : i32
      %dma_start3A_485 = tpu.memref_slice %arg8[%run_scoped3A, %dma_start3A_483, %dma_start3A_484] : memref<4x64x128xf32, #tpu.memory_space<vmem>> -> memref<1x64x128xf32, #tpu.memory_space<vmem>>
      %dma_start3A_486 = tpu.memref_squeeze %dma_start3A_485 : memref<1x64x128xf32, #tpu.memory_space<vmem>> -> memref<64x128xf32, #tpu.memory_space<vmem>>
      %dma_start3A_487 = arith.constant 0 : i32
      %dma_start3A_488 = tpu.memref_slice %arg7[%run_scoped3A_89, %dma_start3A_487] : memref<40x64xi32, #tpu.memory_space<vmem>> -> memref<1x64xi32, #tpu.memory_space<vmem>>
      %dma_start3A_489 = tpu.memref_squeeze %dma_start3A_488 : memref<1x64xi32, #tpu.memory_space<vmem>> -> memref<64xi32, #tpu.memory_space<vmem>>
      %dma_start3A_490 = arith.constant 0 : i32
      %dma_start3A_491 = arith.constant 0 : i32
      %dma_start3A_492 = tpu.memref_slice %arg10[%dma_start3A_490, %dma_start3A_491] : memref<10000x128xf32, #tpu.memory_space<vmem_shared>> -> memref<10000x128xf32, #tpu.memory_space<vmem_shared>>
      tpu.enqueue_indirect_dma source(%dma_start3A_486 : memref<64x128xf32, #tpu.memory_space<vmem>>) target(%dma_start3A_492 : memref<10000x128xf32, #tpu.memory_space<vmem_shared>>) offsets(%dma_start3A_489 : memref<64xi32, #tpu.memory_space<vmem>>) semaphore(%run_scoped3A_482 : memref<!tpu.dma_semaphore, #tpu.memory_space<semaphore_mem>>) {add = true}
      %dma_wait3A_493 = arith.constant 0 : i32
      %dma_wait3A_494 = arith.constant 0 : i32
      %dma_wait3A_495 = tpu.memref_slice %arg8[%run_scoped3A, %dma_wait3A_493, %dma_wait3A_494] : memref<4x64x128xf32, #tpu.memory_space<vmem>> -> memref<1x64x128xf32, #tpu.memory_space<vmem>>
      %dma_wait3A_496 = tpu.memref_squeeze %dma_wait3A_495 : memref<1x64x128xf32, #tpu.memory_space<vmem>> -> memref<64x128xf32, #tpu.memory_space<vmem>>
      %dma_wait3A_497 = arith.constant 0 : i32
      %dma_wait3A_498 = tpu.memref_slice %arg7[%run_scoped3A_89, %dma_wait3A_497] : memref<40x64xi32, #tpu.memory_space<vmem>> -> memref<1x64xi32, #tpu.memory_space<vmem>>
      %dma_wait3A_499 = tpu.memref_squeeze %dma_wait3A_498 : memref<1x64xi32, #tpu.memory_space<vmem>> -> memref<64xi32, #tpu.memory_space<vmem>>
      %dma_wait3A_500 = arith.constant 0 : i32
      %dma_wait3A_501 = arith.constant 0 : i32
      %dma_wait3A_502 = tpu.memref_slice %arg10[%dma_wait3A_500, %dma_wait3A_501] : memref<10000x128xf32, #tpu.memory_space<vmem_shared>> -> memref<10000x128xf32, #tpu.memory_space<vmem_shared>>
      tpu.wait_indirect_dma semaphore(%run_scoped3A_482 : memref<!tpu.dma_semaphore, #tpu.memory_space<semaphore_mem>>) src(%dma_wait3A_496 : memref<64x128xf32, #tpu.memory_space<vmem>>) dst(%dma_wait3A_502 : memref<10000x128xf32, #tpu.memory_space<vmem_shared>>)
      tpu.yield
    }) : () -> ()
    %dma_wait3A_90 = arith.constant 37 : i32
    %dma_wait3A_91 = arith.constant 1 : i32
    %dma_wait3A_92 = arith.constant 0 : i32
    %dma_wait3A_93 = arith.constant 0 : i32
    %dma_wait3A_94 = tpu.memref_slice %arg8[%dma_wait3A_91, %dma_wait3A_92, %dma_wait3A_93] : memref<4x64x128xf32, #tpu.memory_space<vmem>> -> memref<1x64x128xf32, #tpu.memory_space<vmem>>
    %dma_wait3A_95 = tpu.memref_squeeze %dma_wait3A_94 : memref<1x64x128xf32, #tpu.memory_space<vmem>> -> memref<64x128xf32, #tpu.memory_space<vmem>>
    %dma_wait3A_96 = arith.constant 0 : i32
    %dma_wait3A_97 = tpu.memref_slice %arg6[%dma_wait3A_90, %dma_wait3A_96] : memref<40x64xi32, #tpu.memory_space<vmem>> -> memref<1x64xi32, #tpu.memory_space<vmem>>
    %dma_wait3A_98 = tpu.memref_squeeze %dma_wait3A_97 : memref<1x64xi32, #tpu.memory_space<vmem>> -> memref<64xi32, #tpu.memory_space<vmem>>
    %dma_wait3A_99 = arith.constant 0 : i32
    %dma_wait3A_100 = arith.constant 0 : i32
    %dma_wait3A_101 = tpu.memref_slice %arg2[%dma_wait3A_99, %dma_wait3A_100] : memref<13840x128xf32, #tpu.memory_space<hbm>> -> memref<13840x128xf32, #tpu.memory_space<hbm>>
    tpu.wait_indirect_dma semaphore(%arg12 : memref<!tpu.dma_semaphore, #tpu.memory_space<semaphore_mem>>) src(%dma_wait3A_101 : memref<13840x128xf32, #tpu.memory_space<hbm>>) dst(%dma_wait3A_95 : memref<64x128xf32, #tpu.memory_space<vmem>>)
    %run_scoped3A_102 = arith.constant 1 : i32
    %run_scoped3A_103 = arith.constant 37 : i32
    "tpu.region"() ({
      %run_scoped3A_482 = tpu.sem_alloc : memref<!tpu.dma_semaphore, #tpu.memory_space<semaphore_mem>>
      %dma_start3A_483 = arith.constant 0 : i32
      %dma_start3A_484 = arith.constant 0 : i32
      %dma_start3A_485 = tpu.memref_slice %arg8[%run_scoped3A_102, %dma_start3A_483, %dma_start3A_484] : memref<4x64x128xf32, #tpu.memory_space<vmem>> -> memref<1x64x128xf32, #tpu.memory_space<vmem>>
      %dma_start3A_486 = tpu.memref_squeeze %dma_start3A_485 : memref<1x64x128xf32, #tpu.memory_space<vmem>> -> memref<64x128xf32, #tpu.memory_space<vmem>>
      %dma_start3A_487 = arith.constant 0 : i32
      %dma_start3A_488 = tpu.memref_slice %arg7[%run_scoped3A_103, %dma_start3A_487] : memref<40x64xi32, #tpu.memory_space<vmem>> -> memref<1x64xi32, #tpu.memory_space<vmem>>
      %dma_start3A_489 = tpu.memref_squeeze %dma_start3A_488 : memref<1x64xi32, #tpu.memory_space<vmem>> -> memref<64xi32, #tpu.memory_space<vmem>>
      %dma_start3A_490 = arith.constant 0 : i32
      %dma_start3A_491 = arith.constant 0 : i32
      %dma_start3A_492 = tpu.memref_slice %arg10[%dma_start3A_490, %dma_start3A_491] : memref<10000x128xf32, #tpu.memory_space<vmem_shared>> -> memref<10000x128xf32, #tpu.memory_space<vmem_shared>>
      tpu.enqueue_indirect_dma source(%dma_start3A_486 : memref<64x128xf32, #tpu.memory_space<vmem>>) target(%dma_start3A_492 : memref<10000x128xf32, #tpu.memory_space<vmem_shared>>) offsets(%dma_start3A_489 : memref<64xi32, #tpu.memory_space<vmem>>) semaphore(%run_scoped3A_482 : memref<!tpu.dma_semaphore, #tpu.memory_space<semaphore_mem>>) {add = true}
      %dma_wait3A_493 = arith.constant 0 : i32
      %dma_wait3A_494 = arith.constant 0 : i32
      %dma_wait3A_495 = tpu.memref_slice %arg8[%run_scoped3A_102, %dma_wait3A_493, %dma_wait3A_494] : memref<4x64x128xf32, #tpu.memory_space<vmem>> -> memref<1x64x128xf32, #tpu.memory_space<vmem>>
      %dma_wait3A_496 = tpu.memref_squeeze %dma_wait3A_495 : memref<1x64x128xf32, #tpu.memory_space<vmem>> -> memref<64x128xf32, #tpu.memory_space<vmem>>
      %dma_wait3A_497 = arith.constant 0 : i32
      %dma_wait3A_498 = tpu.memref_slice %arg7[%run_scoped3A_103, %dma_wait3A_497] : memref<40x64xi32, #tpu.memory_space<vmem>> -> memref<1x64xi32, #tpu.memory_space<vmem>>
      %dma_wait3A_499 = tpu.memref_squeeze %dma_wait3A_498 : memref<1x64xi32, #tpu.memory_space<vmem>> -> memref<64xi32, #tpu.memory_space<vmem>>
      %dma_wait3A_500 = arith.constant 0 : i32
      %dma_wait3A_501 = arith.constant 0 : i32
      %dma_wait3A_502 = tpu.memref_slice %arg10[%dma_wait3A_500, %dma_wait3A_501] : memref<10000x128xf32, #tpu.memory_space<vmem_shared>> -> memref<10000x128xf32, #tpu.memory_space<vmem_shared>>
      tpu.wait_indirect_dma semaphore(%run_scoped3A_482 : memref<!tpu.dma_semaphore, #tpu.memory_space<semaphore_mem>>) src(%dma_wait3A_496 : memref<64x128xf32, #tpu.memory_space<vmem>>) dst(%dma_wait3A_502 : memref<10000x128xf32, #tpu.memory_space<vmem_shared>>)
      tpu.yield
    }) : () -> ()
    %dma_wait3A_104 = arith.constant 38 : i32
    %dma_wait3A_105 = arith.constant 2 : i32
    %dma_wait3A_106 = arith.constant 0 : i32
    %dma_wait3A_107 = arith.constant 0 : i32
    %dma_wait3A_108 = tpu.memref_slice %arg8[%dma_wait3A_105, %dma_wait3A_106, %dma_wait3A_107] : memref<4x64x128xf32, #tpu.memory_space<vmem>> -> memref<1x64x128xf32, #tpu.memory_space<vmem>>
    %dma_wait3A_109 = tpu.memref_squeeze %dma_wait3A_108 : memref<1x64x128xf32, #tpu.memory_space<vmem>> -> memref<64x128xf32, #tpu.memory_space<vmem>>
    %dma_wait3A_110 = arith.constant 0 : i32
    %dma_wait3A_111 = tpu.memref_slice %arg6[%dma_wait3A_104, %dma_wait3A_110] : memref<40x64xi32, #tpu.memory_space<vmem>> -> memref<1x64xi32, #tpu.memory_space<vmem>>
    %dma_wait3A_112 = tpu.memref_squeeze %dma_wait3A_111 : memref<1x64xi32, #tpu.memory_space<vmem>> -> memref<64xi32, #tpu.memory_space<vmem>>
    %dma_wait3A_113 = arith.constant 0 : i32
    %dma_wait3A_114 = arith.constant 0 : i32
    %dma_wait3A_115 = tpu.memref_slice %arg2[%dma_wait3A_113, %dma_wait3A_114] : memref<13840x128xf32, #tpu.memory_space<hbm>> -> memref<13840x128xf32, #tpu.memory_space<hbm>>
    tpu.wait_indirect_dma semaphore(%arg13 : memref<!tpu.dma_semaphore, #tpu.memory_space<semaphore_mem>>) src(%dma_wait3A_115 : memref<13840x128xf32, #tpu.memory_space<hbm>>) dst(%dma_wait3A_109 : memref<64x128xf32, #tpu.memory_space<vmem>>)
    %run_scoped3A_116 = arith.constant 2 : i32
    %run_scoped3A_117 = arith.constant 38 : i32
    "tpu.region"() ({
      %run_scoped3A_482 = tpu.sem_alloc : memref<!tpu.dma_semaphore, #tpu.memory_space<semaphore_mem>>
      %dma_start3A_483 = arith.constant 0 : i32
      %dma_start3A_484 = arith.constant 0 : i32
      %dma_start3A_485 = tpu.memref_slice %arg8[%run_scoped3A_116, %dma_start3A_483, %dma_start3A_484] : memref<4x64x128xf32, #tpu.memory_space<vmem>> -> memref<1x64x128xf32, #tpu.memory_space<vmem>>
      %dma_start3A_486 = tpu.memref_squeeze %dma_start3A_485 : memref<1x64x128xf32, #tpu.memory_space<vmem>> -> memref<64x128xf32, #tpu.memory_space<vmem>>
      %dma_start3A_487 = arith.constant 0 : i32
      %dma_start3A_488 = tpu.memref_slice %arg7[%run_scoped3A_117, %dma_start3A_487] : memref<40x64xi32, #tpu.memory_space<vmem>> -> memref<1x64xi32, #tpu.memory_space<vmem>>
      %dma_start3A_489 = tpu.memref_squeeze %dma_start3A_488 : memref<1x64xi32, #tpu.memory_space<vmem>> -> memref<64xi32, #tpu.memory_space<vmem>>
      %dma_start3A_490 = arith.constant 0 : i32
      %dma_start3A_491 = arith.constant 0 : i32
      %dma_start3A_492 = tpu.memref_slice %arg10[%dma_start3A_490, %dma_start3A_491] : memref<10000x128xf32, #tpu.memory_space<vmem_shared>> -> memref<10000x128xf32, #tpu.memory_space<vmem_shared>>
      tpu.enqueue_indirect_dma source(%dma_start3A_486 : memref<64x128xf32, #tpu.memory_space<vmem>>) target(%dma_start3A_492 : memref<10000x128xf32, #tpu.memory_space<vmem_shared>>) offsets(%dma_start3A_489 : memref<64xi32, #tpu.memory_space<vmem>>) semaphore(%run_scoped3A_482 : memref<!tpu.dma_semaphore, #tpu.memory_space<semaphore_mem>>) {add = true}
      %dma_wait3A_493 = arith.constant 0 : i32
      %dma_wait3A_494 = arith.constant 0 : i32
      %dma_wait3A_495 = tpu.memref_slice %arg8[%run_scoped3A_116, %dma_wait3A_493, %dma_wait3A_494] : memref<4x64x128xf32, #tpu.memory_space<vmem>> -> memref<1x64x128xf32, #tpu.memory_space<vmem>>
      %dma_wait3A_496 = tpu.memref_squeeze %dma_wait3A_495 : memref<1x64x128xf32, #tpu.memory_space<vmem>> -> memref<64x128xf32, #tpu.memory_space<vmem>>
      %dma_wait3A_497 = arith.constant 0 : i32
      %dma_wait3A_498 = tpu.memref_slice %arg7[%run_scoped3A_117, %dma_wait3A_497] : memref<40x64xi32, #tpu.memory_space<vmem>> -> memref<1x64xi32, #tpu.memory_space<vmem>>
      %dma_wait3A_499 = tpu.memref_squeeze %dma_wait3A_498 : memref<1x64xi32, #tpu.memory_space<vmem>> -> memref<64xi32, #tpu.memory_space<vmem>>
      %dma_wait3A_500 = arith.constant 0 : i32
      %dma_wait3A_501 = arith.constant 0 : i32
      %dma_wait3A_502 = tpu.memref_slice %arg10[%dma_wait3A_500, %dma_wait3A_501] : memref<10000x128xf32, #tpu.memory_space<vmem_shared>> -> memref<10000x128xf32, #tpu.memory_space<vmem_shared>>
      tpu.wait_indirect_dma semaphore(%run_scoped3A_482 : memref<!tpu.dma_semaphore, #tpu.memory_space<semaphore_mem>>) src(%dma_wait3A_496 : memref<64x128xf32, #tpu.memory_space<vmem>>) dst(%dma_wait3A_502 : memref<10000x128xf32, #tpu.memory_space<vmem_shared>>)
      tpu.yield
    }) : () -> ()
    %dma_wait3A_118 = arith.constant 39 : i32
    %dma_wait3A_119 = arith.constant 3 : i32
    %dma_wait3A_120 = arith.constant 0 : i32
    %dma_wait3A_121 = arith.constant 0 : i32
    %dma_wait3A_122 = tpu.memref_slice %arg8[%dma_wait3A_119, %dma_wait3A_120, %dma_wait3A_121] : memref<4x64x128xf32, #tpu.memory_space<vmem>> -> memref<1x64x128xf32, #tpu.memory_space<vmem>>
    %dma_wait3A_123 = tpu.memref_squeeze %dma_wait3A_122 : memref<1x64x128xf32, #tpu.memory_space<vmem>> -> memref<64x128xf32, #tpu.memory_space<vmem>>
    %dma_wait3A_124 = arith.constant 0 : i32
    %dma_wait3A_125 = tpu.memref_slice %arg6[%dma_wait3A_118, %dma_wait3A_124] : memref<40x64xi32, #tpu.memory_space<vmem>> -> memref<1x64xi32, #tpu.memory_space<vmem>>
    %dma_wait3A_126 = tpu.memref_squeeze %dma_wait3A_125 : memref<1x64xi32, #tpu.memory_space<vmem>> -> memref<64xi32, #tpu.memory_space<vmem>>
    %dma_wait3A_127 = arith.constant 0 : i32
    %dma_wait3A_128 = arith.constant 0 : i32
    %dma_wait3A_129 = tpu.memref_slice %arg2[%dma_wait3A_127, %dma_wait3A_128] : memref<13840x128xf32, #tpu.memory_space<hbm>> -> memref<13840x128xf32, #tpu.memory_space<hbm>>
    tpu.wait_indirect_dma semaphore(%arg14 : memref<!tpu.dma_semaphore, #tpu.memory_space<semaphore_mem>>) src(%dma_wait3A_129 : memref<13840x128xf32, #tpu.memory_space<hbm>>) dst(%dma_wait3A_123 : memref<64x128xf32, #tpu.memory_space<vmem>>)
    %run_scoped3A_130 = arith.constant 3 : i32
    %run_scoped3A_131 = arith.constant 39 : i32
    "tpu.region"() ({
      %run_scoped3A_482 = tpu.sem_alloc : memref<!tpu.dma_semaphore, #tpu.memory_space<semaphore_mem>>
      %dma_start3A_483 = arith.constant 0 : i32
      %dma_start3A_484 = arith.constant 0 : i32
      %dma_start3A_485 = tpu.memref_slice %arg8[%run_scoped3A_130, %dma_start3A_483, %dma_start3A_484] : memref<4x64x128xf32, #tpu.memory_space<vmem>> -> memref<1x64x128xf32, #tpu.memory_space<vmem>>
      %dma_start3A_486 = tpu.memref_squeeze %dma_start3A_485 : memref<1x64x128xf32, #tpu.memory_space<vmem>> -> memref<64x128xf32, #tpu.memory_space<vmem>>
      %dma_start3A_487 = arith.constant 0 : i32
      %dma_start3A_488 = tpu.memref_slice %arg7[%run_scoped3A_131, %dma_start3A_487] : memref<40x64xi32, #tpu.memory_space<vmem>> -> memref<1x64xi32, #tpu.memory_space<vmem>>
      %dma_start3A_489 = tpu.memref_squeeze %dma_start3A_488 : memref<1x64xi32, #tpu.memory_space<vmem>> -> memref<64xi32, #tpu.memory_space<vmem>>
      %dma_start3A_490 = arith.constant 0 : i32
      %dma_start3A_491 = arith.constant 0 : i32
      %dma_start3A_492 = tpu.memref_slice %arg10[%dma_start3A_490, %dma_start3A_491] : memref<10000x128xf32, #tpu.memory_space<vmem_shared>> -> memref<10000x128xf32, #tpu.memory_space<vmem_shared>>
      tpu.enqueue_indirect_dma source(%dma_start3A_486 : memref<64x128xf32, #tpu.memory_space<vmem>>) target(%dma_start3A_492 : memref<10000x128xf32, #tpu.memory_space<vmem_shared>>) offsets(%dma_start3A_489 : memref<64xi32, #tpu.memory_space<vmem>>) semaphore(%run_scoped3A_482 : memref<!tpu.dma_semaphore, #tpu.memory_space<semaphore_mem>>) {add = true}
      %dma_wait3A_493 = arith.constant 0 : i32
      %dma_wait3A_494 = arith.constant 0 : i32
      %dma_wait3A_495 = tpu.memref_slice %arg8[%run_scoped3A_130, %dma_wait3A_493, %dma_wait3A_494] : memref<4x64x128xf32, #tpu.memory_space<vmem>> -> memref<1x64x128xf32, #tpu.memory_space<vmem>>
      %dma_wait3A_496 = tpu.memref_squeeze %dma_wait3A_495 : memref<1x64x128xf32, #tpu.memory_space<vmem>> -> memref<64x128xf32, #tpu.memory_space<vmem>>
      %dma_wait3A_497 = arith.constant 0 : i32
      %dma_wait3A_498 = tpu.memref_slice %arg7[%run_scoped3A_131, %dma_wait3A_497] : memref<40x64xi32, #tpu.memory_space<vmem>> -> memref<1x64xi32, #tpu.memory_space<vmem>>
      %dma_wait3A_499 = tpu.memref_squeeze %dma_wait3A_498 : memref<1x64xi32, #tpu.memory_space<vmem>> -> memref<64xi32, #tpu.memory_space<vmem>>
      %dma_wait3A_500 = arith.constant 0 : i32
      %dma_wait3A_501 = arith.constant 0 : i32
      %dma_wait3A_502 = tpu.memref_slice %arg10[%dma_wait3A_500, %dma_wait3A_501] : memref<10000x128xf32, #tpu.memory_space<vmem_shared>> -> memref<10000x128xf32, #tpu.memory_space<vmem_shared>>
      tpu.wait_indirect_dma semaphore(%run_scoped3A_482 : memref<!tpu.dma_semaphore, #tpu.memory_space<semaphore_mem>>) src(%dma_wait3A_496 : memref<64x128xf32, #tpu.memory_space<vmem>>) dst(%dma_wait3A_502 : memref<10000x128xf32, #tpu.memory_space<vmem_shared>>)
      tpu.yield
    }) : () -> ()
    %mul3A_132 = arith.constant 160 : i32
    %mul3A_133 = arith.muli %add3A, %mul3A_132 : i32
    %add3A_134 = arith.constant 40 : i32
    %add3A_135 = arith.addi %mul3A_133, %add3A_134 : i32
    "tpu.region"() ({
      %run_scoped3A_482 = tpu.sem_alloc : memref<!tpu.dma_semaphore, #tpu.memory_space<semaphore_mem>>
      %dma_start3A_483 = arith.constant 0 : i32
      %dma_start3A_484 = tpu.memref_slice %arg3[%add3A_135, %dma_start3A_483] : memref<5120x64xi32, #tpu.memory_space<hbm>> -> memref<40x64xi32, #tpu.memory_space<hbm>>
      %dma_start3A_485 = arith.constant 0 : i32
      %dma_start3A_486 = tpu.memref_slice %arg3[%add3A_135, %dma_start3A_485] : memref<5120x64xi32, #tpu.memory_space<hbm>> -> memref<40x64xi32, #tpu.memory_space<hbm>>
      tpu.enqueue_dma source(%dma_start3A_486 : memref<40x64xi32, #tpu.memory_space<hbm>>) target(%arg6 : memref<40x64xi32, #tpu.memory_space<vmem>>) target_semaphore(%run_scoped3A_482 : memref<!tpu.dma_semaphore, #tpu.memory_space<semaphore_mem>>)
      %dma_wait3A_487 = arith.constant 0 : i32
      %dma_wait3A_488 = tpu.memref_slice %arg3[%add3A_135, %dma_wait3A_487] : memref<5120x64xi32, #tpu.memory_space<hbm>> -> memref<40x64xi32, #tpu.memory_space<hbm>>
      %dma_wait3A_489 = arith.constant 0 : i32
      %dma_wait3A_490 = tpu.memref_slice %arg3[%add3A_135, %dma_wait3A_489] : memref<5120x64xi32, #tpu.memory_space<hbm>> -> memref<40x64xi32, #tpu.memory_space<hbm>>
      tpu.wait_dma2 semaphore(%run_scoped3A_482 : memref<!tpu.dma_semaphore, #tpu.memory_space<semaphore_mem>>) src(%dma_wait3A_490 : memref<40x64xi32, #tpu.memory_space<hbm>>) dst(%arg6 : memref<40x64xi32, #tpu.memory_space<vmem>>)
      tpu.yield
    }) : () -> ()
    "tpu.region"() ({
      %run_scoped3A_482 = tpu.sem_alloc : memref<!tpu.dma_semaphore, #tpu.memory_space<semaphore_mem>>
      %dma_start3A_483 = arith.constant 0 : i32
      %dma_start3A_484 = tpu.memref_slice %arg4[%add3A_135, %dma_start3A_483] : memref<5120x64xi32, #tpu.memory_space<hbm>> -> memref<40x64xi32, #tpu.memory_space<hbm>>
      %dma_start3A_485 = arith.constant 0 : i32
      %dma_start3A_486 = tpu.memref_slice %arg4[%add3A_135, %dma_start3A_485] : memref<5120x64xi32, #tpu.memory_space<hbm>> -> memref<40x64xi32, #tpu.memory_space<hbm>>
      tpu.enqueue_dma source(%dma_start3A_486 : memref<40x64xi32, #tpu.memory_space<hbm>>) target(%arg7 : memref<40x64xi32, #tpu.memory_space<vmem>>) target_semaphore(%run_scoped3A_482 : memref<!tpu.dma_semaphore, #tpu.memory_space<semaphore_mem>>)
      %dma_wait3A_487 = arith.constant 0 : i32
      %dma_wait3A_488 = tpu.memref_slice %arg4[%add3A_135, %dma_wait3A_487] : memref<5120x64xi32, #tpu.memory_space<hbm>> -> memref<40x64xi32, #tpu.memory_space<hbm>>
      %dma_wait3A_489 = arith.constant 0 : i32
      %dma_wait3A_490 = tpu.memref_slice %arg4[%add3A_135, %dma_wait3A_489] : memref<5120x64xi32, #tpu.memory_space<hbm>> -> memref<40x64xi32, #tpu.memory_space<hbm>>
      tpu.wait_dma2 semaphore(%run_scoped3A_482 : memref<!tpu.dma_semaphore, #tpu.memory_space<semaphore_mem>>) src(%dma_wait3A_490 : memref<40x64xi32, #tpu.memory_space<hbm>>) dst(%arg7 : memref<40x64xi32, #tpu.memory_space<vmem>>)
      tpu.yield
    }) : () -> ()
    %dma_start3A_136 = arith.constant 0 : i32
    %dma_start3A_137 = arith.constant 0 : i32
    %dma_start3A_138 = arith.constant 0 : i32
    %dma_start3A_139 = arith.constant 0 : i32
    %dma_start3A_140 = tpu.memref_slice %arg8[%dma_start3A_137, %dma_start3A_138, %dma_start3A_139] : memref<4x64x128xf32, #tpu.memory_space<vmem>> -> memref<1x64x128xf32, #tpu.memory_space<vmem>>
    %dma_start3A_141 = tpu.memref_squeeze %dma_start3A_140 : memref<1x64x128xf32, #tpu.memory_space<vmem>> -> memref<64x128xf32, #tpu.memory_space<vmem>>
    %dma_start3A_142 = arith.constant 0 : i32
    %dma_start3A_143 = tpu.memref_slice %arg6[%dma_start3A_136, %dma_start3A_142] : memref<40x64xi32, #tpu.memory_space<vmem>> -> memref<1x64xi32, #tpu.memory_space<vmem>>
    %dma_start3A_144 = tpu.memref_squeeze %dma_start3A_143 : memref<1x64xi32, #tpu.memory_space<vmem>> -> memref<64xi32, #tpu.memory_space<vmem>>
    %dma_start3A_145 = arith.constant 0 : i32
    %dma_start3A_146 = arith.constant 0 : i32
    %dma_start3A_147 = tpu.memref_slice %arg2[%dma_start3A_145, %dma_start3A_146] : memref<13840x128xf32, #tpu.memory_space<hbm>> -> memref<13840x128xf32, #tpu.memory_space<hbm>>
    tpu.enqueue_indirect_dma source(%dma_start3A_147 : memref<13840x128xf32, #tpu.memory_space<hbm>>) target(%dma_start3A_141 : memref<64x128xf32, #tpu.memory_space<vmem>>) offsets(%dma_start3A_144 : memref<64xi32, #tpu.memory_space<vmem>>) semaphore(%arg11 : memref<!tpu.dma_semaphore, #tpu.memory_space<semaphore_mem>>)
    %dma_start3A_148 = arith.constant 1 : i32
    %dma_start3A_149 = arith.constant 1 : i32
    %dma_start3A_150 = arith.constant 0 : i32
    %dma_start3A_151 = arith.constant 0 : i32
    %dma_start3A_152 = tpu.memref_slice %arg8[%dma_start3A_149, %dma_start3A_150, %dma_start3A_151] : memref<4x64x128xf32, #tpu.memory_space<vmem>> -> memref<1x64x128xf32, #tpu.memory_space<vmem>>
    %dma_start3A_153 = tpu.memref_squeeze %dma_start3A_152 : memref<1x64x128xf32, #tpu.memory_space<vmem>> -> memref<64x128xf32, #tpu.memory_space<vmem>>
    %dma_start3A_154 = arith.constant 0 : i32
    %dma_start3A_155 = tpu.memref_slice %arg6[%dma_start3A_148, %dma_start3A_154] : memref<40x64xi32, #tpu.memory_space<vmem>> -> memref<1x64xi32, #tpu.memory_space<vmem>>
    %dma_start3A_156 = tpu.memref_squeeze %dma_start3A_155 : memref<1x64xi32, #tpu.memory_space<vmem>> -> memref<64xi32, #tpu.memory_space<vmem>>
    %dma_start3A_157 = arith.constant 0 : i32
    %dma_start3A_158 = arith.constant 0 : i32
    %dma_start3A_159 = tpu.memref_slice %arg2[%dma_start3A_157, %dma_start3A_158] : memref<13840x128xf32, #tpu.memory_space<hbm>> -> memref<13840x128xf32, #tpu.memory_space<hbm>>
    tpu.enqueue_indirect_dma source(%dma_start3A_159 : memref<13840x128xf32, #tpu.memory_space<hbm>>) target(%dma_start3A_153 : memref<64x128xf32, #tpu.memory_space<vmem>>) offsets(%dma_start3A_156 : memref<64xi32, #tpu.memory_space<vmem>>) semaphore(%arg12 : memref<!tpu.dma_semaphore, #tpu.memory_space<semaphore_mem>>)
    %dma_start3A_160 = arith.constant 2 : i32
    %dma_start3A_161 = arith.constant 2 : i32
    %dma_start3A_162 = arith.constant 0 : i32
    %dma_start3A_163 = arith.constant 0 : i32
    %dma_start3A_164 = tpu.memref_slice %arg8[%dma_start3A_161, %dma_start3A_162, %dma_start3A_163] : memref<4x64x128xf32, #tpu.memory_space<vmem>> -> memref<1x64x128xf32, #tpu.memory_space<vmem>>
    %dma_start3A_165 = tpu.memref_squeeze %dma_start3A_164 : memref<1x64x128xf32, #tpu.memory_space<vmem>> -> memref<64x128xf32, #tpu.memory_space<vmem>>
    %dma_start3A_166 = arith.constant 0 : i32
    %dma_start3A_167 = tpu.memref_slice %arg6[%dma_start3A_160, %dma_start3A_166] : memref<40x64xi32, #tpu.memory_space<vmem>> -> memref<1x64xi32, #tpu.memory_space<vmem>>
    %dma_start3A_168 = tpu.memref_squeeze %dma_start3A_167 : memref<1x64xi32, #tpu.memory_space<vmem>> -> memref<64xi32, #tpu.memory_space<vmem>>
    %dma_start3A_169 = arith.constant 0 : i32
    %dma_start3A_170 = arith.constant 0 : i32
    %dma_start3A_171 = tpu.memref_slice %arg2[%dma_start3A_169, %dma_start3A_170] : memref<13840x128xf32, #tpu.memory_space<hbm>> -> memref<13840x128xf32, #tpu.memory_space<hbm>>
    tpu.enqueue_indirect_dma source(%dma_start3A_171 : memref<13840x128xf32, #tpu.memory_space<hbm>>) target(%dma_start3A_165 : memref<64x128xf32, #tpu.memory_space<vmem>>) offsets(%dma_start3A_168 : memref<64xi32, #tpu.memory_space<vmem>>) semaphore(%arg13 : memref<!tpu.dma_semaphore, #tpu.memory_space<semaphore_mem>>)
    %dma_start3A_172 = arith.constant 3 : i32
    %dma_start3A_173 = arith.constant 3 : i32
    %dma_start3A_174 = arith.constant 0 : i32
    %dma_start3A_175 = arith.constant 0 : i32
    %dma_start3A_176 = tpu.memref_slice %arg8[%dma_start3A_173, %dma_start3A_174, %dma_start3A_175] : memref<4x64x128xf32, #tpu.memory_space<vmem>> -> memref<1x64x128xf32, #tpu.memory_space<vmem>>
    %dma_start3A_177 = tpu.memref_squeeze %dma_start3A_176 : memref<1x64x128xf32, #tpu.memory_space<vmem>> -> memref<64x128xf32, #tpu.memory_space<vmem>>
    %dma_start3A_178 = arith.constant 0 : i32
    %dma_start3A_179 = tpu.memref_slice %arg6[%dma_start3A_172, %dma_start3A_178] : memref<40x64xi32, #tpu.memory_space<vmem>> -> memref<1x64xi32, #tpu.memory_space<vmem>>
    %dma_start3A_180 = tpu.memref_squeeze %dma_start3A_179 : memref<1x64xi32, #tpu.memory_space<vmem>> -> memref<64xi32, #tpu.memory_space<vmem>>
    %dma_start3A_181 = arith.constant 0 : i32
    %dma_start3A_182 = arith.constant 0 : i32
    %dma_start3A_183 = tpu.memref_slice %arg2[%dma_start3A_181, %dma_start3A_182] : memref<13840x128xf32, #tpu.memory_space<hbm>> -> memref<13840x128xf32, #tpu.memory_space<hbm>>
    tpu.enqueue_indirect_dma source(%dma_start3A_183 : memref<13840x128xf32, #tpu.memory_space<hbm>>) target(%dma_start3A_177 : memref<64x128xf32, #tpu.memory_space<vmem>>) offsets(%dma_start3A_180 : memref<64xi32, #tpu.memory_space<vmem>>) semaphore(%arg14 : memref<!tpu.dma_semaphore, #tpu.memory_space<semaphore_mem>>)
    %scan3A_184 = arith.constant 0 : i32
    %scan3A_185 = arith.constant 0 : i32
    %scan3A_186 = arith.constant 9 : i32
    %scan3A_187 = arith.addi %scan3A_185, %scan3A_186 : i32
    %scan3A_188 = arith.constant 1 : i32
    scf.for %scan3A_482 = %scan3A_185 to %scan3A_187 step %scan3A_188  : i32 {
      %mul3A_483 = arith.constant 4 : i32
      %mul3A_484 = arith.muli %scan3A_482, %mul3A_483 : i32
      %add3A_485 = arith.constant 0 : i32
      %add3A_486 = arith.addi %mul3A_484, %add3A_485 : i32
      %dma_wait3A_487 = arith.constant 0 : i32
      %dma_wait3A_488 = arith.constant 0 : i32
      %dma_wait3A_489 = arith.constant 0 : i32
      %dma_wait3A_490 = tpu.memref_slice %arg8[%dma_wait3A_487, %dma_wait3A_488, %dma_wait3A_489] : memref<4x64x128xf32, #tpu.memory_space<vmem>> -> memref<1x64x128xf32, #tpu.memory_space<vmem>>
      %dma_wait3A_491 = tpu.memref_squeeze %dma_wait3A_490 : memref<1x64x128xf32, #tpu.memory_space<vmem>> -> memref<64x128xf32, #tpu.memory_space<vmem>>
      %dma_wait3A_492 = arith.constant 0 : i32
      %dma_wait3A_493 = tpu.memref_slice %arg6[%add3A_486, %dma_wait3A_492] : memref<40x64xi32, #tpu.memory_space<vmem>> -> memref<1x64xi32, #tpu.memory_space<vmem>>
      %dma_wait3A_494 = tpu.memref_squeeze %dma_wait3A_493 : memref<1x64xi32, #tpu.memory_space<vmem>> -> memref<64xi32, #tpu.memory_space<vmem>>
      %dma_wait3A_495 = arith.constant 0 : i32
      %dma_wait3A_496 = arith.constant 0 : i32
      %dma_wait3A_497 = tpu.memref_slice %arg2[%dma_wait3A_495, %dma_wait3A_496] : memref<13840x128xf32, #tpu.memory_space<hbm>> -> memref<13840x128xf32, #tpu.memory_space<hbm>>
      tpu.wait_indirect_dma semaphore(%arg11 : memref<!tpu.dma_semaphore, #tpu.memory_space<semaphore_mem>>) src(%dma_wait3A_497 : memref<13840x128xf32, #tpu.memory_space<hbm>>) dst(%dma_wait3A_491 : memref<64x128xf32, #tpu.memory_space<vmem>>)
      %run_scoped3A_498 = arith.constant 0 : i32
      "tpu.region"() ({
        %run_scoped3A_601 = tpu.sem_alloc : memref<!tpu.dma_semaphore, #tpu.memory_space<semaphore_mem>>
        %dma_start3A_602 = arith.constant 0 : i32
        %dma_start3A_603 = arith.constant 0 : i32
        %dma_start3A_604 = tpu.memref_slice %arg8[%run_scoped3A_498, %dma_start3A_602, %dma_start3A_603] : memref<4x64x128xf32, #tpu.memory_space<vmem>> -> memref<1x64x128xf32, #tpu.memory_space<vmem>>
        %dma_start3A_605 = tpu.memref_squeeze %dma_start3A_604 : memref<1x64x128xf32, #tpu.memory_space<vmem>> -> memref<64x128xf32, #tpu.memory_space<vmem>>
        %dma_start3A_606 = arith.constant 0 : i32
        %dma_start3A_607 = tpu.memref_slice %arg7[%add3A_486, %dma_start3A_606] : memref<40x64xi32, #tpu.memory_space<vmem>> -> memref<1x64xi32, #tpu.memory_space<vmem>>
        %dma_start3A_608 = tpu.memref_squeeze %dma_start3A_607 : memref<1x64xi32, #tpu.memory_space<vmem>> -> memref<64xi32, #tpu.memory_space<vmem>>
        %dma_start3A_609 = arith.constant 0 : i32
        %dma_start3A_610 = arith.constant 0 : i32
        %dma_start3A_611 = tpu.memref_slice %arg10[%dma_start3A_609, %dma_start3A_610] : memref<10000x128xf32, #tpu.memory_space<vmem_shared>> -> memref<10000x128xf32, #tpu.memory_space<vmem_shared>>
        tpu.enqueue_indirect_dma source(%dma_start3A_605 : memref<64x128xf32, #tpu.memory_space<vmem>>) target(%dma_start3A_611 : memref<10000x128xf32, #tpu.memory_space<vmem_shared>>) offsets(%dma_start3A_608 : memref<64xi32, #tpu.memory_space<vmem>>) semaphore(%run_scoped3A_601 : memref<!tpu.dma_semaphore, #tpu.memory_space<semaphore_mem>>) {add = true}
        %dma_wait3A_612 = arith.constant 0 : i32
        %dma_wait3A_613 = arith.constant 0 : i32
        %dma_wait3A_614 = tpu.memref_slice %arg8[%run_scoped3A_498, %dma_wait3A_612, %dma_wait3A_613] : memref<4x64x128xf32, #tpu.memory_space<vmem>> -> memref<1x64x128xf32, #tpu.memory_space<vmem>>
        %dma_wait3A_615 = tpu.memref_squeeze %dma_wait3A_614 : memref<1x64x128xf32, #tpu.memory_space<vmem>> -> memref<64x128xf32, #tpu.memory_space<vmem>>
        %dma_wait3A_616 = arith.constant 0 : i32
        %dma_wait3A_617 = tpu.memref_slice %arg7[%add3A_486, %dma_wait3A_616] : memref<40x64xi32, #tpu.memory_space<vmem>> -> memref<1x64xi32, #tpu.memory_space<vmem>>
        %dma_wait3A_618 = tpu.memref_squeeze %dma_wait3A_617 : memref<1x64xi32, #tpu.memory_space<vmem>> -> memref<64xi32, #tpu.memory_space<vmem>>
        %dma_wait3A_619 = arith.constant 0 : i32
        %dma_wait3A_620 = arith.constant 0 : i32
        %dma_wait3A_621 = tpu.memref_slice %arg10[%dma_wait3A_619, %dma_wait3A_620] : memref<10000x128xf32, #tpu.memory_space<vmem_shared>> -> memref<10000x128xf32, #tpu.memory_space<vmem_shared>>
        tpu.wait_indirect_dma semaphore(%run_scoped3A_601 : memref<!tpu.dma_semaphore, #tpu.memory_space<semaphore_mem>>) src(%dma_wait3A_615 : memref<64x128xf32, #tpu.memory_space<vmem>>) dst(%dma_wait3A_621 : memref<10000x128xf32, #tpu.memory_space<vmem_shared>>)
        tpu.yield
      }) : () -> ()
      %add3A_499 = arith.constant 0 : i32
      %add3A_500 = arith.addi %mul3A_484, %add3A_499 : i32
      %add3A_501 = arith.constant 4 : i32
      %add3A_502 = arith.addi %add3A_500, %add3A_501 : i32
      %dma_start3A_503 = arith.constant 0 : i32
      %dma_start3A_504 = arith.constant 0 : i32
      %dma_start3A_505 = arith.constant 0 : i32
      %dma_start3A_506 = tpu.memref_slice %arg8[%dma_start3A_503, %dma_start3A_504, %dma_start3A_505] : memref<4x64x128xf32, #tpu.memory_space<vmem>> -> memref<1x64x128xf32, #tpu.memory_space<vmem>>
      %dma_start3A_507 = tpu.memref_squeeze %dma_start3A_506 : memref<1x64x128xf32, #tpu.memory_space<vmem>> -> memref<64x128xf32, #tpu.memory_space<vmem>>
      %dma_start3A_508 = arith.constant 0 : i32
      %dma_start3A_509 = tpu.memref_slice %arg6[%add3A_502, %dma_start3A_508] : memref<40x64xi32, #tpu.memory_space<vmem>> -> memref<1x64xi32, #tpu.memory_space<vmem>>
      %dma_start3A_510 = tpu.memref_squeeze %dma_start3A_509 : memref<1x64xi32, #tpu.memory_space<vmem>> -> memref<64xi32, #tpu.memory_space<vmem>>
      %dma_start3A_511 = arith.constant 0 : i32
      %dma_start3A_512 = arith.constant 0 : i32
      %dma_start3A_513 = tpu.memref_slice %arg2[%dma_start3A_511, %dma_start3A_512] : memref<13840x128xf32, #tpu.memory_space<hbm>> -> memref<13840x128xf32, #tpu.memory_space<hbm>>
      tpu.enqueue_indirect_dma source(%dma_start3A_513 : memref<13840x128xf32, #tpu.memory_space<hbm>>) target(%dma_start3A_507 : memref<64x128xf32, #tpu.memory_space<vmem>>) offsets(%dma_start3A_510 : memref<64xi32, #tpu.memory_space<vmem>>) semaphore(%arg11 : memref<!tpu.dma_semaphore, #tpu.memory_space<semaphore_mem>>)
      %add3A_514 = arith.constant 1 : i32
      %add3A_515 = arith.addi %mul3A_484, %add3A_514 : i32
      %dma_wait3A_516 = arith.constant 1 : i32
      %dma_wait3A_517 = arith.constant 0 : i32
      %dma_wait3A_518 = arith.constant 0 : i32
      %dma_wait3A_519 = tpu.memref_slice %arg8[%dma_wait3A_516, %dma_wait3A_517, %dma_wait3A_518] : memref<4x64x128xf32, #tpu.memory_space<vmem>> -> memref<1x64x128xf32, #tpu.memory_space<vmem>>
      %dma_wait3A_520 = tpu.memref_squeeze %dma_wait3A_519 : memref<1x64x128xf32, #tpu.memory_space<vmem>> -> memref<64x128xf32, #tpu.memory_space<vmem>>
      %dma_wait3A_521 = arith.constant 0 : i32
      %dma_wait3A_522 = tpu.memref_slice %arg6[%add3A_515, %dma_wait3A_521] : memref<40x64xi32, #tpu.memory_space<vmem>> -> memref<1x64xi32, #tpu.memory_space<vmem>>
      %dma_wait3A_523 = tpu.memref_squeeze %dma_wait3A_522 : memref<1x64xi32, #tpu.memory_space<vmem>> -> memref<64xi32, #tpu.memory_space<vmem>>
      %dma_wait3A_524 = arith.constant 0 : i32
      %dma_wait3A_525 = arith.constant 0 : i32
      %dma_wait3A_526 = tpu.memref_slice %arg2[%dma_wait3A_524, %dma_wait3A_525] : memref<13840x128xf32, #tpu.memory_space<hbm>> -> memref<13840x128xf32, #tpu.memory_space<hbm>>
      tpu.wait_indirect_dma semaphore(%arg12 : memref<!tpu.dma_semaphore, #tpu.memory_space<semaphore_mem>>) src(%dma_wait3A_526 : memref<13840x128xf32, #tpu.memory_space<hbm>>) dst(%dma_wait3A_520 : memref<64x128xf32, #tpu.memory_space<vmem>>)
      %run_scoped3A_527 = arith.constant 1 : i32
      "tpu.region"() ({
        %run_scoped3A_601 = tpu.sem_alloc : memref<!tpu.dma_semaphore, #tpu.memory_space<semaphore_mem>>
        %dma_start3A_602 = arith.constant 0 : i32
        %dma_start3A_603 = arith.constant 0 : i32
        %dma_start3A_604 = tpu.memref_slice %arg8[%run_scoped3A_527, %dma_start3A_602, %dma_start3A_603] : memref<4x64x128xf32, #tpu.memory_space<vmem>> -> memref<1x64x128xf32, #tpu.memory_space<vmem>>
        %dma_start3A_605 = tpu.memref_squeeze %dma_start3A_604 : memref<1x64x128xf32, #tpu.memory_space<vmem>> -> memref<64x128xf32, #tpu.memory_space<vmem>>
        %dma_start3A_606 = arith.constant 0 : i32
        %dma_start3A_607 = tpu.memref_slice %arg7[%add3A_515, %dma_start3A_606] : memref<40x64xi32, #tpu.memory_space<vmem>> -> memref<1x64xi32, #tpu.memory_space<vmem>>
        %dma_start3A_608 = tpu.memref_squeeze %dma_start3A_607 : memref<1x64xi32, #tpu.memory_space<vmem>> -> memref<64xi32, #tpu.memory_space<vmem>>
        %dma_start3A_609 = arith.constant 0 : i32
        %dma_start3A_610 = arith.constant 0 : i32
        %dma_start3A_611 = tpu.memref_slice %arg10[%dma_start3A_609, %dma_start3A_610] : memref<10000x128xf32, #tpu.memory_space<vmem_shared>> -> memref<10000x128xf32, #tpu.memory_space<vmem_shared>>
        tpu.enqueue_indirect_dma source(%dma_start3A_605 : memref<64x128xf32, #tpu.memory_space<vmem>>) target(%dma_start3A_611 : memref<10000x128xf32, #tpu.memory_space<vmem_shared>>) offsets(%dma_start3A_608 : memref<64xi32, #tpu.memory_space<vmem>>) semaphore(%run_scoped3A_601 : memref<!tpu.dma_semaphore, #tpu.memory_space<semaphore_mem>>) {add = true}
        %dma_wait3A_612 = arith.constant 0 : i32
        %dma_wait3A_613 = arith.constant 0 : i32
        %dma_wait3A_614 = tpu.memref_slice %arg8[%run_scoped3A_527, %dma_wait3A_612, %dma_wait3A_613] : memref<4x64x128xf32, #tpu.memory_space<vmem>> -> memref<1x64x128xf32, #tpu.memory_space<vmem>>
        %dma_wait3A_615 = tpu.memref_squeeze %dma_wait3A_614 : memref<1x64x128xf32, #tpu.memory_space<vmem>> -> memref<64x128xf32, #tpu.memory_space<vmem>>
        %dma_wait3A_616 = arith.constant 0 : i32
        %dma_wait3A_617 = tpu.memref_slice %arg7[%add3A_515, %dma_wait3A_616] : memref<40x64xi32, #tpu.memory_space<vmem>> -> memref<1x64xi32, #tpu.memory_space<vmem>>
        %dma_wait3A_618 = tpu.memref_squeeze %dma_wait3A_617 : memref<1x64xi32, #tpu.memory_space<vmem>> -> memref<64xi32, #tpu.memory_space<vmem>>
        %dma_wait3A_619 = arith.constant 0 : i32
        %dma_wait3A_620 = arith.constant 0 : i32
        %dma_wait3A_621 = tpu.memref_slice %arg10[%dma_wait3A_619, %dma_wait3A_620] : memref<10000x128xf32, #tpu.memory_space<vmem_shared>> -> memref<10000x128xf32, #tpu.memory_space<vmem_shared>>
        tpu.wait_indirect_dma semaphore(%run_scoped3A_601 : memref<!tpu.dma_semaphore, #tpu.memory_space<semaphore_mem>>) src(%dma_wait3A_615 : memref<64x128xf32, #tpu.memory_space<vmem>>) dst(%dma_wait3A_621 : memref<10000x128xf32, #tpu.memory_space<vmem_shared>>)
        tpu.yield
      }) : () -> ()
      %add3A_528 = arith.constant 1 : i32
      %add3A_529 = arith.addi %mul3A_484, %add3A_528 : i32
      %add3A_530 = arith.constant 4 : i32
      %add3A_531 = arith.addi %add3A_529, %add3A_530 : i32
      %dma_start3A_532 = arith.constant 1 : i32
      %dma_start3A_533 = arith.constant 0 : i32
      %dma_start3A_534 = arith.constant 0 : i32
      %dma_start3A_535 = tpu.memref_slice %arg8[%dma_start3A_532, %dma_start3A_533, %dma_start3A_534] : memref<4x64x128xf32, #tpu.memory_space<vmem>> -> memref<1x64x128xf32, #tpu.memory_space<vmem>>
      %dma_start3A_536 = tpu.memref_squeeze %dma_start3A_535 : memref<1x64x128xf32, #tpu.memory_space<vmem>> -> memref<64x128xf32, #tpu.memory_space<vmem>>
      %dma_start3A_537 = arith.constant 0 : i32
      %dma_start3A_538 = tpu.memref_slice %arg6[%add3A_531, %dma_start3A_537] : memref<40x64xi32, #tpu.memory_space<vmem>> -> memref<1x64xi32, #tpu.memory_space<vmem>>
      %dma_start3A_539 = tpu.memref_squeeze %dma_start3A_538 : memref<1x64xi32, #tpu.memory_space<vmem>> -> memref<64xi32, #tpu.memory_space<vmem>>
      %dma_start3A_540 = arith.constant 0 : i32
      %dma_start3A_541 = arith.constant 0 : i32
      %dma_start3A_542 = tpu.memref_slice %arg2[%dma_start3A_540, %dma_start3A_541] : memref<13840x128xf32, #tpu.memory_space<hbm>> -> memref<13840x128xf32, #tpu.memory_space<hbm>>
      tpu.enqueue_indirect_dma source(%dma_start3A_542 : memref<13840x128xf32, #tpu.memory_space<hbm>>) target(%dma_start3A_536 : memref<64x128xf32, #tpu.memory_space<vmem>>) offsets(%dma_start3A_539 : memref<64xi32, #tpu.memory_space<vmem>>) semaphore(%arg12 : memref<!tpu.dma_semaphore, #tpu.memory_space<semaphore_mem>>)
      %add3A_543 = arith.constant 2 : i32
      %add3A_544 = arith.addi %mul3A_484, %add3A_543 : i32
      %dma_wait3A_545 = arith.constant 2 : i32
      %dma_wait3A_546 = arith.constant 0 : i32
      %dma_wait3A_547 = arith.constant 0 : i32
      %dma_wait3A_548 = tpu.memref_slice %arg8[%dma_wait3A_545, %dma_wait3A_546, %dma_wait3A_547] : memref<4x64x128xf32, #tpu.memory_space<vmem>> -> memref<1x64x128xf32, #tpu.memory_space<vmem>>
      %dma_wait3A_549 = tpu.memref_squeeze %dma_wait3A_548 : memref<1x64x128xf32, #tpu.memory_space<vmem>> -> memref<64x128xf32, #tpu.memory_space<vmem>>
      %dma_wait3A_550 = arith.constant 0 : i32
      %dma_wait3A_551 = tpu.memref_slice %arg6[%add3A_544, %dma_wait3A_550] : memref<40x64xi32, #tpu.memory_space<vmem>> -> memref<1x64xi32, #tpu.memory_space<vmem>>
      %dma_wait3A_552 = tpu.memref_squeeze %dma_wait3A_551 : memref<1x64xi32, #tpu.memory_space<vmem>> -> memref<64xi32, #tpu.memory_space<vmem>>
      %dma_wait3A_553 = arith.constant 0 : i32
      %dma_wait3A_554 = arith.constant 0 : i32
      %dma_wait3A_555 = tpu.memref_slice %arg2[%dma_wait3A_553, %dma_wait3A_554] : memref<13840x128xf32, #tpu.memory_space<hbm>> -> memref<13840x128xf32, #tpu.memory_space<hbm>>
      tpu.wait_indirect_dma semaphore(%arg13 : memref<!tpu.dma_semaphore, #tpu.memory_space<semaphore_mem>>) src(%dma_wait3A_555 : memref<13840x128xf32, #tpu.memory_space<hbm>>) dst(%dma_wait3A_549 : memref<64x128xf32, #tpu.memory_space<vmem>>)
      %run_scoped3A_556 = arith.constant 2 : i32
      "tpu.region"() ({
        %run_scoped3A_601 = tpu.sem_alloc : memref<!tpu.dma_semaphore, #tpu.memory_space<semaphore_mem>>
        %dma_start3A_602 = arith.constant 0 : i32
        %dma_start3A_603 = arith.constant 0 : i32
        %dma_start3A_604 = tpu.memref_slice %arg8[%run_scoped3A_556, %dma_start3A_602, %dma_start3A_603] : memref<4x64x128xf32, #tpu.memory_space<vmem>> -> memref<1x64x128xf32, #tpu.memory_space<vmem>>
        %dma_start3A_605 = tpu.memref_squeeze %dma_start3A_604 : memref<1x64x128xf32, #tpu.memory_space<vmem>> -> memref<64x128xf32, #tpu.memory_space<vmem>>
        %dma_start3A_606 = arith.constant 0 : i32
        %dma_start3A_607 = tpu.memref_slice %arg7[%add3A_544, %dma_start3A_606] : memref<40x64xi32, #tpu.memory_space<vmem>> -> memref<1x64xi32, #tpu.memory_space<vmem>>
        %dma_start3A_608 = tpu.memref_squeeze %dma_start3A_607 : memref<1x64xi32, #tpu.memory_space<vmem>> -> memref<64xi32, #tpu.memory_space<vmem>>
        %dma_start3A_609 = arith.constant 0 : i32
        %dma_start3A_610 = arith.constant 0 : i32
        %dma_start3A_611 = tpu.memref_slice %arg10[%dma_start3A_609, %dma_start3A_610] : memref<10000x128xf32, #tpu.memory_space<vmem_shared>> -> memref<10000x128xf32, #tpu.memory_space<vmem_shared>>
        tpu.enqueue_indirect_dma source(%dma_start3A_605 : memref<64x128xf32, #tpu.memory_space<vmem>>) target(%dma_start3A_611 : memref<10000x128xf32, #tpu.memory_space<vmem_shared>>) offsets(%dma_start3A_608 : memref<64xi32, #tpu.memory_space<vmem>>) semaphore(%run_scoped3A_601 : memref<!tpu.dma_semaphore, #tpu.memory_space<semaphore_mem>>) {add = true}
        %dma_wait3A_612 = arith.constant 0 : i32
        %dma_wait3A_613 = arith.constant 0 : i32
        %dma_wait3A_614 = tpu.memref_slice %arg8[%run_scoped3A_556, %dma_wait3A_612, %dma_wait3A_613] : memref<4x64x128xf32, #tpu.memory_space<vmem>> -> memref<1x64x128xf32, #tpu.memory_space<vmem>>
        %dma_wait3A_615 = tpu.memref_squeeze %dma_wait3A_614 : memref<1x64x128xf32, #tpu.memory_space<vmem>> -> memref<64x128xf32, #tpu.memory_space<vmem>>
        %dma_wait3A_616 = arith.constant 0 : i32
        %dma_wait3A_617 = tpu.memref_slice %arg7[%add3A_544, %dma_wait3A_616] : memref<40x64xi32, #tpu.memory_space<vmem>> -> memref<1x64xi32, #tpu.memory_space<vmem>>
        %dma_wait3A_618 = tpu.memref_squeeze %dma_wait3A_617 : memref<1x64xi32, #tpu.memory_space<vmem>> -> memref<64xi32, #tpu.memory_space<vmem>>
        %dma_wait3A_619 = arith.constant 0 : i32
        %dma_wait3A_620 = arith.constant 0 : i32
        %dma_wait3A_621 = tpu.memref_slice %arg10[%dma_wait3A_619, %dma_wait3A_620] : memref<10000x128xf32, #tpu.memory_space<vmem_shared>> -> memref<10000x128xf32, #tpu.memory_space<vmem_shared>>
        tpu.wait_indirect_dma semaphore(%run_scoped3A_601 : memref<!tpu.dma_semaphore, #tpu.memory_space<semaphore_mem>>) src(%dma_wait3A_615 : memref<64x128xf32, #tpu.memory_space<vmem>>) dst(%dma_wait3A_621 : memref<10000x128xf32, #tpu.memory_space<vmem_shared>>)
        tpu.yield
      }) : () -> ()
      %add3A_557 = arith.constant 2 : i32
      %add3A_558 = arith.addi %mul3A_484, %add3A_557 : i32
      %add3A_559 = arith.constant 4 : i32
      %add3A_560 = arith.addi %add3A_558, %add3A_559 : i32
      %dma_start3A_561 = arith.constant 2 : i32
      %dma_start3A_562 = arith.constant 0 : i32
      %dma_start3A_563 = arith.constant 0 : i32
      %dma_start3A_564 = tpu.memref_slice %arg8[%dma_start3A_561, %dma_start3A_562, %dma_start3A_563] : memref<4x64x128xf32, #tpu.memory_space<vmem>> -> memref<1x64x128xf32, #tpu.memory_space<vmem>>
      %dma_start3A_565 = tpu.memref_squeeze %dma_start3A_564 : memref<1x64x128xf32, #tpu.memory_space<vmem>> -> memref<64x128xf32, #tpu.memory_space<vmem>>
      %dma_start3A_566 = arith.constant 0 : i32
      %dma_start3A_567 = tpu.memref_slice %arg6[%add3A_560, %dma_start3A_566] : memref<40x64xi32, #tpu.memory_space<vmem>> -> memref<1x64xi32, #tpu.memory_space<vmem>>
      %dma_start3A_568 = tpu.memref_squeeze %dma_start3A_567 : memref<1x64xi32, #tpu.memory_space<vmem>> -> memref<64xi32, #tpu.memory_space<vmem>>
      %dma_start3A_569 = arith.constant 0 : i32
      %dma_start3A_570 = arith.constant 0 : i32
      %dma_start3A_571 = tpu.memref_slice %arg2[%dma_start3A_569, %dma_start3A_570] : memref<13840x128xf32, #tpu.memory_space<hbm>> -> memref<13840x128xf32, #tpu.memory_space<hbm>>
      tpu.enqueue_indirect_dma source(%dma_start3A_571 : memref<13840x128xf32, #tpu.memory_space<hbm>>) target(%dma_start3A_565 : memref<64x128xf32, #tpu.memory_space<vmem>>) offsets(%dma_start3A_568 : memref<64xi32, #tpu.memory_space<vmem>>) semaphore(%arg13 : memref<!tpu.dma_semaphore, #tpu.memory_space<semaphore_mem>>)
      %add3A_572 = arith.constant 3 : i32
      %add3A_573 = arith.addi %mul3A_484, %add3A_572 : i32
      %dma_wait3A_574 = arith.constant 3 : i32
      %dma_wait3A_575 = arith.constant 0 : i32
      %dma_wait3A_576 = arith.constant 0 : i32
      %dma_wait3A_577 = tpu.memref_slice %arg8[%dma_wait3A_574, %dma_wait3A_575, %dma_wait3A_576] : memref<4x64x128xf32, #tpu.memory_space<vmem>> -> memref<1x64x128xf32, #tpu.memory_space<vmem>>
      %dma_wait3A_578 = tpu.memref_squeeze %dma_wait3A_577 : memref<1x64x128xf32, #tpu.memory_space<vmem>> -> memref<64x128xf32, #tpu.memory_space<vmem>>
      %dma_wait3A_579 = arith.constant 0 : i32
      %dma_wait3A_580 = tpu.memref_slice %arg6[%add3A_573, %dma_wait3A_579] : memref<40x64xi32, #tpu.memory_space<vmem>> -> memref<1x64xi32, #tpu.memory_space<vmem>>
      %dma_wait3A_581 = tpu.memref_squeeze %dma_wait3A_580 : memref<1x64xi32, #tpu.memory_space<vmem>> -> memref<64xi32, #tpu.memory_space<vmem>>
      %dma_wait3A_582 = arith.constant 0 : i32
      %dma_wait3A_583 = arith.constant 0 : i32
      %dma_wait3A_584 = tpu.memref_slice %arg2[%dma_wait3A_582, %dma_wait3A_583] : memref<13840x128xf32, #tpu.memory_space<hbm>> -> memref<13840x128xf32, #tpu.memory_space<hbm>>
      tpu.wait_indirect_dma semaphore(%arg14 : memref<!tpu.dma_semaphore, #tpu.memory_space<semaphore_mem>>) src(%dma_wait3A_584 : memref<13840x128xf32, #tpu.memory_space<hbm>>) dst(%dma_wait3A_578 : memref<64x128xf32, #tpu.memory_space<vmem>>)
      %run_scoped3A_585 = arith.constant 3 : i32
      "tpu.region"() ({
        %run_scoped3A_601 = tpu.sem_alloc : memref<!tpu.dma_semaphore, #tpu.memory_space<semaphore_mem>>
        %dma_start3A_602 = arith.constant 0 : i32
        %dma_start3A_603 = arith.constant 0 : i32
        %dma_start3A_604 = tpu.memref_slice %arg8[%run_scoped3A_585, %dma_start3A_602, %dma_start3A_603] : memref<4x64x128xf32, #tpu.memory_space<vmem>> -> memref<1x64x128xf32, #tpu.memory_space<vmem>>
        %dma_start3A_605 = tpu.memref_squeeze %dma_start3A_604 : memref<1x64x128xf32, #tpu.memory_space<vmem>> -> memref<64x128xf32, #tpu.memory_space<vmem>>
        %dma_start3A_606 = arith.constant 0 : i32
        %dma_start3A_607 = tpu.memref_slice %arg7[%add3A_573, %dma_start3A_606] : memref<40x64xi32, #tpu.memory_space<vmem>> -> memref<1x64xi32, #tpu.memory_space<vmem>>
        %dma_start3A_608 = tpu.memref_squeeze %dma_start3A_607 : memref<1x64xi32, #tpu.memory_space<vmem>> -> memref<64xi32, #tpu.memory_space<vmem>>
        %dma_start3A_609 = arith.constant 0 : i32
        %dma_start3A_610 = arith.constant 0 : i32
        %dma_start3A_611 = tpu.memref_slice %arg10[%dma_start3A_609, %dma_start3A_610] : memref<10000x128xf32, #tpu.memory_space<vmem_shared>> -> memref<10000x128xf32, #tpu.memory_space<vmem_shared>>
        tpu.enqueue_indirect_dma source(%dma_start3A_605 : memref<64x128xf32, #tpu.memory_space<vmem>>) target(%dma_start3A_611 : memref<10000x128xf32, #tpu.memory_space<vmem_shared>>) offsets(%dma_start3A_608 : memref<64xi32, #tpu.memory_space<vmem>>) semaphore(%run_scoped3A_601 : memref<!tpu.dma_semaphore, #tpu.memory_space<semaphore_mem>>) {add = true}
        %dma_wait3A_612 = arith.constant 0 : i32
        %dma_wait3A_613 = arith.constant 0 : i32
        %dma_wait3A_614 = tpu.memref_slice %arg8[%run_scoped3A_585, %dma_wait3A_612, %dma_wait3A_613] : memref<4x64x128xf32, #tpu.memory_space<vmem>> -> memref<1x64x128xf32, #tpu.memory_space<vmem>>
        %dma_wait3A_615 = tpu.memref_squeeze %dma_wait3A_614 : memref<1x64x128xf32, #tpu.memory_space<vmem>> -> memref<64x128xf32, #tpu.memory_space<vmem>>
        %dma_wait3A_616 = arith.constant 0 : i32
        %dma_wait3A_617 = tpu.memref_slice %arg7[%add3A_573, %dma_wait3A_616] : memref<40x64xi32, #tpu.memory_space<vmem>> -> memref<1x64xi32, #tpu.memory_space<vmem>>
        %dma_wait3A_618 = tpu.memref_squeeze %dma_wait3A_617 : memref<1x64xi32, #tpu.memory_space<vmem>> -> memref<64xi32, #tpu.memory_space<vmem>>
        %dma_wait3A_619 = arith.constant 0 : i32
        %dma_wait3A_620 = arith.constant 0 : i32
        %dma_wait3A_621 = tpu.memref_slice %arg10[%dma_wait3A_619, %dma_wait3A_620] : memref<10000x128xf32, #tpu.memory_space<vmem_shared>> -> memref<10000x128xf32, #tpu.memory_space<vmem_shared>>
        tpu.wait_indirect_dma semaphore(%run_scoped3A_601 : memref<!tpu.dma_semaphore, #tpu.memory_space<semaphore_mem>>) src(%dma_wait3A_615 : memref<64x128xf32, #tpu.memory_space<vmem>>) dst(%dma_wait3A_621 : memref<10000x128xf32, #tpu.memory_space<vmem_shared>>)
        tpu.yield
      }) : () -> ()
      %add3A_586 = arith.constant 3 : i32
      %add3A_587 = arith.addi %mul3A_484, %add3A_586 : i32
      %add3A_588 = arith.constant 4 : i32
      %add3A_589 = arith.addi %add3A_587, %add3A_588 : i32
      %dma_start3A_590 = arith.constant 3 : i32
      %dma_start3A_591 = arith.constant 0 : i32
      %dma_start3A_592 = arith.constant 0 : i32
      %dma_start3A_593 = tpu.memref_slice %arg8[%dma_start3A_590, %dma_start3A_591, %dma_start3A_592] : memref<4x64x128xf32, #tpu.memory_space<vmem>> -> memref<1x64x128xf32, #tpu.memory_space<vmem>>
      %dma_start3A_594 = tpu.memref_squeeze %dma_start3A_593 : memref<1x64x128xf32, #tpu.memory_space<vmem>> -> memref<64x128xf32, #tpu.memory_space<vmem>>
      %dma_start3A_595 = arith.constant 0 : i32
      %dma_start3A_596 = tpu.memref_slice %arg6[%add3A_589, %dma_start3A_595] : memref<40x64xi32, #tpu.memory_space<vmem>> -> memref<1x64xi32, #tpu.memory_space<vmem>>
      %dma_start3A_597 = tpu.memref_squeeze %dma_start3A_596 : memref<1x64xi32, #tpu.memory_space<vmem>> -> memref<64xi32, #tpu.memory_space<vmem>>
      %dma_start3A_598 = arith.constant 0 : i32
      %dma_start3A_599 = arith.constant 0 : i32
      %dma_start3A_600 = tpu.memref_slice %arg2[%dma_start3A_598, %dma_start3A_599] : memref<13840x128xf32, #tpu.memory_space<hbm>> -> memref<13840x128xf32, #tpu.memory_space<hbm>>
      tpu.enqueue_indirect_dma source(%dma_start3A_600 : memref<13840x128xf32, #tpu.memory_space<hbm>>) target(%dma_start3A_594 : memref<64x128xf32, #tpu.memory_space<vmem>>) offsets(%dma_start3A_597 : memref<64xi32, #tpu.memory_space<vmem>>) semaphore(%arg14 : memref<!tpu.dma_semaphore, #tpu.memory_space<semaphore_mem>>)
    }
    %scan3A_189 = arith.constant 9 : i32
    %dma_wait3A_190 = arith.constant 36 : i32
    %dma_wait3A_191 = arith.constant 0 : i32
    %dma_wait3A_192 = arith.constant 0 : i32
    %dma_wait3A_193 = arith.constant 0 : i32
    %dma_wait3A_194 = tpu.memref_slice %arg8[%dma_wait3A_191, %dma_wait3A_192, %dma_wait3A_193] : memref<4x64x128xf32, #tpu.memory_space<vmem>> -> memref<1x64x128xf32, #tpu.memory_space<vmem>>
    %dma_wait3A_195 = tpu.memref_squeeze %dma_wait3A_194 : memref<1x64x128xf32, #tpu.memory_space<vmem>> -> memref<64x128xf32, #tpu.memory_space<vmem>>
    %dma_wait3A_196 = arith.constant 0 : i32
    %dma_wait3A_197 = tpu.memref_slice %arg6[%dma_wait3A_190, %dma_wait3A_196] : memref<40x64xi32, #tpu.memory_space<vmem>> -> memref<1x64xi32, #tpu.memory_space<vmem>>
    %dma_wait3A_198 = tpu.memref_squeeze %dma_wait3A_197 : memref<1x64xi32, #tpu.memory_space<vmem>> -> memref<64xi32, #tpu.memory_space<vmem>>
    %dma_wait3A_199 = arith.constant 0 : i32
    %dma_wait3A_200 = arith.constant 0 : i32
    %dma_wait3A_201 = tpu.memref_slice %arg2[%dma_wait3A_199, %dma_wait3A_200] : memref<13840x128xf32, #tpu.memory_space<hbm>> -> memref<13840x128xf32, #tpu.memory_space<hbm>>
    tpu.wait_indirect_dma semaphore(%arg11 : memref<!tpu.dma_semaphore, #tpu.memory_space<semaphore_mem>>) src(%dma_wait3A_201 : memref<13840x128xf32, #tpu.memory_space<hbm>>) dst(%dma_wait3A_195 : memref<64x128xf32, #tpu.memory_space<vmem>>)
    %run_scoped3A_202 = arith.constant 0 : i32
    %run_scoped3A_203 = arith.constant 36 : i32
    "tpu.region"() ({
      %run_scoped3A_482 = tpu.sem_alloc : memref<!tpu.dma_semaphore, #tpu.memory_space<semaphore_mem>>
      %dma_start3A_483 = arith.constant 0 : i32
      %dma_start3A_484 = arith.constant 0 : i32
      %dma_start3A_485 = tpu.memref_slice %arg8[%run_scoped3A_202, %dma_start3A_483, %dma_start3A_484] : memref<4x64x128xf32, #tpu.memory_space<vmem>> -> memref<1x64x128xf32, #tpu.memory_space<vmem>>
      %dma_start3A_486 = tpu.memref_squeeze %dma_start3A_485 : memref<1x64x128xf32, #tpu.memory_space<vmem>> -> memref<64x128xf32, #tpu.memory_space<vmem>>
      %dma_start3A_487 = arith.constant 0 : i32
      %dma_start3A_488 = tpu.memref_slice %arg7[%run_scoped3A_203, %dma_start3A_487] : memref<40x64xi32, #tpu.memory_space<vmem>> -> memref<1x64xi32, #tpu.memory_space<vmem>>
      %dma_start3A_489 = tpu.memref_squeeze %dma_start3A_488 : memref<1x64xi32, #tpu.memory_space<vmem>> -> memref<64xi32, #tpu.memory_space<vmem>>
      %dma_start3A_490 = arith.constant 0 : i32
      %dma_start3A_491 = arith.constant 0 : i32
      %dma_start3A_492 = tpu.memref_slice %arg10[%dma_start3A_490, %dma_start3A_491] : memref<10000x128xf32, #tpu.memory_space<vmem_shared>> -> memref<10000x128xf32, #tpu.memory_space<vmem_shared>>
      tpu.enqueue_indirect_dma source(%dma_start3A_486 : memref<64x128xf32, #tpu.memory_space<vmem>>) target(%dma_start3A_492 : memref<10000x128xf32, #tpu.memory_space<vmem_shared>>) offsets(%dma_start3A_489 : memref<64xi32, #tpu.memory_space<vmem>>) semaphore(%run_scoped3A_482 : memref<!tpu.dma_semaphore, #tpu.memory_space<semaphore_mem>>) {add = true}
      %dma_wait3A_493 = arith.constant 0 : i32
      %dma_wait3A_494 = arith.constant 0 : i32
      %dma_wait3A_495 = tpu.memref_slice %arg8[%run_scoped3A_202, %dma_wait3A_493, %dma_wait3A_494] : memref<4x64x128xf32, #tpu.memory_space<vmem>> -> memref<1x64x128xf32, #tpu.memory_space<vmem>>
      %dma_wait3A_496 = tpu.memref_squeeze %dma_wait3A_495 : memref<1x64x128xf32, #tpu.memory_space<vmem>> -> memref<64x128xf32, #tpu.memory_space<vmem>>
      %dma_wait3A_497 = arith.constant 0 : i32
      %dma_wait3A_498 = tpu.memref_slice %arg7[%run_scoped3A_203, %dma_wait3A_497] : memref<40x64xi32, #tpu.memory_space<vmem>> -> memref<1x64xi32, #tpu.memory_space<vmem>>
      %dma_wait3A_499 = tpu.memref_squeeze %dma_wait3A_498 : memref<1x64xi32, #tpu.memory_space<vmem>> -> memref<64xi32, #tpu.memory_space<vmem>>
      %dma_wait3A_500 = arith.constant 0 : i32
      %dma_wait3A_501 = arith.constant 0 : i32
      %dma_wait3A_502 = tpu.memref_slice %arg10[%dma_wait3A_500, %dma_wait3A_501] : memref<10000x128xf32, #tpu.memory_space<vmem_shared>> -> memref<10000x128xf32, #tpu.memory_space<vmem_shared>>
      tpu.wait_indirect_dma semaphore(%run_scoped3A_482 : memref<!tpu.dma_semaphore, #tpu.memory_space<semaphore_mem>>) src(%dma_wait3A_496 : memref<64x128xf32, #tpu.memory_space<vmem>>) dst(%dma_wait3A_502 : memref<10000x128xf32, #tpu.memory_space<vmem_shared>>)
      tpu.yield
    }) : () -> ()
    %dma_wait3A_204 = arith.constant 37 : i32
    %dma_wait3A_205 = arith.constant 1 : i32
    %dma_wait3A_206 = arith.constant 0 : i32
    %dma_wait3A_207 = arith.constant 0 : i32
    %dma_wait3A_208 = tpu.memref_slice %arg8[%dma_wait3A_205, %dma_wait3A_206, %dma_wait3A_207] : memref<4x64x128xf32, #tpu.memory_space<vmem>> -> memref<1x64x128xf32, #tpu.memory_space<vmem>>
    %dma_wait3A_209 = tpu.memref_squeeze %dma_wait3A_208 : memref<1x64x128xf32, #tpu.memory_space<vmem>> -> memref<64x128xf32, #tpu.memory_space<vmem>>
    %dma_wait3A_210 = arith.constant 0 : i32
    %dma_wait3A_211 = tpu.memref_slice %arg6[%dma_wait3A_204, %dma_wait3A_210] : memref<40x64xi32, #tpu.memory_space<vmem>> -> memref<1x64xi32, #tpu.memory_space<vmem>>
    %dma_wait3A_212 = tpu.memref_squeeze %dma_wait3A_211 : memref<1x64xi32, #tpu.memory_space<vmem>> -> memref<64xi32, #tpu.memory_space<vmem>>
    %dma_wait3A_213 = arith.constant 0 : i32
    %dma_wait3A_214 = arith.constant 0 : i32
    %dma_wait3A_215 = tpu.memref_slice %arg2[%dma_wait3A_213, %dma_wait3A_214] : memref<13840x128xf32, #tpu.memory_space<hbm>> -> memref<13840x128xf32, #tpu.memory_space<hbm>>
    tpu.wait_indirect_dma semaphore(%arg12 : memref<!tpu.dma_semaphore, #tpu.memory_space<semaphore_mem>>) src(%dma_wait3A_215 : memref<13840x128xf32, #tpu.memory_space<hbm>>) dst(%dma_wait3A_209 : memref<64x128xf32, #tpu.memory_space<vmem>>)
    %run_scoped3A_216 = arith.constant 1 : i32
    %run_scoped3A_217 = arith.constant 37 : i32
    "tpu.region"() ({
      %run_scoped3A_482 = tpu.sem_alloc : memref<!tpu.dma_semaphore, #tpu.memory_space<semaphore_mem>>
      %dma_start3A_483 = arith.constant 0 : i32
      %dma_start3A_484 = arith.constant 0 : i32
      %dma_start3A_485 = tpu.memref_slice %arg8[%run_scoped3A_216, %dma_start3A_483, %dma_start3A_484] : memref<4x64x128xf32, #tpu.memory_space<vmem>> -> memref<1x64x128xf32, #tpu.memory_space<vmem>>
      %dma_start3A_486 = tpu.memref_squeeze %dma_start3A_485 : memref<1x64x128xf32, #tpu.memory_space<vmem>> -> memref<64x128xf32, #tpu.memory_space<vmem>>
      %dma_start3A_487 = arith.constant 0 : i32
      %dma_start3A_488 = tpu.memref_slice %arg7[%run_scoped3A_217, %dma_start3A_487] : memref<40x64xi32, #tpu.memory_space<vmem>> -> memref<1x64xi32, #tpu.memory_space<vmem>>
      %dma_start3A_489 = tpu.memref_squeeze %dma_start3A_488 : memref<1x64xi32, #tpu.memory_space<vmem>> -> memref<64xi32, #tpu.memory_space<vmem>>
      %dma_start3A_490 = arith.constant 0 : i32
      %dma_start3A_491 = arith.constant 0 : i32
      %dma_start3A_492 = tpu.memref_slice %arg10[%dma_start3A_490, %dma_start3A_491] : memref<10000x128xf32, #tpu.memory_space<vmem_shared>> -> memref<10000x128xf32, #tpu.memory_space<vmem_shared>>
      tpu.enqueue_indirect_dma source(%dma_start3A_486 : memref<64x128xf32, #tpu.memory_space<vmem>>) target(%dma_start3A_492 : memref<10000x128xf32, #tpu.memory_space<vmem_shared>>) offsets(%dma_start3A_489 : memref<64xi32, #tpu.memory_space<vmem>>) semaphore(%run_scoped3A_482 : memref<!tpu.dma_semaphore, #tpu.memory_space<semaphore_mem>>) {add = true}
      %dma_wait3A_493 = arith.constant 0 : i32
      %dma_wait3A_494 = arith.constant 0 : i32
      %dma_wait3A_495 = tpu.memref_slice %arg8[%run_scoped3A_216, %dma_wait3A_493, %dma_wait3A_494] : memref<4x64x128xf32, #tpu.memory_space<vmem>> -> memref<1x64x128xf32, #tpu.memory_space<vmem>>
      %dma_wait3A_496 = tpu.memref_squeeze %dma_wait3A_495 : memref<1x64x128xf32, #tpu.memory_space<vmem>> -> memref<64x128xf32, #tpu.memory_space<vmem>>
      %dma_wait3A_497 = arith.constant 0 : i32
      %dma_wait3A_498 = tpu.memref_slice %arg7[%run_scoped3A_217, %dma_wait3A_497] : memref<40x64xi32, #tpu.memory_space<vmem>> -> memref<1x64xi32, #tpu.memory_space<vmem>>
      %dma_wait3A_499 = tpu.memref_squeeze %dma_wait3A_498 : memref<1x64xi32, #tpu.memory_space<vmem>> -> memref<64xi32, #tpu.memory_space<vmem>>
      %dma_wait3A_500 = arith.constant 0 : i32
      %dma_wait3A_501 = arith.constant 0 : i32
      %dma_wait3A_502 = tpu.memref_slice %arg10[%dma_wait3A_500, %dma_wait3A_501] : memref<10000x128xf32, #tpu.memory_space<vmem_shared>> -> memref<10000x128xf32, #tpu.memory_space<vmem_shared>>
      tpu.wait_indirect_dma semaphore(%run_scoped3A_482 : memref<!tpu.dma_semaphore, #tpu.memory_space<semaphore_mem>>) src(%dma_wait3A_496 : memref<64x128xf32, #tpu.memory_space<vmem>>) dst(%dma_wait3A_502 : memref<10000x128xf32, #tpu.memory_space<vmem_shared>>)
      tpu.yield
    }) : () -> ()
    %dma_wait3A_218 = arith.constant 38 : i32
    %dma_wait3A_219 = arith.constant 2 : i32
    %dma_wait3A_220 = arith.constant 0 : i32
    %dma_wait3A_221 = arith.constant 0 : i32
    %dma_wait3A_222 = tpu.memref_slice %arg8[%dma_wait3A_219, %dma_wait3A_220, %dma_wait3A_221] : memref<4x64x128xf32, #tpu.memory_space<vmem>> -> memref<1x64x128xf32, #tpu.memory_space<vmem>>
    %dma_wait3A_223 = tpu.memref_squeeze %dma_wait3A_222 : memref<1x64x128xf32, #tpu.memory_space<vmem>> -> memref<64x128xf32, #tpu.memory_space<vmem>>
    %dma_wait3A_224 = arith.constant 0 : i32
    %dma_wait3A_225 = tpu.memref_slice %arg6[%dma_wait3A_218, %dma_wait3A_224] : memref<40x64xi32, #tpu.memory_space<vmem>> -> memref<1x64xi32, #tpu.memory_space<vmem>>
    %dma_wait3A_226 = tpu.memref_squeeze %dma_wait3A_225 : memref<1x64xi32, #tpu.memory_space<vmem>> -> memref<64xi32, #tpu.memory_space<vmem>>
    %dma_wait3A_227 = arith.constant 0 : i32
    %dma_wait3A_228 = arith.constant 0 : i32
    %dma_wait3A_229 = tpu.memref_slice %arg2[%dma_wait3A_227, %dma_wait3A_228] : memref<13840x128xf32, #tpu.memory_space<hbm>> -> memref<13840x128xf32, #tpu.memory_space<hbm>>
    tpu.wait_indirect_dma semaphore(%arg13 : memref<!tpu.dma_semaphore, #tpu.memory_space<semaphore_mem>>) src(%dma_wait3A_229 : memref<13840x128xf32, #tpu.memory_space<hbm>>) dst(%dma_wait3A_223 : memref<64x128xf32, #tpu.memory_space<vmem>>)
    %run_scoped3A_230 = arith.constant 2 : i32
    %run_scoped3A_231 = arith.constant 38 : i32
    "tpu.region"() ({
      %run_scoped3A_482 = tpu.sem_alloc : memref<!tpu.dma_semaphore, #tpu.memory_space<semaphore_mem>>
      %dma_start3A_483 = arith.constant 0 : i32
      %dma_start3A_484 = arith.constant 0 : i32
      %dma_start3A_485 = tpu.memref_slice %arg8[%run_scoped3A_230, %dma_start3A_483, %dma_start3A_484] : memref<4x64x128xf32, #tpu.memory_space<vmem>> -> memref<1x64x128xf32, #tpu.memory_space<vmem>>
      %dma_start3A_486 = tpu.memref_squeeze %dma_start3A_485 : memref<1x64x128xf32, #tpu.memory_space<vmem>> -> memref<64x128xf32, #tpu.memory_space<vmem>>
      %dma_start3A_487 = arith.constant 0 : i32
      %dma_start3A_488 = tpu.memref_slice %arg7[%run_scoped3A_231, %dma_start3A_487] : memref<40x64xi32, #tpu.memory_space<vmem>> -> memref<1x64xi32, #tpu.memory_space<vmem>>
      %dma_start3A_489 = tpu.memref_squeeze %dma_start3A_488 : memref<1x64xi32, #tpu.memory_space<vmem>> -> memref<64xi32, #tpu.memory_space<vmem>>
      %dma_start3A_490 = arith.constant 0 : i32
      %dma_start3A_491 = arith.constant 0 : i32
      %dma_start3A_492 = tpu.memref_slice %arg10[%dma_start3A_490, %dma_start3A_491] : memref<10000x128xf32, #tpu.memory_space<vmem_shared>> -> memref<10000x128xf32, #tpu.memory_space<vmem_shared>>
      tpu.enqueue_indirect_dma source(%dma_start3A_486 : memref<64x128xf32, #tpu.memory_space<vmem>>) target(%dma_start3A_492 : memref<10000x128xf32, #tpu.memory_space<vmem_shared>>) offsets(%dma_start3A_489 : memref<64xi32, #tpu.memory_space<vmem>>) semaphore(%run_scoped3A_482 : memref<!tpu.dma_semaphore, #tpu.memory_space<semaphore_mem>>) {add = true}
      %dma_wait3A_493 = arith.constant 0 : i32
      %dma_wait3A_494 = arith.constant 0 : i32
      %dma_wait3A_495 = tpu.memref_slice %arg8[%run_scoped3A_230, %dma_wait3A_493, %dma_wait3A_494] : memref<4x64x128xf32, #tpu.memory_space<vmem>> -> memref<1x64x128xf32, #tpu.memory_space<vmem>>
      %dma_wait3A_496 = tpu.memref_squeeze %dma_wait3A_495 : memref<1x64x128xf32, #tpu.memory_space<vmem>> -> memref<64x128xf32, #tpu.memory_space<vmem>>
      %dma_wait3A_497 = arith.constant 0 : i32
      %dma_wait3A_498 = tpu.memref_slice %arg7[%run_scoped3A_231, %dma_wait3A_497] : memref<40x64xi32, #tpu.memory_space<vmem>> -> memref<1x64xi32, #tpu.memory_space<vmem>>
      %dma_wait3A_499 = tpu.memref_squeeze %dma_wait3A_498 : memref<1x64xi32, #tpu.memory_space<vmem>> -> memref<64xi32, #tpu.memory_space<vmem>>
      %dma_wait3A_500 = arith.constant 0 : i32
      %dma_wait3A_501 = arith.constant 0 : i32
      %dma_wait3A_502 = tpu.memref_slice %arg10[%dma_wait3A_500, %dma_wait3A_501] : memref<10000x128xf32, #tpu.memory_space<vmem_shared>> -> memref<10000x128xf32, #tpu.memory_space<vmem_shared>>
      tpu.wait_indirect_dma semaphore(%run_scoped3A_482 : memref<!tpu.dma_semaphore, #tpu.memory_space<semaphore_mem>>) src(%dma_wait3A_496 : memref<64x128xf32, #tpu.memory_space<vmem>>) dst(%dma_wait3A_502 : memref<10000x128xf32, #tpu.memory_space<vmem_shared>>)
      tpu.yield
    }) : () -> ()
    %dma_wait3A_232 = arith.constant 39 : i32
    %dma_wait3A_233 = arith.constant 3 : i32
    %dma_wait3A_234 = arith.constant 0 : i32
    %dma_wait3A_235 = arith.constant 0 : i32
    %dma_wait3A_236 = tpu.memref_slice %arg8[%dma_wait3A_233, %dma_wait3A_234, %dma_wait3A_235] : memref<4x64x128xf32, #tpu.memory_space<vmem>> -> memref<1x64x128xf32, #tpu.memory_space<vmem>>
    %dma_wait3A_237 = tpu.memref_squeeze %dma_wait3A_236 : memref<1x64x128xf32, #tpu.memory_space<vmem>> -> memref<64x128xf32, #tpu.memory_space<vmem>>
    %dma_wait3A_238 = arith.constant 0 : i32
    %dma_wait3A_239 = tpu.memref_slice %arg6[%dma_wait3A_232, %dma_wait3A_238] : memref<40x64xi32, #tpu.memory_space<vmem>> -> memref<1x64xi32, #tpu.memory_space<vmem>>
    %dma_wait3A_240 = tpu.memref_squeeze %dma_wait3A_239 : memref<1x64xi32, #tpu.memory_space<vmem>> -> memref<64xi32, #tpu.memory_space<vmem>>
    %dma_wait3A_241 = arith.constant 0 : i32
    %dma_wait3A_242 = arith.constant 0 : i32
    %dma_wait3A_243 = tpu.memref_slice %arg2[%dma_wait3A_241, %dma_wait3A_242] : memref<13840x128xf32, #tpu.memory_space<hbm>> -> memref<13840x128xf32, #tpu.memory_space<hbm>>
    tpu.wait_indirect_dma semaphore(%arg14 : memref<!tpu.dma_semaphore, #tpu.memory_space<semaphore_mem>>) src(%dma_wait3A_243 : memref<13840x128xf32, #tpu.memory_space<hbm>>) dst(%dma_wait3A_237 : memref<64x128xf32, #tpu.memory_space<vmem>>)
    %run_scoped3A_244 = arith.constant 3 : i32
    %run_scoped3A_245 = arith.constant 39 : i32
    "tpu.region"() ({
      %run_scoped3A_482 = tpu.sem_alloc : memref<!tpu.dma_semaphore, #tpu.memory_space<semaphore_mem>>
      %dma_start3A_483 = arith.constant 0 : i32
      %dma_start3A_484 = arith.constant 0 : i32
      %dma_start3A_485 = tpu.memref_slice %arg8[%run_scoped3A_244, %dma_start3A_483, %dma_start3A_484] : memref<4x64x128xf32, #tpu.memory_space<vmem>> -> memref<1x64x128xf32, #tpu.memory_space<vmem>>
      %dma_start3A_486 = tpu.memref_squeeze %dma_start3A_485 : memref<1x64x128xf32, #tpu.memory_space<vmem>> -> memref<64x128xf32, #tpu.memory_space<vmem>>
      %dma_start3A_487 = arith.constant 0 : i32
      %dma_start3A_488 = tpu.memref_slice %arg7[%run_scoped3A_245, %dma_start3A_487] : memref<40x64xi32, #tpu.memory_space<vmem>> -> memref<1x64xi32, #tpu.memory_space<vmem>>
      %dma_start3A_489 = tpu.memref_squeeze %dma_start3A_488 : memref<1x64xi32, #tpu.memory_space<vmem>> -> memref<64xi32, #tpu.memory_space<vmem>>
      %dma_start3A_490 = arith.constant 0 : i32
      %dma_start3A_491 = arith.constant 0 : i32
      %dma_start3A_492 = tpu.memref_slice %arg10[%dma_start3A_490, %dma_start3A_491] : memref<10000x128xf32, #tpu.memory_space<vmem_shared>> -> memref<10000x128xf32, #tpu.memory_space<vmem_shared>>
      tpu.enqueue_indirect_dma source(%dma_start3A_486 : memref<64x128xf32, #tpu.memory_space<vmem>>) target(%dma_start3A_492 : memref<10000x128xf32, #tpu.memory_space<vmem_shared>>) offsets(%dma_start3A_489 : memref<64xi32, #tpu.memory_space<vmem>>) semaphore(%run_scoped3A_482 : memref<!tpu.dma_semaphore, #tpu.memory_space<semaphore_mem>>) {add = true}
      %dma_wait3A_493 = arith.constant 0 : i32
      %dma_wait3A_494 = arith.constant 0 : i32
      %dma_wait3A_495 = tpu.memref_slice %arg8[%run_scoped3A_244, %dma_wait3A_493, %dma_wait3A_494] : memref<4x64x128xf32, #tpu.memory_space<vmem>> -> memref<1x64x128xf32, #tpu.memory_space<vmem>>
      %dma_wait3A_496 = tpu.memref_squeeze %dma_wait3A_495 : memref<1x64x128xf32, #tpu.memory_space<vmem>> -> memref<64x128xf32, #tpu.memory_space<vmem>>
      %dma_wait3A_497 = arith.constant 0 : i32
      %dma_wait3A_498 = tpu.memref_slice %arg7[%run_scoped3A_245, %dma_wait3A_497] : memref<40x64xi32, #tpu.memory_space<vmem>> -> memref<1x64xi32, #tpu.memory_space<vmem>>
      %dma_wait3A_499 = tpu.memref_squeeze %dma_wait3A_498 : memref<1x64xi32, #tpu.memory_space<vmem>> -> memref<64xi32, #tpu.memory_space<vmem>>
      %dma_wait3A_500 = arith.constant 0 : i32
      %dma_wait3A_501 = arith.constant 0 : i32
      %dma_wait3A_502 = tpu.memref_slice %arg10[%dma_wait3A_500, %dma_wait3A_501] : memref<10000x128xf32, #tpu.memory_space<vmem_shared>> -> memref<10000x128xf32, #tpu.memory_space<vmem_shared>>
      tpu.wait_indirect_dma semaphore(%run_scoped3A_482 : memref<!tpu.dma_semaphore, #tpu.memory_space<semaphore_mem>>) src(%dma_wait3A_496 : memref<64x128xf32, #tpu.memory_space<vmem>>) dst(%dma_wait3A_502 : memref<10000x128xf32, #tpu.memory_space<vmem_shared>>)
      tpu.yield
    }) : () -> ()
    %mul3A_246 = arith.constant 160 : i32
    %mul3A_247 = arith.muli %add3A, %mul3A_246 : i32
    %add3A_248 = arith.constant 80 : i32
    %add3A_249 = arith.addi %mul3A_247, %add3A_248 : i32
    "tpu.region"() ({
      %run_scoped3A_482 = tpu.sem_alloc : memref<!tpu.dma_semaphore, #tpu.memory_space<semaphore_mem>>
      %dma_start3A_483 = arith.constant 0 : i32
      %dma_start3A_484 = tpu.memref_slice %arg3[%add3A_249, %dma_start3A_483] : memref<5120x64xi32, #tpu.memory_space<hbm>> -> memref<40x64xi32, #tpu.memory_space<hbm>>
      %dma_start3A_485 = arith.constant 0 : i32
      %dma_start3A_486 = tpu.memref_slice %arg3[%add3A_249, %dma_start3A_485] : memref<5120x64xi32, #tpu.memory_space<hbm>> -> memref<40x64xi32, #tpu.memory_space<hbm>>
      tpu.enqueue_dma source(%dma_start3A_486 : memref<40x64xi32, #tpu.memory_space<hbm>>) target(%arg6 : memref<40x64xi32, #tpu.memory_space<vmem>>) target_semaphore(%run_scoped3A_482 : memref<!tpu.dma_semaphore, #tpu.memory_space<semaphore_mem>>)
      %dma_wait3A_487 = arith.constant 0 : i32
      %dma_wait3A_488 = tpu.memref_slice %arg3[%add3A_249, %dma_wait3A_487] : memref<5120x64xi32, #tpu.memory_space<hbm>> -> memref<40x64xi32, #tpu.memory_space<hbm>>
      %dma_wait3A_489 = arith.constant 0 : i32
      %dma_wait3A_490 = tpu.memref_slice %arg3[%add3A_249, %dma_wait3A_489] : memref<5120x64xi32, #tpu.memory_space<hbm>> -> memref<40x64xi32, #tpu.memory_space<hbm>>
      tpu.wait_dma2 semaphore(%run_scoped3A_482 : memref<!tpu.dma_semaphore, #tpu.memory_space<semaphore_mem>>) src(%dma_wait3A_490 : memref<40x64xi32, #tpu.memory_space<hbm>>) dst(%arg6 : memref<40x64xi32, #tpu.memory_space<vmem>>)
      tpu.yield
    }) : () -> ()
    "tpu.region"() ({
      %run_scoped3A_482 = tpu.sem_alloc : memref<!tpu.dma_semaphore, #tpu.memory_space<semaphore_mem>>
      %dma_start3A_483 = arith.constant 0 : i32
      %dma_start3A_484 = tpu.memref_slice %arg4[%add3A_249, %dma_start3A_483] : memref<5120x64xi32, #tpu.memory_space<hbm>> -> memref<40x64xi32, #tpu.memory_space<hbm>>
      %dma_start3A_485 = arith.constant 0 : i32
      %dma_start3A_486 = tpu.memref_slice %arg4[%add3A_249, %dma_start3A_485] : memref<5120x64xi32, #tpu.memory_space<hbm>> -> memref<40x64xi32, #tpu.memory_space<hbm>>
      tpu.enqueue_dma source(%dma_start3A_486 : memref<40x64xi32, #tpu.memory_space<hbm>>) target(%arg7 : memref<40x64xi32, #tpu.memory_space<vmem>>) target_semaphore(%run_scoped3A_482 : memref<!tpu.dma_semaphore, #tpu.memory_space<semaphore_mem>>)
      %dma_wait3A_487 = arith.constant 0 : i32
      %dma_wait3A_488 = tpu.memref_slice %arg4[%add3A_249, %dma_wait3A_487] : memref<5120x64xi32, #tpu.memory_space<hbm>> -> memref<40x64xi32, #tpu.memory_space<hbm>>
      %dma_wait3A_489 = arith.constant 0 : i32
      %dma_wait3A_490 = tpu.memref_slice %arg4[%add3A_249, %dma_wait3A_489] : memref<5120x64xi32, #tpu.memory_space<hbm>> -> memref<40x64xi32, #tpu.memory_space<hbm>>
      tpu.wait_dma2 semaphore(%run_scoped3A_482 : memref<!tpu.dma_semaphore, #tpu.memory_space<semaphore_mem>>) src(%dma_wait3A_490 : memref<40x64xi32, #tpu.memory_space<hbm>>) dst(%arg7 : memref<40x64xi32, #tpu.memory_space<vmem>>)
      tpu.yield
    }) : () -> ()
    %dma_start3A_250 = arith.constant 0 : i32
    %dma_start3A_251 = arith.constant 0 : i32
    %dma_start3A_252 = arith.constant 0 : i32
    %dma_start3A_253 = arith.constant 0 : i32
    %dma_start3A_254 = tpu.memref_slice %arg8[%dma_start3A_251, %dma_start3A_252, %dma_start3A_253] : memref<4x64x128xf32, #tpu.memory_space<vmem>> -> memref<1x64x128xf32, #tpu.memory_space<vmem>>
    %dma_start3A_255 = tpu.memref_squeeze %dma_start3A_254 : memref<1x64x128xf32, #tpu.memory_space<vmem>> -> memref<64x128xf32, #tpu.memory_space<vmem>>
    %dma_start3A_256 = arith.constant 0 : i32
    %dma_start3A_257 = tpu.memref_slice %arg6[%dma_start3A_250, %dma_start3A_256] : memref<40x64xi32, #tpu.memory_space<vmem>> -> memref<1x64xi32, #tpu.memory_space<vmem>>
    %dma_start3A_258 = tpu.memref_squeeze %dma_start3A_257 : memref<1x64xi32, #tpu.memory_space<vmem>> -> memref<64xi32, #tpu.memory_space<vmem>>
    %dma_start3A_259 = arith.constant 0 : i32
    %dma_start3A_260 = arith.constant 0 : i32
    %dma_start3A_261 = tpu.memref_slice %arg2[%dma_start3A_259, %dma_start3A_260] : memref<13840x128xf32, #tpu.memory_space<hbm>> -> memref<13840x128xf32, #tpu.memory_space<hbm>>
    tpu.enqueue_indirect_dma source(%dma_start3A_261 : memref<13840x128xf32, #tpu.memory_space<hbm>>) target(%dma_start3A_255 : memref<64x128xf32, #tpu.memory_space<vmem>>) offsets(%dma_start3A_258 : memref<64xi32, #tpu.memory_space<vmem>>) semaphore(%arg11 : memref<!tpu.dma_semaphore, #tpu.memory_space<semaphore_mem>>)
    %dma_start3A_262 = arith.constant 1 : i32
    %dma_start3A_263 = arith.constant 1 : i32
    %dma_start3A_264 = arith.constant 0 : i32
    %dma_start3A_265 = arith.constant 0 : i32
    %dma_start3A_266 = tpu.memref_slice %arg8[%dma_start3A_263, %dma_start3A_264, %dma_start3A_265] : memref<4x64x128xf32, #tpu.memory_space<vmem>> -> memref<1x64x128xf32, #tpu.memory_space<vmem>>
    %dma_start3A_267 = tpu.memref_squeeze %dma_start3A_266 : memref<1x64x128xf32, #tpu.memory_space<vmem>> -> memref<64x128xf32, #tpu.memory_space<vmem>>
    %dma_start3A_268 = arith.constant 0 : i32
    %dma_start3A_269 = tpu.memref_slice %arg6[%dma_start3A_262, %dma_start3A_268] : memref<40x64xi32, #tpu.memory_space<vmem>> -> memref<1x64xi32, #tpu.memory_space<vmem>>
    %dma_start3A_270 = tpu.memref_squeeze %dma_start3A_269 : memref<1x64xi32, #tpu.memory_space<vmem>> -> memref<64xi32, #tpu.memory_space<vmem>>
    %dma_start3A_271 = arith.constant 0 : i32
    %dma_start3A_272 = arith.constant 0 : i32
    %dma_start3A_273 = tpu.memref_slice %arg2[%dma_start3A_271, %dma_start3A_272] : memref<13840x128xf32, #tpu.memory_space<hbm>> -> memref<13840x128xf32, #tpu.memory_space<hbm>>
    tpu.enqueue_indirect_dma source(%dma_start3A_273 : memref<13840x128xf32, #tpu.memory_space<hbm>>) target(%dma_start3A_267 : memref<64x128xf32, #tpu.memory_space<vmem>>) offsets(%dma_start3A_270 : memref<64xi32, #tpu.memory_space<vmem>>) semaphore(%arg12 : memref<!tpu.dma_semaphore, #tpu.memory_space<semaphore_mem>>)
    %dma_start3A_274 = arith.constant 2 : i32
    %dma_start3A_275 = arith.constant 2 : i32
    %dma_start3A_276 = arith.constant 0 : i32
    %dma_start3A_277 = arith.constant 0 : i32
    %dma_start3A_278 = tpu.memref_slice %arg8[%dma_start3A_275, %dma_start3A_276, %dma_start3A_277] : memref<4x64x128xf32, #tpu.memory_space<vmem>> -> memref<1x64x128xf32, #tpu.memory_space<vmem>>
    %dma_start3A_279 = tpu.memref_squeeze %dma_start3A_278 : memref<1x64x128xf32, #tpu.memory_space<vmem>> -> memref<64x128xf32, #tpu.memory_space<vmem>>
    %dma_start3A_280 = arith.constant 0 : i32
    %dma_start3A_281 = tpu.memref_slice %arg6[%dma_start3A_274, %dma_start3A_280] : memref<40x64xi32, #tpu.memory_space<vmem>> -> memref<1x64xi32, #tpu.memory_space<vmem>>
    %dma_start3A_282 = tpu.memref_squeeze %dma_start3A_281 : memref<1x64xi32, #tpu.memory_space<vmem>> -> memref<64xi32, #tpu.memory_space<vmem>>
    %dma_start3A_283 = arith.constant 0 : i32
    %dma_start3A_284 = arith.constant 0 : i32
    %dma_start3A_285 = tpu.memref_slice %arg2[%dma_start3A_283, %dma_start3A_284] : memref<13840x128xf32, #tpu.memory_space<hbm>> -> memref<13840x128xf32, #tpu.memory_space<hbm>>
    tpu.enqueue_indirect_dma source(%dma_start3A_285 : memref<13840x128xf32, #tpu.memory_space<hbm>>) target(%dma_start3A_279 : memref<64x128xf32, #tpu.memory_space<vmem>>) offsets(%dma_start3A_282 : memref<64xi32, #tpu.memory_space<vmem>>) semaphore(%arg13 : memref<!tpu.dma_semaphore, #tpu.memory_space<semaphore_mem>>)
    %dma_start3A_286 = arith.constant 3 : i32
    %dma_start3A_287 = arith.constant 3 : i32
    %dma_start3A_288 = arith.constant 0 : i32
    %dma_start3A_289 = arith.constant 0 : i32
    %dma_start3A_290 = tpu.memref_slice %arg8[%dma_start3A_287, %dma_start3A_288, %dma_start3A_289] : memref<4x64x128xf32, #tpu.memory_space<vmem>> -> memref<1x64x128xf32, #tpu.memory_space<vmem>>
    %dma_start3A_291 = tpu.memref_squeeze %dma_start3A_290 : memref<1x64x128xf32, #tpu.memory_space<vmem>> -> memref<64x128xf32, #tpu.memory_space<vmem>>
    %dma_start3A_292 = arith.constant 0 : i32
    %dma_start3A_293 = tpu.memref_slice %arg6[%dma_start3A_286, %dma_start3A_292] : memref<40x64xi32, #tpu.memory_space<vmem>> -> memref<1x64xi32, #tpu.memory_space<vmem>>
    %dma_start3A_294 = tpu.memref_squeeze %dma_start3A_293 : memref<1x64xi32, #tpu.memory_space<vmem>> -> memref<64xi32, #tpu.memory_space<vmem>>
    %dma_start3A_295 = arith.constant 0 : i32
    %dma_start3A_296 = arith.constant 0 : i32
    %dma_start3A_297 = tpu.memref_slice %arg2[%dma_start3A_295, %dma_start3A_296] : memref<13840x128xf32, #tpu.memory_space<hbm>> -> memref<13840x128xf32, #tpu.memory_space<hbm>>
    tpu.enqueue_indirect_dma source(%dma_start3A_297 : memref<13840x128xf32, #tpu.memory_space<hbm>>) target(%dma_start3A_291 : memref<64x128xf32, #tpu.memory_space<vmem>>) offsets(%dma_start3A_294 : memref<64xi32, #tpu.memory_space<vmem>>) semaphore(%arg14 : memref<!tpu.dma_semaphore, #tpu.memory_space<semaphore_mem>>)
    %scan3A_298 = arith.constant 0 : i32
    %scan3A_299 = arith.constant 0 : i32
    %scan3A_300 = arith.constant 9 : i32
    %scan3A_301 = arith.addi %scan3A_299, %scan3A_300 : i32
    %scan3A_302 = arith.constant 1 : i32
    scf.for %scan3A_482 = %scan3A_299 to %scan3A_301 step %scan3A_302  : i32 {
      %mul3A_483 = arith.constant 4 : i32
      %mul3A_484 = arith.muli %scan3A_482, %mul3A_483 : i32
      %add3A_485 = arith.constant 0 : i32
      %add3A_486 = arith.addi %mul3A_484, %add3A_485 : i32
      %dma_wait3A_487 = arith.constant 0 : i32
      %dma_wait3A_488 = arith.constant 0 : i32
      %dma_wait3A_489 = arith.constant 0 : i32
      %dma_wait3A_490 = tpu.memref_slice %arg8[%dma_wait3A_487, %dma_wait3A_488, %dma_wait3A_489] : memref<4x64x128xf32, #tpu.memory_space<vmem>> -> memref<1x64x128xf32, #tpu.memory_space<vmem>>
      %dma_wait3A_491 = tpu.memref_squeeze %dma_wait3A_490 : memref<1x64x128xf32, #tpu.memory_space<vmem>> -> memref<64x128xf32, #tpu.memory_space<vmem>>
      %dma_wait3A_492 = arith.constant 0 : i32
      %dma_wait3A_493 = tpu.memref_slice %arg6[%add3A_486, %dma_wait3A_492] : memref<40x64xi32, #tpu.memory_space<vmem>> -> memref<1x64xi32, #tpu.memory_space<vmem>>
      %dma_wait3A_494 = tpu.memref_squeeze %dma_wait3A_493 : memref<1x64xi32, #tpu.memory_space<vmem>> -> memref<64xi32, #tpu.memory_space<vmem>>
      %dma_wait3A_495 = arith.constant 0 : i32
      %dma_wait3A_496 = arith.constant 0 : i32
      %dma_wait3A_497 = tpu.memref_slice %arg2[%dma_wait3A_495, %dma_wait3A_496] : memref<13840x128xf32, #tpu.memory_space<hbm>> -> memref<13840x128xf32, #tpu.memory_space<hbm>>
      tpu.wait_indirect_dma semaphore(%arg11 : memref<!tpu.dma_semaphore, #tpu.memory_space<semaphore_mem>>) src(%dma_wait3A_497 : memref<13840x128xf32, #tpu.memory_space<hbm>>) dst(%dma_wait3A_491 : memref<64x128xf32, #tpu.memory_space<vmem>>)
      %run_scoped3A_498 = arith.constant 0 : i32
      "tpu.region"() ({
        %run_scoped3A_601 = tpu.sem_alloc : memref<!tpu.dma_semaphore, #tpu.memory_space<semaphore_mem>>
        %dma_start3A_602 = arith.constant 0 : i32
        %dma_start3A_603 = arith.constant 0 : i32
        %dma_start3A_604 = tpu.memref_slice %arg8[%run_scoped3A_498, %dma_start3A_602, %dma_start3A_603] : memref<4x64x128xf32, #tpu.memory_space<vmem>> -> memref<1x64x128xf32, #tpu.memory_space<vmem>>
        %dma_start3A_605 = tpu.memref_squeeze %dma_start3A_604 : memref<1x64x128xf32, #tpu.memory_space<vmem>> -> memref<64x128xf32, #tpu.memory_space<vmem>>
        %dma_start3A_606 = arith.constant 0 : i32
        %dma_start3A_607 = tpu.memref_slice %arg7[%add3A_486, %dma_start3A_606] : memref<40x64xi32, #tpu.memory_space<vmem>> -> memref<1x64xi32, #tpu.memory_space<vmem>>
        %dma_start3A_608 = tpu.memref_squeeze %dma_start3A_607 : memref<1x64xi32, #tpu.memory_space<vmem>> -> memref<64xi32, #tpu.memory_space<vmem>>
        %dma_start3A_609 = arith.constant 0 : i32
        %dma_start3A_610 = arith.constant 0 : i32
        %dma_start3A_611 = tpu.memref_slice %arg10[%dma_start3A_609, %dma_start3A_610] : memref<10000x128xf32, #tpu.memory_space<vmem_shared>> -> memref<10000x128xf32, #tpu.memory_space<vmem_shared>>
        tpu.enqueue_indirect_dma source(%dma_start3A_605 : memref<64x128xf32, #tpu.memory_space<vmem>>) target(%dma_start3A_611 : memref<10000x128xf32, #tpu.memory_space<vmem_shared>>) offsets(%dma_start3A_608 : memref<64xi32, #tpu.memory_space<vmem>>) semaphore(%run_scoped3A_601 : memref<!tpu.dma_semaphore, #tpu.memory_space<semaphore_mem>>) {add = true}
        %dma_wait3A_612 = arith.constant 0 : i32
        %dma_wait3A_613 = arith.constant 0 : i32
        %dma_wait3A_614 = tpu.memref_slice %arg8[%run_scoped3A_498, %dma_wait3A_612, %dma_wait3A_613] : memref<4x64x128xf32, #tpu.memory_space<vmem>> -> memref<1x64x128xf32, #tpu.memory_space<vmem>>
        %dma_wait3A_615 = tpu.memref_squeeze %dma_wait3A_614 : memref<1x64x128xf32, #tpu.memory_space<vmem>> -> memref<64x128xf32, #tpu.memory_space<vmem>>
        %dma_wait3A_616 = arith.constant 0 : i32
        %dma_wait3A_617 = tpu.memref_slice %arg7[%add3A_486, %dma_wait3A_616] : memref<40x64xi32, #tpu.memory_space<vmem>> -> memref<1x64xi32, #tpu.memory_space<vmem>>
        %dma_wait3A_618 = tpu.memref_squeeze %dma_wait3A_617 : memref<1x64xi32, #tpu.memory_space<vmem>> -> memref<64xi32, #tpu.memory_space<vmem>>
        %dma_wait3A_619 = arith.constant 0 : i32
        %dma_wait3A_620 = arith.constant 0 : i32
        %dma_wait3A_621 = tpu.memref_slice %arg10[%dma_wait3A_619, %dma_wait3A_620] : memref<10000x128xf32, #tpu.memory_space<vmem_shared>> -> memref<10000x128xf32, #tpu.memory_space<vmem_shared>>
        tpu.wait_indirect_dma semaphore(%run_scoped3A_601 : memref<!tpu.dma_semaphore, #tpu.memory_space<semaphore_mem>>) src(%dma_wait3A_615 : memref<64x128xf32, #tpu.memory_space<vmem>>) dst(%dma_wait3A_621 : memref<10000x128xf32, #tpu.memory_space<vmem_shared>>)
        tpu.yield
      }) : () -> ()
      %add3A_499 = arith.constant 0 : i32
      %add3A_500 = arith.addi %mul3A_484, %add3A_499 : i32
      %add3A_501 = arith.constant 4 : i32
      %add3A_502 = arith.addi %add3A_500, %add3A_501 : i32
      %dma_start3A_503 = arith.constant 0 : i32
      %dma_start3A_504 = arith.constant 0 : i32
      %dma_start3A_505 = arith.constant 0 : i32
      %dma_start3A_506 = tpu.memref_slice %arg8[%dma_start3A_503, %dma_start3A_504, %dma_start3A_505] : memref<4x64x128xf32, #tpu.memory_space<vmem>> -> memref<1x64x128xf32, #tpu.memory_space<vmem>>
      %dma_start3A_507 = tpu.memref_squeeze %dma_start3A_506 : memref<1x64x128xf32, #tpu.memory_space<vmem>> -> memref<64x128xf32, #tpu.memory_space<vmem>>
      %dma_start3A_508 = arith.constant 0 : i32
      %dma_start3A_509 = tpu.memref_slice %arg6[%add3A_502, %dma_start3A_508] : memref<40x64xi32, #tpu.memory_space<vmem>> -> memref<1x64xi32, #tpu.memory_space<vmem>>
      %dma_start3A_510 = tpu.memref_squeeze %dma_start3A_509 : memref<1x64xi32, #tpu.memory_space<vmem>> -> memref<64xi32, #tpu.memory_space<vmem>>
      %dma_start3A_511 = arith.constant 0 : i32
      %dma_start3A_512 = arith.constant 0 : i32
      %dma_start3A_513 = tpu.memref_slice %arg2[%dma_start3A_511, %dma_start3A_512] : memref<13840x128xf32, #tpu.memory_space<hbm>> -> memref<13840x128xf32, #tpu.memory_space<hbm>>
      tpu.enqueue_indirect_dma source(%dma_start3A_513 : memref<13840x128xf32, #tpu.memory_space<hbm>>) target(%dma_start3A_507 : memref<64x128xf32, #tpu.memory_space<vmem>>) offsets(%dma_start3A_510 : memref<64xi32, #tpu.memory_space<vmem>>) semaphore(%arg11 : memref<!tpu.dma_semaphore, #tpu.memory_space<semaphore_mem>>)
      %add3A_514 = arith.constant 1 : i32
      %add3A_515 = arith.addi %mul3A_484, %add3A_514 : i32
      %dma_wait3A_516 = arith.constant 1 : i32
      %dma_wait3A_517 = arith.constant 0 : i32
      %dma_wait3A_518 = arith.constant 0 : i32
      %dma_wait3A_519 = tpu.memref_slice %arg8[%dma_wait3A_516, %dma_wait3A_517, %dma_wait3A_518] : memref<4x64x128xf32, #tpu.memory_space<vmem>> -> memref<1x64x128xf32, #tpu.memory_space<vmem>>
      %dma_wait3A_520 = tpu.memref_squeeze %dma_wait3A_519 : memref<1x64x128xf32, #tpu.memory_space<vmem>> -> memref<64x128xf32, #tpu.memory_space<vmem>>
      %dma_wait3A_521 = arith.constant 0 : i32
      %dma_wait3A_522 = tpu.memref_slice %arg6[%add3A_515, %dma_wait3A_521] : memref<40x64xi32, #tpu.memory_space<vmem>> -> memref<1x64xi32, #tpu.memory_space<vmem>>
      %dma_wait3A_523 = tpu.memref_squeeze %dma_wait3A_522 : memref<1x64xi32, #tpu.memory_space<vmem>> -> memref<64xi32, #tpu.memory_space<vmem>>
      %dma_wait3A_524 = arith.constant 0 : i32
      %dma_wait3A_525 = arith.constant 0 : i32
      %dma_wait3A_526 = tpu.memref_slice %arg2[%dma_wait3A_524, %dma_wait3A_525] : memref<13840x128xf32, #tpu.memory_space<hbm>> -> memref<13840x128xf32, #tpu.memory_space<hbm>>
      tpu.wait_indirect_dma semaphore(%arg12 : memref<!tpu.dma_semaphore, #tpu.memory_space<semaphore_mem>>) src(%dma_wait3A_526 : memref<13840x128xf32, #tpu.memory_space<hbm>>) dst(%dma_wait3A_520 : memref<64x128xf32, #tpu.memory_space<vmem>>)
      %run_scoped3A_527 = arith.constant 1 : i32
      "tpu.region"() ({
        %run_scoped3A_601 = tpu.sem_alloc : memref<!tpu.dma_semaphore, #tpu.memory_space<semaphore_mem>>
        %dma_start3A_602 = arith.constant 0 : i32
        %dma_start3A_603 = arith.constant 0 : i32
        %dma_start3A_604 = tpu.memref_slice %arg8[%run_scoped3A_527, %dma_start3A_602, %dma_start3A_603] : memref<4x64x128xf32, #tpu.memory_space<vmem>> -> memref<1x64x128xf32, #tpu.memory_space<vmem>>
        %dma_start3A_605 = tpu.memref_squeeze %dma_start3A_604 : memref<1x64x128xf32, #tpu.memory_space<vmem>> -> memref<64x128xf32, #tpu.memory_space<vmem>>
        %dma_start3A_606 = arith.constant 0 : i32
        %dma_start3A_607 = tpu.memref_slice %arg7[%add3A_515, %dma_start3A_606] : memref<40x64xi32, #tpu.memory_space<vmem>> -> memref<1x64xi32, #tpu.memory_space<vmem>>
        %dma_start3A_608 = tpu.memref_squeeze %dma_start3A_607 : memref<1x64xi32, #tpu.memory_space<vmem>> -> memref<64xi32, #tpu.memory_space<vmem>>
        %dma_start3A_609 = arith.constant 0 : i32
        %dma_start3A_610 = arith.constant 0 : i32
        %dma_start3A_611 = tpu.memref_slice %arg10[%dma_start3A_609, %dma_start3A_610] : memref<10000x128xf32, #tpu.memory_space<vmem_shared>> -> memref<10000x128xf32, #tpu.memory_space<vmem_shared>>
        tpu.enqueue_indirect_dma source(%dma_start3A_605 : memref<64x128xf32, #tpu.memory_space<vmem>>) target(%dma_start3A_611 : memref<10000x128xf32, #tpu.memory_space<vmem_shared>>) offsets(%dma_start3A_608 : memref<64xi32, #tpu.memory_space<vmem>>) semaphore(%run_scoped3A_601 : memref<!tpu.dma_semaphore, #tpu.memory_space<semaphore_mem>>) {add = true}
        %dma_wait3A_612 = arith.constant 0 : i32
        %dma_wait3A_613 = arith.constant 0 : i32
        %dma_wait3A_614 = tpu.memref_slice %arg8[%run_scoped3A_527, %dma_wait3A_612, %dma_wait3A_613] : memref<4x64x128xf32, #tpu.memory_space<vmem>> -> memref<1x64x128xf32, #tpu.memory_space<vmem>>
        %dma_wait3A_615 = tpu.memref_squeeze %dma_wait3A_614 : memref<1x64x128xf32, #tpu.memory_space<vmem>> -> memref<64x128xf32, #tpu.memory_space<vmem>>
        %dma_wait3A_616 = arith.constant 0 : i32
        %dma_wait3A_617 = tpu.memref_slice %arg7[%add3A_515, %dma_wait3A_616] : memref<40x64xi32, #tpu.memory_space<vmem>> -> memref<1x64xi32, #tpu.memory_space<vmem>>
        %dma_wait3A_618 = tpu.memref_squeeze %dma_wait3A_617 : memref<1x64xi32, #tpu.memory_space<vmem>> -> memref<64xi32, #tpu.memory_space<vmem>>
        %dma_wait3A_619 = arith.constant 0 : i32
        %dma_wait3A_620 = arith.constant 0 : i32
        %dma_wait3A_621 = tpu.memref_slice %arg10[%dma_wait3A_619, %dma_wait3A_620] : memref<10000x128xf32, #tpu.memory_space<vmem_shared>> -> memref<10000x128xf32, #tpu.memory_space<vmem_shared>>
        tpu.wait_indirect_dma semaphore(%run_scoped3A_601 : memref<!tpu.dma_semaphore, #tpu.memory_space<semaphore_mem>>) src(%dma_wait3A_615 : memref<64x128xf32, #tpu.memory_space<vmem>>) dst(%dma_wait3A_621 : memref<10000x128xf32, #tpu.memory_space<vmem_shared>>)
        tpu.yield
      }) : () -> ()
      %add3A_528 = arith.constant 1 : i32
      %add3A_529 = arith.addi %mul3A_484, %add3A_528 : i32
      %add3A_530 = arith.constant 4 : i32
      %add3A_531 = arith.addi %add3A_529, %add3A_530 : i32
      %dma_start3A_532 = arith.constant 1 : i32
      %dma_start3A_533 = arith.constant 0 : i32
      %dma_start3A_534 = arith.constant 0 : i32
      %dma_start3A_535 = tpu.memref_slice %arg8[%dma_start3A_532, %dma_start3A_533, %dma_start3A_534] : memref<4x64x128xf32, #tpu.memory_space<vmem>> -> memref<1x64x128xf32, #tpu.memory_space<vmem>>
      %dma_start3A_536 = tpu.memref_squeeze %dma_start3A_535 : memref<1x64x128xf32, #tpu.memory_space<vmem>> -> memref<64x128xf32, #tpu.memory_space<vmem>>
      %dma_start3A_537 = arith.constant 0 : i32
      %dma_start3A_538 = tpu.memref_slice %arg6[%add3A_531, %dma_start3A_537] : memref<40x64xi32, #tpu.memory_space<vmem>> -> memref<1x64xi32, #tpu.memory_space<vmem>>
      %dma_start3A_539 = tpu.memref_squeeze %dma_start3A_538 : memref<1x64xi32, #tpu.memory_space<vmem>> -> memref<64xi32, #tpu.memory_space<vmem>>
      %dma_start3A_540 = arith.constant 0 : i32
      %dma_start3A_541 = arith.constant 0 : i32
      %dma_start3A_542 = tpu.memref_slice %arg2[%dma_start3A_540, %dma_start3A_541] : memref<13840x128xf32, #tpu.memory_space<hbm>> -> memref<13840x128xf32, #tpu.memory_space<hbm>>
      tpu.enqueue_indirect_dma source(%dma_start3A_542 : memref<13840x128xf32, #tpu.memory_space<hbm>>) target(%dma_start3A_536 : memref<64x128xf32, #tpu.memory_space<vmem>>) offsets(%dma_start3A_539 : memref<64xi32, #tpu.memory_space<vmem>>) semaphore(%arg12 : memref<!tpu.dma_semaphore, #tpu.memory_space<semaphore_mem>>)
      %add3A_543 = arith.constant 2 : i32
      %add3A_544 = arith.addi %mul3A_484, %add3A_543 : i32
      %dma_wait3A_545 = arith.constant 2 : i32
      %dma_wait3A_546 = arith.constant 0 : i32
      %dma_wait3A_547 = arith.constant 0 : i32
      %dma_wait3A_548 = tpu.memref_slice %arg8[%dma_wait3A_545, %dma_wait3A_546, %dma_wait3A_547] : memref<4x64x128xf32, #tpu.memory_space<vmem>> -> memref<1x64x128xf32, #tpu.memory_space<vmem>>
      %dma_wait3A_549 = tpu.memref_squeeze %dma_wait3A_548 : memref<1x64x128xf32, #tpu.memory_space<vmem>> -> memref<64x128xf32, #tpu.memory_space<vmem>>
      %dma_wait3A_550 = arith.constant 0 : i32
      %dma_wait3A_551 = tpu.memref_slice %arg6[%add3A_544, %dma_wait3A_550] : memref<40x64xi32, #tpu.memory_space<vmem>> -> memref<1x64xi32, #tpu.memory_space<vmem>>
      %dma_wait3A_552 = tpu.memref_squeeze %dma_wait3A_551 : memref<1x64xi32, #tpu.memory_space<vmem>> -> memref<64xi32, #tpu.memory_space<vmem>>
      %dma_wait3A_553 = arith.constant 0 : i32
      %dma_wait3A_554 = arith.constant 0 : i32
      %dma_wait3A_555 = tpu.memref_slice %arg2[%dma_wait3A_553, %dma_wait3A_554] : memref<13840x128xf32, #tpu.memory_space<hbm>> -> memref<13840x128xf32, #tpu.memory_space<hbm>>
      tpu.wait_indirect_dma semaphore(%arg13 : memref<!tpu.dma_semaphore, #tpu.memory_space<semaphore_mem>>) src(%dma_wait3A_555 : memref<13840x128xf32, #tpu.memory_space<hbm>>) dst(%dma_wait3A_549 : memref<64x128xf32, #tpu.memory_space<vmem>>)
      %run_scoped3A_556 = arith.constant 2 : i32
      "tpu.region"() ({
        %run_scoped3A_601 = tpu.sem_alloc : memref<!tpu.dma_semaphore, #tpu.memory_space<semaphore_mem>>
        %dma_start3A_602 = arith.constant 0 : i32
        %dma_start3A_603 = arith.constant 0 : i32
        %dma_start3A_604 = tpu.memref_slice %arg8[%run_scoped3A_556, %dma_start3A_602, %dma_start3A_603] : memref<4x64x128xf32, #tpu.memory_space<vmem>> -> memref<1x64x128xf32, #tpu.memory_space<vmem>>
        %dma_start3A_605 = tpu.memref_squeeze %dma_start3A_604 : memref<1x64x128xf32, #tpu.memory_space<vmem>> -> memref<64x128xf32, #tpu.memory_space<vmem>>
        %dma_start3A_606 = arith.constant 0 : i32
        %dma_start3A_607 = tpu.memref_slice %arg7[%add3A_544, %dma_start3A_606] : memref<40x64xi32, #tpu.memory_space<vmem>> -> memref<1x64xi32, #tpu.memory_space<vmem>>
        %dma_start3A_608 = tpu.memref_squeeze %dma_start3A_607 : memref<1x64xi32, #tpu.memory_space<vmem>> -> memref<64xi32, #tpu.memory_space<vmem>>
        %dma_start3A_609 = arith.constant 0 : i32
        %dma_start3A_610 = arith.constant 0 : i32
        %dma_start3A_611 = tpu.memref_slice %arg10[%dma_start3A_609, %dma_start3A_610] : memref<10000x128xf32, #tpu.memory_space<vmem_shared>> -> memref<10000x128xf32, #tpu.memory_space<vmem_shared>>
        tpu.enqueue_indirect_dma source(%dma_start3A_605 : memref<64x128xf32, #tpu.memory_space<vmem>>) target(%dma_start3A_611 : memref<10000x128xf32, #tpu.memory_space<vmem_shared>>) offsets(%dma_start3A_608 : memref<64xi32, #tpu.memory_space<vmem>>) semaphore(%run_scoped3A_601 : memref<!tpu.dma_semaphore, #tpu.memory_space<semaphore_mem>>) {add = true}
        %dma_wait3A_612 = arith.constant 0 : i32
        %dma_wait3A_613 = arith.constant 0 : i32
        %dma_wait3A_614 = tpu.memref_slice %arg8[%run_scoped3A_556, %dma_wait3A_612, %dma_wait3A_613] : memref<4x64x128xf32, #tpu.memory_space<vmem>> -> memref<1x64x128xf32, #tpu.memory_space<vmem>>
        %dma_wait3A_615 = tpu.memref_squeeze %dma_wait3A_614 : memref<1x64x128xf32, #tpu.memory_space<vmem>> -> memref<64x128xf32, #tpu.memory_space<vmem>>
        %dma_wait3A_616 = arith.constant 0 : i32
        %dma_wait3A_617 = tpu.memref_slice %arg7[%add3A_544, %dma_wait3A_616] : memref<40x64xi32, #tpu.memory_space<vmem>> -> memref<1x64xi32, #tpu.memory_space<vmem>>
        %dma_wait3A_618 = tpu.memref_squeeze %dma_wait3A_617 : memref<1x64xi32, #tpu.memory_space<vmem>> -> memref<64xi32, #tpu.memory_space<vmem>>
        %dma_wait3A_619 = arith.constant 0 : i32
        %dma_wait3A_620 = arith.constant 0 : i32
        %dma_wait3A_621 = tpu.memref_slice %arg10[%dma_wait3A_619, %dma_wait3A_620] : memref<10000x128xf32, #tpu.memory_space<vmem_shared>> -> memref<10000x128xf32, #tpu.memory_space<vmem_shared>>
        tpu.wait_indirect_dma semaphore(%run_scoped3A_601 : memref<!tpu.dma_semaphore, #tpu.memory_space<semaphore_mem>>) src(%dma_wait3A_615 : memref<64x128xf32, #tpu.memory_space<vmem>>) dst(%dma_wait3A_621 : memref<10000x128xf32, #tpu.memory_space<vmem_shared>>)
        tpu.yield
      }) : () -> ()
      %add3A_557 = arith.constant 2 : i32
      %add3A_558 = arith.addi %mul3A_484, %add3A_557 : i32
      %add3A_559 = arith.constant 4 : i32
      %add3A_560 = arith.addi %add3A_558, %add3A_559 : i32
      %dma_start3A_561 = arith.constant 2 : i32
      %dma_start3A_562 = arith.constant 0 : i32
      %dma_start3A_563 = arith.constant 0 : i32
      %dma_start3A_564 = tpu.memref_slice %arg8[%dma_start3A_561, %dma_start3A_562, %dma_start3A_563] : memref<4x64x128xf32, #tpu.memory_space<vmem>> -> memref<1x64x128xf32, #tpu.memory_space<vmem>>
      %dma_start3A_565 = tpu.memref_squeeze %dma_start3A_564 : memref<1x64x128xf32, #tpu.memory_space<vmem>> -> memref<64x128xf32, #tpu.memory_space<vmem>>
      %dma_start3A_566 = arith.constant 0 : i32
      %dma_start3A_567 = tpu.memref_slice %arg6[%add3A_560, %dma_start3A_566] : memref<40x64xi32, #tpu.memory_space<vmem>> -> memref<1x64xi32, #tpu.memory_space<vmem>>
      %dma_start3A_568 = tpu.memref_squeeze %dma_start3A_567 : memref<1x64xi32, #tpu.memory_space<vmem>> -> memref<64xi32, #tpu.memory_space<vmem>>
      %dma_start3A_569 = arith.constant 0 : i32
      %dma_start3A_570 = arith.constant 0 : i32
      %dma_start3A_571 = tpu.memref_slice %arg2[%dma_start3A_569, %dma_start3A_570] : memref<13840x128xf32, #tpu.memory_space<hbm>> -> memref<13840x128xf32, #tpu.memory_space<hbm>>
      tpu.enqueue_indirect_dma source(%dma_start3A_571 : memref<13840x128xf32, #tpu.memory_space<hbm>>) target(%dma_start3A_565 : memref<64x128xf32, #tpu.memory_space<vmem>>) offsets(%dma_start3A_568 : memref<64xi32, #tpu.memory_space<vmem>>) semaphore(%arg13 : memref<!tpu.dma_semaphore, #tpu.memory_space<semaphore_mem>>)
      %add3A_572 = arith.constant 3 : i32
      %add3A_573 = arith.addi %mul3A_484, %add3A_572 : i32
      %dma_wait3A_574 = arith.constant 3 : i32
      %dma_wait3A_575 = arith.constant 0 : i32
      %dma_wait3A_576 = arith.constant 0 : i32
      %dma_wait3A_577 = tpu.memref_slice %arg8[%dma_wait3A_574, %dma_wait3A_575, %dma_wait3A_576] : memref<4x64x128xf32, #tpu.memory_space<vmem>> -> memref<1x64x128xf32, #tpu.memory_space<vmem>>
      %dma_wait3A_578 = tpu.memref_squeeze %dma_wait3A_577 : memref<1x64x128xf32, #tpu.memory_space<vmem>> -> memref<64x128xf32, #tpu.memory_space<vmem>>
      %dma_wait3A_579 = arith.constant 0 : i32
      %dma_wait3A_580 = tpu.memref_slice %arg6[%add3A_573, %dma_wait3A_579] : memref<40x64xi32, #tpu.memory_space<vmem>> -> memref<1x64xi32, #tpu.memory_space<vmem>>
      %dma_wait3A_581 = tpu.memref_squeeze %dma_wait3A_580 : memref<1x64xi32, #tpu.memory_space<vmem>> -> memref<64xi32, #tpu.memory_space<vmem>>
      %dma_wait3A_582 = arith.constant 0 : i32
      %dma_wait3A_583 = arith.constant 0 : i32
      %dma_wait3A_584 = tpu.memref_slice %arg2[%dma_wait3A_582, %dma_wait3A_583] : memref<13840x128xf32, #tpu.memory_space<hbm>> -> memref<13840x128xf32, #tpu.memory_space<hbm>>
      tpu.wait_indirect_dma semaphore(%arg14 : memref<!tpu.dma_semaphore, #tpu.memory_space<semaphore_mem>>) src(%dma_wait3A_584 : memref<13840x128xf32, #tpu.memory_space<hbm>>) dst(%dma_wait3A_578 : memref<64x128xf32, #tpu.memory_space<vmem>>)
      %run_scoped3A_585 = arith.constant 3 : i32
      "tpu.region"() ({
        %run_scoped3A_601 = tpu.sem_alloc : memref<!tpu.dma_semaphore, #tpu.memory_space<semaphore_mem>>
        %dma_start3A_602 = arith.constant 0 : i32
        %dma_start3A_603 = arith.constant 0 : i32
        %dma_start3A_604 = tpu.memref_slice %arg8[%run_scoped3A_585, %dma_start3A_602, %dma_start3A_603] : memref<4x64x128xf32, #tpu.memory_space<vmem>> -> memref<1x64x128xf32, #tpu.memory_space<vmem>>
        %dma_start3A_605 = tpu.memref_squeeze %dma_start3A_604 : memref<1x64x128xf32, #tpu.memory_space<vmem>> -> memref<64x128xf32, #tpu.memory_space<vmem>>
        %dma_start3A_606 = arith.constant 0 : i32
        %dma_start3A_607 = tpu.memref_slice %arg7[%add3A_573, %dma_start3A_606] : memref<40x64xi32, #tpu.memory_space<vmem>> -> memref<1x64xi32, #tpu.memory_space<vmem>>
        %dma_start3A_608 = tpu.memref_squeeze %dma_start3A_607 : memref<1x64xi32, #tpu.memory_space<vmem>> -> memref<64xi32, #tpu.memory_space<vmem>>
        %dma_start3A_609 = arith.constant 0 : i32
        %dma_start3A_610 = arith.constant 0 : i32
        %dma_start3A_611 = tpu.memref_slice %arg10[%dma_start3A_609, %dma_start3A_610] : memref<10000x128xf32, #tpu.memory_space<vmem_shared>> -> memref<10000x128xf32, #tpu.memory_space<vmem_shared>>
        tpu.enqueue_indirect_dma source(%dma_start3A_605 : memref<64x128xf32, #tpu.memory_space<vmem>>) target(%dma_start3A_611 : memref<10000x128xf32, #tpu.memory_space<vmem_shared>>) offsets(%dma_start3A_608 : memref<64xi32, #tpu.memory_space<vmem>>) semaphore(%run_scoped3A_601 : memref<!tpu.dma_semaphore, #tpu.memory_space<semaphore_mem>>) {add = true}
        %dma_wait3A_612 = arith.constant 0 : i32
        %dma_wait3A_613 = arith.constant 0 : i32
        %dma_wait3A_614 = tpu.memref_slice %arg8[%run_scoped3A_585, %dma_wait3A_612, %dma_wait3A_613] : memref<4x64x128xf32, #tpu.memory_space<vmem>> -> memref<1x64x128xf32, #tpu.memory_space<vmem>>
        %dma_wait3A_615 = tpu.memref_squeeze %dma_wait3A_614 : memref<1x64x128xf32, #tpu.memory_space<vmem>> -> memref<64x128xf32, #tpu.memory_space<vmem>>
        %dma_wait3A_616 = arith.constant 0 : i32
        %dma_wait3A_617 = tpu.memref_slice %arg7[%add3A_573, %dma_wait3A_616] : memref<40x64xi32, #tpu.memory_space<vmem>> -> memref<1x64xi32, #tpu.memory_space<vmem>>
        %dma_wait3A_618 = tpu.memref_squeeze %dma_wait3A_617 : memref<1x64xi32, #tpu.memory_space<vmem>> -> memref<64xi32, #tpu.memory_space<vmem>>
        %dma_wait3A_619 = arith.constant 0 : i32
        %dma_wait3A_620 = arith.constant 0 : i32
        %dma_wait3A_621 = tpu.memref_slice %arg10[%dma_wait3A_619, %dma_wait3A_620] : memref<10000x128xf32, #tpu.memory_space<vmem_shared>> -> memref<10000x128xf32, #tpu.memory_space<vmem_shared>>
        tpu.wait_indirect_dma semaphore(%run_scoped3A_601 : memref<!tpu.dma_semaphore, #tpu.memory_space<semaphore_mem>>) src(%dma_wait3A_615 : memref<64x128xf32, #tpu.memory_space<vmem>>) dst(%dma_wait3A_621 : memref<10000x128xf32, #tpu.memory_space<vmem_shared>>)
        tpu.yield
      }) : () -> ()
      %add3A_586 = arith.constant 3 : i32
      %add3A_587 = arith.addi %mul3A_484, %add3A_586 : i32
      %add3A_588 = arith.constant 4 : i32
      %add3A_589 = arith.addi %add3A_587, %add3A_588 : i32
      %dma_start3A_590 = arith.constant 3 : i32
      %dma_start3A_591 = arith.constant 0 : i32
      %dma_start3A_592 = arith.constant 0 : i32
      %dma_start3A_593 = tpu.memref_slice %arg8[%dma_start3A_590, %dma_start3A_591, %dma_start3A_592] : memref<4x64x128xf32, #tpu.memory_space<vmem>> -> memref<1x64x128xf32, #tpu.memory_space<vmem>>
      %dma_start3A_594 = tpu.memref_squeeze %dma_start3A_593 : memref<1x64x128xf32, #tpu.memory_space<vmem>> -> memref<64x128xf32, #tpu.memory_space<vmem>>
      %dma_start3A_595 = arith.constant 0 : i32
      %dma_start3A_596 = tpu.memref_slice %arg6[%add3A_589, %dma_start3A_595] : memref<40x64xi32, #tpu.memory_space<vmem>> -> memref<1x64xi32, #tpu.memory_space<vmem>>
      %dma_start3A_597 = tpu.memref_squeeze %dma_start3A_596 : memref<1x64xi32, #tpu.memory_space<vmem>> -> memref<64xi32, #tpu.memory_space<vmem>>
      %dma_start3A_598 = arith.constant 0 : i32
      %dma_start3A_599 = arith.constant 0 : i32
      %dma_start3A_600 = tpu.memref_slice %arg2[%dma_start3A_598, %dma_start3A_599] : memref<13840x128xf32, #tpu.memory_space<hbm>> -> memref<13840x128xf32, #tpu.memory_space<hbm>>
      tpu.enqueue_indirect_dma source(%dma_start3A_600 : memref<13840x128xf32, #tpu.memory_space<hbm>>) target(%dma_start3A_594 : memref<64x128xf32, #tpu.memory_space<vmem>>) offsets(%dma_start3A_597 : memref<64xi32, #tpu.memory_space<vmem>>) semaphore(%arg14 : memref<!tpu.dma_semaphore, #tpu.memory_space<semaphore_mem>>)
    }
    %scan3A_303 = arith.constant 9 : i32
    %dma_wait3A_304 = arith.constant 36 : i32
    %dma_wait3A_305 = arith.constant 0 : i32
    %dma_wait3A_306 = arith.constant 0 : i32
    %dma_wait3A_307 = arith.constant 0 : i32
    %dma_wait3A_308 = tpu.memref_slice %arg8[%dma_wait3A_305, %dma_wait3A_306, %dma_wait3A_307] : memref<4x64x128xf32, #tpu.memory_space<vmem>> -> memref<1x64x128xf32, #tpu.memory_space<vmem>>
    %dma_wait3A_309 = tpu.memref_squeeze %dma_wait3A_308 : memref<1x64x128xf32, #tpu.memory_space<vmem>> -> memref<64x128xf32, #tpu.memory_space<vmem>>
    %dma_wait3A_310 = arith.constant 0 : i32
    %dma_wait3A_311 = tpu.memref_slice %arg6[%dma_wait3A_304, %dma_wait3A_310] : memref<40x64xi32, #tpu.memory_space<vmem>> -> memref<1x64xi32, #tpu.memory_space<vmem>>
    %dma_wait3A_312 = tpu.memref_squeeze %dma_wait3A_311 : memref<1x64xi32, #tpu.memory_space<vmem>> -> memref<64xi32, #tpu.memory_space<vmem>>
    %dma_wait3A_313 = arith.constant 0 : i32
    %dma_wait3A_314 = arith.constant 0 : i32
    %dma_wait3A_315 = tpu.memref_slice %arg2[%dma_wait3A_313, %dma_wait3A_314] : memref<13840x128xf32, #tpu.memory_space<hbm>> -> memref<13840x128xf32, #tpu.memory_space<hbm>>
    tpu.wait_indirect_dma semaphore(%arg11 : memref<!tpu.dma_semaphore, #tpu.memory_space<semaphore_mem>>) src(%dma_wait3A_315 : memref<13840x128xf32, #tpu.memory_space<hbm>>) dst(%dma_wait3A_309 : memref<64x128xf32, #tpu.memory_space<vmem>>)
    %run_scoped3A_316 = arith.constant 0 : i32
    %run_scoped3A_317 = arith.constant 36 : i32
    "tpu.region"() ({
      %run_scoped3A_482 = tpu.sem_alloc : memref<!tpu.dma_semaphore, #tpu.memory_space<semaphore_mem>>
      %dma_start3A_483 = arith.constant 0 : i32
      %dma_start3A_484 = arith.constant 0 : i32
      %dma_start3A_485 = tpu.memref_slice %arg8[%run_scoped3A_316, %dma_start3A_483, %dma_start3A_484] : memref<4x64x128xf32, #tpu.memory_space<vmem>> -> memref<1x64x128xf32, #tpu.memory_space<vmem>>
      %dma_start3A_486 = tpu.memref_squeeze %dma_start3A_485 : memref<1x64x128xf32, #tpu.memory_space<vmem>> -> memref<64x128xf32, #tpu.memory_space<vmem>>
      %dma_start3A_487 = arith.constant 0 : i32
      %dma_start3A_488 = tpu.memref_slice %arg7[%run_scoped3A_317, %dma_start3A_487] : memref<40x64xi32, #tpu.memory_space<vmem>> -> memref<1x64xi32, #tpu.memory_space<vmem>>
      %dma_start3A_489 = tpu.memref_squeeze %dma_start3A_488 : memref<1x64xi32, #tpu.memory_space<vmem>> -> memref<64xi32, #tpu.memory_space<vmem>>
      %dma_start3A_490 = arith.constant 0 : i32
      %dma_start3A_491 = arith.constant 0 : i32
      %dma_start3A_492 = tpu.memref_slice %arg10[%dma_start3A_490, %dma_start3A_491] : memref<10000x128xf32, #tpu.memory_space<vmem_shared>> -> memref<10000x128xf32, #tpu.memory_space<vmem_shared>>
      tpu.enqueue_indirect_dma source(%dma_start3A_486 : memref<64x128xf32, #tpu.memory_space<vmem>>) target(%dma_start3A_492 : memref<10000x128xf32, #tpu.memory_space<vmem_shared>>) offsets(%dma_start3A_489 : memref<64xi32, #tpu.memory_space<vmem>>) semaphore(%run_scoped3A_482 : memref<!tpu.dma_semaphore, #tpu.memory_space<semaphore_mem>>) {add = true}
      %dma_wait3A_493 = arith.constant 0 : i32
      %dma_wait3A_494 = arith.constant 0 : i32
      %dma_wait3A_495 = tpu.memref_slice %arg8[%run_scoped3A_316, %dma_wait3A_493, %dma_wait3A_494] : memref<4x64x128xf32, #tpu.memory_space<vmem>> -> memref<1x64x128xf32, #tpu.memory_space<vmem>>
      %dma_wait3A_496 = tpu.memref_squeeze %dma_wait3A_495 : memref<1x64x128xf32, #tpu.memory_space<vmem>> -> memref<64x128xf32, #tpu.memory_space<vmem>>
      %dma_wait3A_497 = arith.constant 0 : i32
      %dma_wait3A_498 = tpu.memref_slice %arg7[%run_scoped3A_317, %dma_wait3A_497] : memref<40x64xi32, #tpu.memory_space<vmem>> -> memref<1x64xi32, #tpu.memory_space<vmem>>
      %dma_wait3A_499 = tpu.memref_squeeze %dma_wait3A_498 : memref<1x64xi32, #tpu.memory_space<vmem>> -> memref<64xi32, #tpu.memory_space<vmem>>
      %dma_wait3A_500 = arith.constant 0 : i32
      %dma_wait3A_501 = arith.constant 0 : i32
      %dma_wait3A_502 = tpu.memref_slice %arg10[%dma_wait3A_500, %dma_wait3A_501] : memref<10000x128xf32, #tpu.memory_space<vmem_shared>> -> memref<10000x128xf32, #tpu.memory_space<vmem_shared>>
      tpu.wait_indirect_dma semaphore(%run_scoped3A_482 : memref<!tpu.dma_semaphore, #tpu.memory_space<semaphore_mem>>) src(%dma_wait3A_496 : memref<64x128xf32, #tpu.memory_space<vmem>>) dst(%dma_wait3A_502 : memref<10000x128xf32, #tpu.memory_space<vmem_shared>>)
      tpu.yield
    }) : () -> ()
    %dma_wait3A_318 = arith.constant 37 : i32
    %dma_wait3A_319 = arith.constant 1 : i32
    %dma_wait3A_320 = arith.constant 0 : i32
    %dma_wait3A_321 = arith.constant 0 : i32
    %dma_wait3A_322 = tpu.memref_slice %arg8[%dma_wait3A_319, %dma_wait3A_320, %dma_wait3A_321] : memref<4x64x128xf32, #tpu.memory_space<vmem>> -> memref<1x64x128xf32, #tpu.memory_space<vmem>>
    %dma_wait3A_323 = tpu.memref_squeeze %dma_wait3A_322 : memref<1x64x128xf32, #tpu.memory_space<vmem>> -> memref<64x128xf32, #tpu.memory_space<vmem>>
    %dma_wait3A_324 = arith.constant 0 : i32
    %dma_wait3A_325 = tpu.memref_slice %arg6[%dma_wait3A_318, %dma_wait3A_324] : memref<40x64xi32, #tpu.memory_space<vmem>> -> memref<1x64xi32, #tpu.memory_space<vmem>>
    %dma_wait3A_326 = tpu.memref_squeeze %dma_wait3A_325 : memref<1x64xi32, #tpu.memory_space<vmem>> -> memref<64xi32, #tpu.memory_space<vmem>>
    %dma_wait3A_327 = arith.constant 0 : i32
    %dma_wait3A_328 = arith.constant 0 : i32
    %dma_wait3A_329 = tpu.memref_slice %arg2[%dma_wait3A_327, %dma_wait3A_328] : memref<13840x128xf32, #tpu.memory_space<hbm>> -> memref<13840x128xf32, #tpu.memory_space<hbm>>
    tpu.wait_indirect_dma semaphore(%arg12 : memref<!tpu.dma_semaphore, #tpu.memory_space<semaphore_mem>>) src(%dma_wait3A_329 : memref<13840x128xf32, #tpu.memory_space<hbm>>) dst(%dma_wait3A_323 : memref<64x128xf32, #tpu.memory_space<vmem>>)
    %run_scoped3A_330 = arith.constant 1 : i32
    %run_scoped3A_331 = arith.constant 37 : i32
    "tpu.region"() ({
      %run_scoped3A_482 = tpu.sem_alloc : memref<!tpu.dma_semaphore, #tpu.memory_space<semaphore_mem>>
      %dma_start3A_483 = arith.constant 0 : i32
      %dma_start3A_484 = arith.constant 0 : i32
      %dma_start3A_485 = tpu.memref_slice %arg8[%run_scoped3A_330, %dma_start3A_483, %dma_start3A_484] : memref<4x64x128xf32, #tpu.memory_space<vmem>> -> memref<1x64x128xf32, #tpu.memory_space<vmem>>
      %dma_start3A_486 = tpu.memref_squeeze %dma_start3A_485 : memref<1x64x128xf32, #tpu.memory_space<vmem>> -> memref<64x128xf32, #tpu.memory_space<vmem>>
      %dma_start3A_487 = arith.constant 0 : i32
      %dma_start3A_488 = tpu.memref_slice %arg7[%run_scoped3A_331, %dma_start3A_487] : memref<40x64xi32, #tpu.memory_space<vmem>> -> memref<1x64xi32, #tpu.memory_space<vmem>>
      %dma_start3A_489 = tpu.memref_squeeze %dma_start3A_488 : memref<1x64xi32, #tpu.memory_space<vmem>> -> memref<64xi32, #tpu.memory_space<vmem>>
      %dma_start3A_490 = arith.constant 0 : i32
      %dma_start3A_491 = arith.constant 0 : i32
      %dma_start3A_492 = tpu.memref_slice %arg10[%dma_start3A_490, %dma_start3A_491] : memref<10000x128xf32, #tpu.memory_space<vmem_shared>> -> memref<10000x128xf32, #tpu.memory_space<vmem_shared>>
      tpu.enqueue_indirect_dma source(%dma_start3A_486 : memref<64x128xf32, #tpu.memory_space<vmem>>) target(%dma_start3A_492 : memref<10000x128xf32, #tpu.memory_space<vmem_shared>>) offsets(%dma_start3A_489 : memref<64xi32, #tpu.memory_space<vmem>>) semaphore(%run_scoped3A_482 : memref<!tpu.dma_semaphore, #tpu.memory_space<semaphore_mem>>) {add = true}
      %dma_wait3A_493 = arith.constant 0 : i32
      %dma_wait3A_494 = arith.constant 0 : i32
      %dma_wait3A_495 = tpu.memref_slice %arg8[%run_scoped3A_330, %dma_wait3A_493, %dma_wait3A_494] : memref<4x64x128xf32, #tpu.memory_space<vmem>> -> memref<1x64x128xf32, #tpu.memory_space<vmem>>
      %dma_wait3A_496 = tpu.memref_squeeze %dma_wait3A_495 : memref<1x64x128xf32, #tpu.memory_space<vmem>> -> memref<64x128xf32, #tpu.memory_space<vmem>>
      %dma_wait3A_497 = arith.constant 0 : i32
      %dma_wait3A_498 = tpu.memref_slice %arg7[%run_scoped3A_331, %dma_wait3A_497] : memref<40x64xi32, #tpu.memory_space<vmem>> -> memref<1x64xi32, #tpu.memory_space<vmem>>
      %dma_wait3A_499 = tpu.memref_squeeze %dma_wait3A_498 : memref<1x64xi32, #tpu.memory_space<vmem>> -> memref<64xi32, #tpu.memory_space<vmem>>
      %dma_wait3A_500 = arith.constant 0 : i32
      %dma_wait3A_501 = arith.constant 0 : i32
      %dma_wait3A_502 = tpu.memref_slice %arg10[%dma_wait3A_500, %dma_wait3A_501] : memref<10000x128xf32, #tpu.memory_space<vmem_shared>> -> memref<10000x128xf32, #tpu.memory_space<vmem_shared>>
      tpu.wait_indirect_dma semaphore(%run_scoped3A_482 : memref<!tpu.dma_semaphore, #tpu.memory_space<semaphore_mem>>) src(%dma_wait3A_496 : memref<64x128xf32, #tpu.memory_space<vmem>>) dst(%dma_wait3A_502 : memref<10000x128xf32, #tpu.memory_space<vmem_shared>>)
      tpu.yield
    }) : () -> ()
    %dma_wait3A_332 = arith.constant 38 : i32
    %dma_wait3A_333 = arith.constant 2 : i32
    %dma_wait3A_334 = arith.constant 0 : i32
    %dma_wait3A_335 = arith.constant 0 : i32
    %dma_wait3A_336 = tpu.memref_slice %arg8[%dma_wait3A_333, %dma_wait3A_334, %dma_wait3A_335] : memref<4x64x128xf32, #tpu.memory_space<vmem>> -> memref<1x64x128xf32, #tpu.memory_space<vmem>>
    %dma_wait3A_337 = tpu.memref_squeeze %dma_wait3A_336 : memref<1x64x128xf32, #tpu.memory_space<vmem>> -> memref<64x128xf32, #tpu.memory_space<vmem>>
    %dma_wait3A_338 = arith.constant 0 : i32
    %dma_wait3A_339 = tpu.memref_slice %arg6[%dma_wait3A_332, %dma_wait3A_338] : memref<40x64xi32, #tpu.memory_space<vmem>> -> memref<1x64xi32, #tpu.memory_space<vmem>>
    %dma_wait3A_340 = tpu.memref_squeeze %dma_wait3A_339 : memref<1x64xi32, #tpu.memory_space<vmem>> -> memref<64xi32, #tpu.memory_space<vmem>>
    %dma_wait3A_341 = arith.constant 0 : i32
    %dma_wait3A_342 = arith.constant 0 : i32
    %dma_wait3A_343 = tpu.memref_slice %arg2[%dma_wait3A_341, %dma_wait3A_342] : memref<13840x128xf32, #tpu.memory_space<hbm>> -> memref<13840x128xf32, #tpu.memory_space<hbm>>
    tpu.wait_indirect_dma semaphore(%arg13 : memref<!tpu.dma_semaphore, #tpu.memory_space<semaphore_mem>>) src(%dma_wait3A_343 : memref<13840x128xf32, #tpu.memory_space<hbm>>) dst(%dma_wait3A_337 : memref<64x128xf32, #tpu.memory_space<vmem>>)
    %run_scoped3A_344 = arith.constant 2 : i32
    %run_scoped3A_345 = arith.constant 38 : i32
    "tpu.region"() ({
      %run_scoped3A_482 = tpu.sem_alloc : memref<!tpu.dma_semaphore, #tpu.memory_space<semaphore_mem>>
      %dma_start3A_483 = arith.constant 0 : i32
      %dma_start3A_484 = arith.constant 0 : i32
      %dma_start3A_485 = tpu.memref_slice %arg8[%run_scoped3A_344, %dma_start3A_483, %dma_start3A_484] : memref<4x64x128xf32, #tpu.memory_space<vmem>> -> memref<1x64x128xf32, #tpu.memory_space<vmem>>
      %dma_start3A_486 = tpu.memref_squeeze %dma_start3A_485 : memref<1x64x128xf32, #tpu.memory_space<vmem>> -> memref<64x128xf32, #tpu.memory_space<vmem>>
      %dma_start3A_487 = arith.constant 0 : i32
      %dma_start3A_488 = tpu.memref_slice %arg7[%run_scoped3A_345, %dma_start3A_487] : memref<40x64xi32, #tpu.memory_space<vmem>> -> memref<1x64xi32, #tpu.memory_space<vmem>>
      %dma_start3A_489 = tpu.memref_squeeze %dma_start3A_488 : memref<1x64xi32, #tpu.memory_space<vmem>> -> memref<64xi32, #tpu.memory_space<vmem>>
      %dma_start3A_490 = arith.constant 0 : i32
      %dma_start3A_491 = arith.constant 0 : i32
      %dma_start3A_492 = tpu.memref_slice %arg10[%dma_start3A_490, %dma_start3A_491] : memref<10000x128xf32, #tpu.memory_space<vmem_shared>> -> memref<10000x128xf32, #tpu.memory_space<vmem_shared>>
      tpu.enqueue_indirect_dma source(%dma_start3A_486 : memref<64x128xf32, #tpu.memory_space<vmem>>) target(%dma_start3A_492 : memref<10000x128xf32, #tpu.memory_space<vmem_shared>>) offsets(%dma_start3A_489 : memref<64xi32, #tpu.memory_space<vmem>>) semaphore(%run_scoped3A_482 : memref<!tpu.dma_semaphore, #tpu.memory_space<semaphore_mem>>) {add = true}
      %dma_wait3A_493 = arith.constant 0 : i32
      %dma_wait3A_494 = arith.constant 0 : i32
      %dma_wait3A_495 = tpu.memref_slice %arg8[%run_scoped3A_344, %dma_wait3A_493, %dma_wait3A_494] : memref<4x64x128xf32, #tpu.memory_space<vmem>> -> memref<1x64x128xf32, #tpu.memory_space<vmem>>
      %dma_wait3A_496 = tpu.memref_squeeze %dma_wait3A_495 : memref<1x64x128xf32, #tpu.memory_space<vmem>> -> memref<64x128xf32, #tpu.memory_space<vmem>>
      %dma_wait3A_497 = arith.constant 0 : i32
      %dma_wait3A_498 = tpu.memref_slice %arg7[%run_scoped3A_345, %dma_wait3A_497] : memref<40x64xi32, #tpu.memory_space<vmem>> -> memref<1x64xi32, #tpu.memory_space<vmem>>
      %dma_wait3A_499 = tpu.memref_squeeze %dma_wait3A_498 : memref<1x64xi32, #tpu.memory_space<vmem>> -> memref<64xi32, #tpu.memory_space<vmem>>
      %dma_wait3A_500 = arith.constant 0 : i32
      %dma_wait3A_501 = arith.constant 0 : i32
      %dma_wait3A_502 = tpu.memref_slice %arg10[%dma_wait3A_500, %dma_wait3A_501] : memref<10000x128xf32, #tpu.memory_space<vmem_shared>> -> memref<10000x128xf32, #tpu.memory_space<vmem_shared>>
      tpu.wait_indirect_dma semaphore(%run_scoped3A_482 : memref<!tpu.dma_semaphore, #tpu.memory_space<semaphore_mem>>) src(%dma_wait3A_496 : memref<64x128xf32, #tpu.memory_space<vmem>>) dst(%dma_wait3A_502 : memref<10000x128xf32, #tpu.memory_space<vmem_shared>>)
      tpu.yield
    }) : () -> ()
    %dma_wait3A_346 = arith.constant 39 : i32
    %dma_wait3A_347 = arith.constant 3 : i32
    %dma_wait3A_348 = arith.constant 0 : i32
    %dma_wait3A_349 = arith.constant 0 : i32
    %dma_wait3A_350 = tpu.memref_slice %arg8[%dma_wait3A_347, %dma_wait3A_348, %dma_wait3A_349] : memref<4x64x128xf32, #tpu.memory_space<vmem>> -> memref<1x64x128xf32, #tpu.memory_space<vmem>>
    %dma_wait3A_351 = tpu.memref_squeeze %dma_wait3A_350 : memref<1x64x128xf32, #tpu.memory_space<vmem>> -> memref<64x128xf32, #tpu.memory_space<vmem>>
    %dma_wait3A_352 = arith.constant 0 : i32
    %dma_wait3A_353 = tpu.memref_slice %arg6[%dma_wait3A_346, %dma_wait3A_352] : memref<40x64xi32, #tpu.memory_space<vmem>> -> memref<1x64xi32, #tpu.memory_space<vmem>>
    %dma_wait3A_354 = tpu.memref_squeeze %dma_wait3A_353 : memref<1x64xi32, #tpu.memory_space<vmem>> -> memref<64xi32, #tpu.memory_space<vmem>>
    %dma_wait3A_355 = arith.constant 0 : i32
    %dma_wait3A_356 = arith.constant 0 : i32
    %dma_wait3A_357 = tpu.memref_slice %arg2[%dma_wait3A_355, %dma_wait3A_356] : memref<13840x128xf32, #tpu.memory_space<hbm>> -> memref<13840x128xf32, #tpu.memory_space<hbm>>
    tpu.wait_indirect_dma semaphore(%arg14 : memref<!tpu.dma_semaphore, #tpu.memory_space<semaphore_mem>>) src(%dma_wait3A_357 : memref<13840x128xf32, #tpu.memory_space<hbm>>) dst(%dma_wait3A_351 : memref<64x128xf32, #tpu.memory_space<vmem>>)
    %run_scoped3A_358 = arith.constant 3 : i32
    %run_scoped3A_359 = arith.constant 39 : i32
    "tpu.region"() ({
      %run_scoped3A_482 = tpu.sem_alloc : memref<!tpu.dma_semaphore, #tpu.memory_space<semaphore_mem>>
      %dma_start3A_483 = arith.constant 0 : i32
      %dma_start3A_484 = arith.constant 0 : i32
      %dma_start3A_485 = tpu.memref_slice %arg8[%run_scoped3A_358, %dma_start3A_483, %dma_start3A_484] : memref<4x64x128xf32, #tpu.memory_space<vmem>> -> memref<1x64x128xf32, #tpu.memory_space<vmem>>
      %dma_start3A_486 = tpu.memref_squeeze %dma_start3A_485 : memref<1x64x128xf32, #tpu.memory_space<vmem>> -> memref<64x128xf32, #tpu.memory_space<vmem>>
      %dma_start3A_487 = arith.constant 0 : i32
      %dma_start3A_488 = tpu.memref_slice %arg7[%run_scoped3A_359, %dma_start3A_487] : memref<40x64xi32, #tpu.memory_space<vmem>> -> memref<1x64xi32, #tpu.memory_space<vmem>>
      %dma_start3A_489 = tpu.memref_squeeze %dma_start3A_488 : memref<1x64xi32, #tpu.memory_space<vmem>> -> memref<64xi32, #tpu.memory_space<vmem>>
      %dma_start3A_490 = arith.constant 0 : i32
      %dma_start3A_491 = arith.constant 0 : i32
      %dma_start3A_492 = tpu.memref_slice %arg10[%dma_start3A_490, %dma_start3A_491] : memref<10000x128xf32, #tpu.memory_space<vmem_shared>> -> memref<10000x128xf32, #tpu.memory_space<vmem_shared>>
      tpu.enqueue_indirect_dma source(%dma_start3A_486 : memref<64x128xf32, #tpu.memory_space<vmem>>) target(%dma_start3A_492 : memref<10000x128xf32, #tpu.memory_space<vmem_shared>>) offsets(%dma_start3A_489 : memref<64xi32, #tpu.memory_space<vmem>>) semaphore(%run_scoped3A_482 : memref<!tpu.dma_semaphore, #tpu.memory_space<semaphore_mem>>) {add = true}
      %dma_wait3A_493 = arith.constant 0 : i32
      %dma_wait3A_494 = arith.constant 0 : i32
      %dma_wait3A_495 = tpu.memref_slice %arg8[%run_scoped3A_358, %dma_wait3A_493, %dma_wait3A_494] : memref<4x64x128xf32, #tpu.memory_space<vmem>> -> memref<1x64x128xf32, #tpu.memory_space<vmem>>
      %dma_wait3A_496 = tpu.memref_squeeze %dma_wait3A_495 : memref<1x64x128xf32, #tpu.memory_space<vmem>> -> memref<64x128xf32, #tpu.memory_space<vmem>>
      %dma_wait3A_497 = arith.constant 0 : i32
      %dma_wait3A_498 = tpu.memref_slice %arg7[%run_scoped3A_359, %dma_wait3A_497] : memref<40x64xi32, #tpu.memory_space<vmem>> -> memref<1x64xi32, #tpu.memory_space<vmem>>
      %dma_wait3A_499 = tpu.memref_squeeze %dma_wait3A_498 : memref<1x64xi32, #tpu.memory_space<vmem>> -> memref<64xi32, #tpu.memory_space<vmem>>
      %dma_wait3A_500 = arith.constant 0 : i32
      %dma_wait3A_501 = arith.constant 0 : i32
      %dma_wait3A_502 = tpu.memref_slice %arg10[%dma_wait3A_500, %dma_wait3A_501] : memref<10000x128xf32, #tpu.memory_space<vmem_shared>> -> memref<10000x128xf32, #tpu.memory_space<vmem_shared>>
      tpu.wait_indirect_dma semaphore(%run_scoped3A_482 : memref<!tpu.dma_semaphore, #tpu.memory_space<semaphore_mem>>) src(%dma_wait3A_496 : memref<64x128xf32, #tpu.memory_space<vmem>>) dst(%dma_wait3A_502 : memref<10000x128xf32, #tpu.memory_space<vmem_shared>>)
      tpu.yield
    }) : () -> ()
    %mul3A_360 = arith.constant 160 : i32
    %mul3A_361 = arith.muli %add3A, %mul3A_360 : i32
    %add3A_362 = arith.constant 120 : i32
    %add3A_363 = arith.addi %mul3A_361, %add3A_362 : i32
    "tpu.region"() ({
      %run_scoped3A_482 = tpu.sem_alloc : memref<!tpu.dma_semaphore, #tpu.memory_space<semaphore_mem>>
      %dma_start3A_483 = arith.constant 0 : i32
      %dma_start3A_484 = tpu.memref_slice %arg3[%add3A_363, %dma_start3A_483] : memref<5120x64xi32, #tpu.memory_space<hbm>> -> memref<40x64xi32, #tpu.memory_space<hbm>>
      %dma_start3A_485 = arith.constant 0 : i32
      %dma_start3A_486 = tpu.memref_slice %arg3[%add3A_363, %dma_start3A_485] : memref<5120x64xi32, #tpu.memory_space<hbm>> -> memref<40x64xi32, #tpu.memory_space<hbm>>
      tpu.enqueue_dma source(%dma_start3A_486 : memref<40x64xi32, #tpu.memory_space<hbm>>) target(%arg6 : memref<40x64xi32, #tpu.memory_space<vmem>>) target_semaphore(%run_scoped3A_482 : memref<!tpu.dma_semaphore, #tpu.memory_space<semaphore_mem>>)
      %dma_wait3A_487 = arith.constant 0 : i32
      %dma_wait3A_488 = tpu.memref_slice %arg3[%add3A_363, %dma_wait3A_487] : memref<5120x64xi32, #tpu.memory_space<hbm>> -> memref<40x64xi32, #tpu.memory_space<hbm>>
      %dma_wait3A_489 = arith.constant 0 : i32
      %dma_wait3A_490 = tpu.memref_slice %arg3[%add3A_363, %dma_wait3A_489] : memref<5120x64xi32, #tpu.memory_space<hbm>> -> memref<40x64xi32, #tpu.memory_space<hbm>>
      tpu.wait_dma2 semaphore(%run_scoped3A_482 : memref<!tpu.dma_semaphore, #tpu.memory_space<semaphore_mem>>) src(%dma_wait3A_490 : memref<40x64xi32, #tpu.memory_space<hbm>>) dst(%arg6 : memref<40x64xi32, #tpu.memory_space<vmem>>)
      tpu.yield
    }) : () -> ()
    "tpu.region"() ({
      %run_scoped3A_482 = tpu.sem_alloc : memref<!tpu.dma_semaphore, #tpu.memory_space<semaphore_mem>>
      %dma_start3A_483 = arith.constant 0 : i32
      %dma_start3A_484 = tpu.memref_slice %arg4[%add3A_363, %dma_start3A_483] : memref<5120x64xi32, #tpu.memory_space<hbm>> -> memref<40x64xi32, #tpu.memory_space<hbm>>
      %dma_start3A_485 = arith.constant 0 : i32
      %dma_start3A_486 = tpu.memref_slice %arg4[%add3A_363, %dma_start3A_485] : memref<5120x64xi32, #tpu.memory_space<hbm>> -> memref<40x64xi32, #tpu.memory_space<hbm>>
      tpu.enqueue_dma source(%dma_start3A_486 : memref<40x64xi32, #tpu.memory_space<hbm>>) target(%arg7 : memref<40x64xi32, #tpu.memory_space<vmem>>) target_semaphore(%run_scoped3A_482 : memref<!tpu.dma_semaphore, #tpu.memory_space<semaphore_mem>>)
      %dma_wait3A_487 = arith.constant 0 : i32
      %dma_wait3A_488 = tpu.memref_slice %arg4[%add3A_363, %dma_wait3A_487] : memref<5120x64xi32, #tpu.memory_space<hbm>> -> memref<40x64xi32, #tpu.memory_space<hbm>>
      %dma_wait3A_489 = arith.constant 0 : i32
      %dma_wait3A_490 = tpu.memref_slice %arg4[%add3A_363, %dma_wait3A_489] : memref<5120x64xi32, #tpu.memory_space<hbm>> -> memref<40x64xi32, #tpu.memory_space<hbm>>
      tpu.wait_dma2 semaphore(%run_scoped3A_482 : memref<!tpu.dma_semaphore, #tpu.memory_space<semaphore_mem>>) src(%dma_wait3A_490 : memref<40x64xi32, #tpu.memory_space<hbm>>) dst(%arg7 : memref<40x64xi32, #tpu.memory_space<vmem>>)
      tpu.yield
    }) : () -> ()
    %dma_start3A_364 = arith.constant 0 : i32
    %dma_start3A_365 = arith.constant 0 : i32
    %dma_start3A_366 = arith.constant 0 : i32
    %dma_start3A_367 = arith.constant 0 : i32
    %dma_start3A_368 = tpu.memref_slice %arg8[%dma_start3A_365, %dma_start3A_366, %dma_start3A_367] : memref<4x64x128xf32, #tpu.memory_space<vmem>> -> memref<1x64x128xf32, #tpu.memory_space<vmem>>
    %dma_start3A_369 = tpu.memref_squeeze %dma_start3A_368 : memref<1x64x128xf32, #tpu.memory_space<vmem>> -> memref<64x128xf32, #tpu.memory_space<vmem>>
    %dma_start3A_370 = arith.constant 0 : i32
    %dma_start3A_371 = tpu.memref_slice %arg6[%dma_start3A_364, %dma_start3A_370] : memref<40x64xi32, #tpu.memory_space<vmem>> -> memref<1x64xi32, #tpu.memory_space<vmem>>
    %dma_start3A_372 = tpu.memref_squeeze %dma_start3A_371 : memref<1x64xi32, #tpu.memory_space<vmem>> -> memref<64xi32, #tpu.memory_space<vmem>>
    %dma_start3A_373 = arith.constant 0 : i32
    %dma_start3A_374 = arith.constant 0 : i32
    %dma_start3A_375 = tpu.memref_slice %arg2[%dma_start3A_373, %dma_start3A_374] : memref<13840x128xf32, #tpu.memory_space<hbm>> -> memref<13840x128xf32, #tpu.memory_space<hbm>>
    tpu.enqueue_indirect_dma source(%dma_start3A_375 : memref<13840x128xf32, #tpu.memory_space<hbm>>) target(%dma_start3A_369 : memref<64x128xf32, #tpu.memory_space<vmem>>) offsets(%dma_start3A_372 : memref<64xi32, #tpu.memory_space<vmem>>) semaphore(%arg11 : memref<!tpu.dma_semaphore, #tpu.memory_space<semaphore_mem>>)
    %dma_start3A_376 = arith.constant 1 : i32
    %dma_start3A_377 = arith.constant 1 : i32
    %dma_start3A_378 = arith.constant 0 : i32
    %dma_start3A_379 = arith.constant 0 : i32
    %dma_start3A_380 = tpu.memref_slice %arg8[%dma_start3A_377, %dma_start3A_378, %dma_start3A_379] : memref<4x64x128xf32, #tpu.memory_space<vmem>> -> memref<1x64x128xf32, #tpu.memory_space<vmem>>
    %dma_start3A_381 = tpu.memref_squeeze %dma_start3A_380 : memref<1x64x128xf32, #tpu.memory_space<vmem>> -> memref<64x128xf32, #tpu.memory_space<vmem>>
    %dma_start3A_382 = arith.constant 0 : i32
    %dma_start3A_383 = tpu.memref_slice %arg6[%dma_start3A_376, %dma_start3A_382] : memref<40x64xi32, #tpu.memory_space<vmem>> -> memref<1x64xi32, #tpu.memory_space<vmem>>
    %dma_start3A_384 = tpu.memref_squeeze %dma_start3A_383 : memref<1x64xi32, #tpu.memory_space<vmem>> -> memref<64xi32, #tpu.memory_space<vmem>>
    %dma_start3A_385 = arith.constant 0 : i32
    %dma_start3A_386 = arith.constant 0 : i32
    %dma_start3A_387 = tpu.memref_slice %arg2[%dma_start3A_385, %dma_start3A_386] : memref<13840x128xf32, #tpu.memory_space<hbm>> -> memref<13840x128xf32, #tpu.memory_space<hbm>>
    tpu.enqueue_indirect_dma source(%dma_start3A_387 : memref<13840x128xf32, #tpu.memory_space<hbm>>) target(%dma_start3A_381 : memref<64x128xf32, #tpu.memory_space<vmem>>) offsets(%dma_start3A_384 : memref<64xi32, #tpu.memory_space<vmem>>) semaphore(%arg12 : memref<!tpu.dma_semaphore, #tpu.memory_space<semaphore_mem>>)
    %dma_start3A_388 = arith.constant 2 : i32
    %dma_start3A_389 = arith.constant 2 : i32
    %dma_start3A_390 = arith.constant 0 : i32
    %dma_start3A_391 = arith.constant 0 : i32
    %dma_start3A_392 = tpu.memref_slice %arg8[%dma_start3A_389, %dma_start3A_390, %dma_start3A_391] : memref<4x64x128xf32, #tpu.memory_space<vmem>> -> memref<1x64x128xf32, #tpu.memory_space<vmem>>
    %dma_start3A_393 = tpu.memref_squeeze %dma_start3A_392 : memref<1x64x128xf32, #tpu.memory_space<vmem>> -> memref<64x128xf32, #tpu.memory_space<vmem>>
    %dma_start3A_394 = arith.constant 0 : i32
    %dma_start3A_395 = tpu.memref_slice %arg6[%dma_start3A_388, %dma_start3A_394] : memref<40x64xi32, #tpu.memory_space<vmem>> -> memref<1x64xi32, #tpu.memory_space<vmem>>
    %dma_start3A_396 = tpu.memref_squeeze %dma_start3A_395 : memref<1x64xi32, #tpu.memory_space<vmem>> -> memref<64xi32, #tpu.memory_space<vmem>>
    %dma_start3A_397 = arith.constant 0 : i32
    %dma_start3A_398 = arith.constant 0 : i32
    %dma_start3A_399 = tpu.memref_slice %arg2[%dma_start3A_397, %dma_start3A_398] : memref<13840x128xf32, #tpu.memory_space<hbm>> -> memref<13840x128xf32, #tpu.memory_space<hbm>>
    tpu.enqueue_indirect_dma source(%dma_start3A_399 : memref<13840x128xf32, #tpu.memory_space<hbm>>) target(%dma_start3A_393 : memref<64x128xf32, #tpu.memory_space<vmem>>) offsets(%dma_start3A_396 : memref<64xi32, #tpu.memory_space<vmem>>) semaphore(%arg13 : memref<!tpu.dma_semaphore, #tpu.memory_space<semaphore_mem>>)
    %dma_start3A_400 = arith.constant 3 : i32
    %dma_start3A_401 = arith.constant 3 : i32
    %dma_start3A_402 = arith.constant 0 : i32
    %dma_start3A_403 = arith.constant 0 : i32
    %dma_start3A_404 = tpu.memref_slice %arg8[%dma_start3A_401, %dma_start3A_402, %dma_start3A_403] : memref<4x64x128xf32, #tpu.memory_space<vmem>> -> memref<1x64x128xf32, #tpu.memory_space<vmem>>
    %dma_start3A_405 = tpu.memref_squeeze %dma_start3A_404 : memref<1x64x128xf32, #tpu.memory_space<vmem>> -> memref<64x128xf32, #tpu.memory_space<vmem>>
    %dma_start3A_406 = arith.constant 0 : i32
    %dma_start3A_407 = tpu.memref_slice %arg6[%dma_start3A_400, %dma_start3A_406] : memref<40x64xi32, #tpu.memory_space<vmem>> -> memref<1x64xi32, #tpu.memory_space<vmem>>
    %dma_start3A_408 = tpu.memref_squeeze %dma_start3A_407 : memref<1x64xi32, #tpu.memory_space<vmem>> -> memref<64xi32, #tpu.memory_space<vmem>>
    %dma_start3A_409 = arith.constant 0 : i32
    %dma_start3A_410 = arith.constant 0 : i32
    %dma_start3A_411 = tpu.memref_slice %arg2[%dma_start3A_409, %dma_start3A_410] : memref<13840x128xf32, #tpu.memory_space<hbm>> -> memref<13840x128xf32, #tpu.memory_space<hbm>>
    tpu.enqueue_indirect_dma source(%dma_start3A_411 : memref<13840x128xf32, #tpu.memory_space<hbm>>) target(%dma_start3A_405 : memref<64x128xf32, #tpu.memory_space<vmem>>) offsets(%dma_start3A_408 : memref<64xi32, #tpu.memory_space<vmem>>) semaphore(%arg14 : memref<!tpu.dma_semaphore, #tpu.memory_space<semaphore_mem>>)
    %scan3A_412 = arith.constant 0 : i32
    %scan3A_413 = arith.constant 0 : i32
    %scan3A_414 = arith.constant 9 : i32
    %scan3A_415 = arith.addi %scan3A_413, %scan3A_414 : i32
    %scan3A_416 = arith.constant 1 : i32
    scf.for %scan3A_482 = %scan3A_413 to %scan3A_415 step %scan3A_416  : i32 {
      %mul3A_483 = arith.constant 4 : i32
      %mul3A_484 = arith.muli %scan3A_482, %mul3A_483 : i32
      %add3A_485 = arith.constant 0 : i32
      %add3A_486 = arith.addi %mul3A_484, %add3A_485 : i32
      %dma_wait3A_487 = arith.constant 0 : i32
      %dma_wait3A_488 = arith.constant 0 : i32
      %dma_wait3A_489 = arith.constant 0 : i32
      %dma_wait3A_490 = tpu.memref_slice %arg8[%dma_wait3A_487, %dma_wait3A_488, %dma_wait3A_489] : memref<4x64x128xf32, #tpu.memory_space<vmem>> -> memref<1x64x128xf32, #tpu.memory_space<vmem>>
      %dma_wait3A_491 = tpu.memref_squeeze %dma_wait3A_490 : memref<1x64x128xf32, #tpu.memory_space<vmem>> -> memref<64x128xf32, #tpu.memory_space<vmem>>
      %dma_wait3A_492 = arith.constant 0 : i32
      %dma_wait3A_493 = tpu.memref_slice %arg6[%add3A_486, %dma_wait3A_492] : memref<40x64xi32, #tpu.memory_space<vmem>> -> memref<1x64xi32, #tpu.memory_space<vmem>>
      %dma_wait3A_494 = tpu.memref_squeeze %dma_wait3A_493 : memref<1x64xi32, #tpu.memory_space<vmem>> -> memref<64xi32, #tpu.memory_space<vmem>>
      %dma_wait3A_495 = arith.constant 0 : i32
      %dma_wait3A_496 = arith.constant 0 : i32
      %dma_wait3A_497 = tpu.memref_slice %arg2[%dma_wait3A_495, %dma_wait3A_496] : memref<13840x128xf32, #tpu.memory_space<hbm>> -> memref<13840x128xf32, #tpu.memory_space<hbm>>
      tpu.wait_indirect_dma semaphore(%arg11 : memref<!tpu.dma_semaphore, #tpu.memory_space<semaphore_mem>>) src(%dma_wait3A_497 : memref<13840x128xf32, #tpu.memory_space<hbm>>) dst(%dma_wait3A_491 : memref<64x128xf32, #tpu.memory_space<vmem>>)
      %run_scoped3A_498 = arith.constant 0 : i32
      "tpu.region"() ({
        %run_scoped3A_601 = tpu.sem_alloc : memref<!tpu.dma_semaphore, #tpu.memory_space<semaphore_mem>>
        %dma_start3A_602 = arith.constant 0 : i32
        %dma_start3A_603 = arith.constant 0 : i32
        %dma_start3A_604 = tpu.memref_slice %arg8[%run_scoped3A_498, %dma_start3A_602, %dma_start3A_603] : memref<4x64x128xf32, #tpu.memory_space<vmem>> -> memref<1x64x128xf32, #tpu.memory_space<vmem>>
        %dma_start3A_605 = tpu.memref_squeeze %dma_start3A_604 : memref<1x64x128xf32, #tpu.memory_space<vmem>> -> memref<64x128xf32, #tpu.memory_space<vmem>>
        %dma_start3A_606 = arith.constant 0 : i32
        %dma_start3A_607 = tpu.memref_slice %arg7[%add3A_486, %dma_start3A_606] : memref<40x64xi32, #tpu.memory_space<vmem>> -> memref<1x64xi32, #tpu.memory_space<vmem>>
        %dma_start3A_608 = tpu.memref_squeeze %dma_start3A_607 : memref<1x64xi32, #tpu.memory_space<vmem>> -> memref<64xi32, #tpu.memory_space<vmem>>
        %dma_start3A_609 = arith.constant 0 : i32
        %dma_start3A_610 = arith.constant 0 : i32
        %dma_start3A_611 = tpu.memref_slice %arg10[%dma_start3A_609, %dma_start3A_610] : memref<10000x128xf32, #tpu.memory_space<vmem_shared>> -> memref<10000x128xf32, #tpu.memory_space<vmem_shared>>
        tpu.enqueue_indirect_dma source(%dma_start3A_605 : memref<64x128xf32, #tpu.memory_space<vmem>>) target(%dma_start3A_611 : memref<10000x128xf32, #tpu.memory_space<vmem_shared>>) offsets(%dma_start3A_608 : memref<64xi32, #tpu.memory_space<vmem>>) semaphore(%run_scoped3A_601 : memref<!tpu.dma_semaphore, #tpu.memory_space<semaphore_mem>>) {add = true}
        %dma_wait3A_612 = arith.constant 0 : i32
        %dma_wait3A_613 = arith.constant 0 : i32
        %dma_wait3A_614 = tpu.memref_slice %arg8[%run_scoped3A_498, %dma_wait3A_612, %dma_wait3A_613] : memref<4x64x128xf32, #tpu.memory_space<vmem>> -> memref<1x64x128xf32, #tpu.memory_space<vmem>>
        %dma_wait3A_615 = tpu.memref_squeeze %dma_wait3A_614 : memref<1x64x128xf32, #tpu.memory_space<vmem>> -> memref<64x128xf32, #tpu.memory_space<vmem>>
        %dma_wait3A_616 = arith.constant 0 : i32
        %dma_wait3A_617 = tpu.memref_slice %arg7[%add3A_486, %dma_wait3A_616] : memref<40x64xi32, #tpu.memory_space<vmem>> -> memref<1x64xi32, #tpu.memory_space<vmem>>
        %dma_wait3A_618 = tpu.memref_squeeze %dma_wait3A_617 : memref<1x64xi32, #tpu.memory_space<vmem>> -> memref<64xi32, #tpu.memory_space<vmem>>
        %dma_wait3A_619 = arith.constant 0 : i32
        %dma_wait3A_620 = arith.constant 0 : i32
        %dma_wait3A_621 = tpu.memref_slice %arg10[%dma_wait3A_619, %dma_wait3A_620] : memref<10000x128xf32, #tpu.memory_space<vmem_shared>> -> memref<10000x128xf32, #tpu.memory_space<vmem_shared>>
        tpu.wait_indirect_dma semaphore(%run_scoped3A_601 : memref<!tpu.dma_semaphore, #tpu.memory_space<semaphore_mem>>) src(%dma_wait3A_615 : memref<64x128xf32, #tpu.memory_space<vmem>>) dst(%dma_wait3A_621 : memref<10000x128xf32, #tpu.memory_space<vmem_shared>>)
        tpu.yield
      }) : () -> ()
      %add3A_499 = arith.constant 0 : i32
      %add3A_500 = arith.addi %mul3A_484, %add3A_499 : i32
      %add3A_501 = arith.constant 4 : i32
      %add3A_502 = arith.addi %add3A_500, %add3A_501 : i32
      %dma_start3A_503 = arith.constant 0 : i32
      %dma_start3A_504 = arith.constant 0 : i32
      %dma_start3A_505 = arith.constant 0 : i32
      %dma_start3A_506 = tpu.memref_slice %arg8[%dma_start3A_503, %dma_start3A_504, %dma_start3A_505] : memref<4x64x128xf32, #tpu.memory_space<vmem>> -> memref<1x64x128xf32, #tpu.memory_space<vmem>>
      %dma_start3A_507 = tpu.memref_squeeze %dma_start3A_506 : memref<1x64x128xf32, #tpu.memory_space<vmem>> -> memref<64x128xf32, #tpu.memory_space<vmem>>
      %dma_start3A_508 = arith.constant 0 : i32
      %dma_start3A_509 = tpu.memref_slice %arg6[%add3A_502, %dma_start3A_508] : memref<40x64xi32, #tpu.memory_space<vmem>> -> memref<1x64xi32, #tpu.memory_space<vmem>>
      %dma_start3A_510 = tpu.memref_squeeze %dma_start3A_509 : memref<1x64xi32, #tpu.memory_space<vmem>> -> memref<64xi32, #tpu.memory_space<vmem>>
      %dma_start3A_511 = arith.constant 0 : i32
      %dma_start3A_512 = arith.constant 0 : i32
      %dma_start3A_513 = tpu.memref_slice %arg2[%dma_start3A_511, %dma_start3A_512] : memref<13840x128xf32, #tpu.memory_space<hbm>> -> memref<13840x128xf32, #tpu.memory_space<hbm>>
      tpu.enqueue_indirect_dma source(%dma_start3A_513 : memref<13840x128xf32, #tpu.memory_space<hbm>>) target(%dma_start3A_507 : memref<64x128xf32, #tpu.memory_space<vmem>>) offsets(%dma_start3A_510 : memref<64xi32, #tpu.memory_space<vmem>>) semaphore(%arg11 : memref<!tpu.dma_semaphore, #tpu.memory_space<semaphore_mem>>)
      %add3A_514 = arith.constant 1 : i32
      %add3A_515 = arith.addi %mul3A_484, %add3A_514 : i32
      %dma_wait3A_516 = arith.constant 1 : i32
      %dma_wait3A_517 = arith.constant 0 : i32
      %dma_wait3A_518 = arith.constant 0 : i32
      %dma_wait3A_519 = tpu.memref_slice %arg8[%dma_wait3A_516, %dma_wait3A_517, %dma_wait3A_518] : memref<4x64x128xf32, #tpu.memory_space<vmem>> -> memref<1x64x128xf32, #tpu.memory_space<vmem>>
      %dma_wait3A_520 = tpu.memref_squeeze %dma_wait3A_519 : memref<1x64x128xf32, #tpu.memory_space<vmem>> -> memref<64x128xf32, #tpu.memory_space<vmem>>
      %dma_wait3A_521 = arith.constant 0 : i32
      %dma_wait3A_522 = tpu.memref_slice %arg6[%add3A_515, %dma_wait3A_521] : memref<40x64xi32, #tpu.memory_space<vmem>> -> memref<1x64xi32, #tpu.memory_space<vmem>>
      %dma_wait3A_523 = tpu.memref_squeeze %dma_wait3A_522 : memref<1x64xi32, #tpu.memory_space<vmem>> -> memref<64xi32, #tpu.memory_space<vmem>>
      %dma_wait3A_524 = arith.constant 0 : i32
      %dma_wait3A_525 = arith.constant 0 : i32
      %dma_wait3A_526 = tpu.memref_slice %arg2[%dma_wait3A_524, %dma_wait3A_525] : memref<13840x128xf32, #tpu.memory_space<hbm>> -> memref<13840x128xf32, #tpu.memory_space<hbm>>
      tpu.wait_indirect_dma semaphore(%arg12 : memref<!tpu.dma_semaphore, #tpu.memory_space<semaphore_mem>>) src(%dma_wait3A_526 : memref<13840x128xf32, #tpu.memory_space<hbm>>) dst(%dma_wait3A_520 : memref<64x128xf32, #tpu.memory_space<vmem>>)
      %run_scoped3A_527 = arith.constant 1 : i32
      "tpu.region"() ({
        %run_scoped3A_601 = tpu.sem_alloc : memref<!tpu.dma_semaphore, #tpu.memory_space<semaphore_mem>>
        %dma_start3A_602 = arith.constant 0 : i32
        %dma_start3A_603 = arith.constant 0 : i32
        %dma_start3A_604 = tpu.memref_slice %arg8[%run_scoped3A_527, %dma_start3A_602, %dma_start3A_603] : memref<4x64x128xf32, #tpu.memory_space<vmem>> -> memref<1x64x128xf32, #tpu.memory_space<vmem>>
        %dma_start3A_605 = tpu.memref_squeeze %dma_start3A_604 : memref<1x64x128xf32, #tpu.memory_space<vmem>> -> memref<64x128xf32, #tpu.memory_space<vmem>>
        %dma_start3A_606 = arith.constant 0 : i32
        %dma_start3A_607 = tpu.memref_slice %arg7[%add3A_515, %dma_start3A_606] : memref<40x64xi32, #tpu.memory_space<vmem>> -> memref<1x64xi32, #tpu.memory_space<vmem>>
        %dma_start3A_608 = tpu.memref_squeeze %dma_start3A_607 : memref<1x64xi32, #tpu.memory_space<vmem>> -> memref<64xi32, #tpu.memory_space<vmem>>
        %dma_start3A_609 = arith.constant 0 : i32
        %dma_start3A_610 = arith.constant 0 : i32
        %dma_start3A_611 = tpu.memref_slice %arg10[%dma_start3A_609, %dma_start3A_610] : memref<10000x128xf32, #tpu.memory_space<vmem_shared>> -> memref<10000x128xf32, #tpu.memory_space<vmem_shared>>
        tpu.enqueue_indirect_dma source(%dma_start3A_605 : memref<64x128xf32, #tpu.memory_space<vmem>>) target(%dma_start3A_611 : memref<10000x128xf32, #tpu.memory_space<vmem_shared>>) offsets(%dma_start3A_608 : memref<64xi32, #tpu.memory_space<vmem>>) semaphore(%run_scoped3A_601 : memref<!tpu.dma_semaphore, #tpu.memory_space<semaphore_mem>>) {add = true}
        %dma_wait3A_612 = arith.constant 0 : i32
        %dma_wait3A_613 = arith.constant 0 : i32
        %dma_wait3A_614 = tpu.memref_slice %arg8[%run_scoped3A_527, %dma_wait3A_612, %dma_wait3A_613] : memref<4x64x128xf32, #tpu.memory_space<vmem>> -> memref<1x64x128xf32, #tpu.memory_space<vmem>>
        %dma_wait3A_615 = tpu.memref_squeeze %dma_wait3A_614 : memref<1x64x128xf32, #tpu.memory_space<vmem>> -> memref<64x128xf32, #tpu.memory_space<vmem>>
        %dma_wait3A_616 = arith.constant 0 : i32
        %dma_wait3A_617 = tpu.memref_slice %arg7[%add3A_515, %dma_wait3A_616] : memref<40x64xi32, #tpu.memory_space<vmem>> -> memref<1x64xi32, #tpu.memory_space<vmem>>
        %dma_wait3A_618 = tpu.memref_squeeze %dma_wait3A_617 : memref<1x64xi32, #tpu.memory_space<vmem>> -> memref<64xi32, #tpu.memory_space<vmem>>
        %dma_wait3A_619 = arith.constant 0 : i32
        %dma_wait3A_620 = arith.constant 0 : i32
        %dma_wait3A_621 = tpu.memref_slice %arg10[%dma_wait3A_619, %dma_wait3A_620] : memref<10000x128xf32, #tpu.memory_space<vmem_shared>> -> memref<10000x128xf32, #tpu.memory_space<vmem_shared>>
        tpu.wait_indirect_dma semaphore(%run_scoped3A_601 : memref<!tpu.dma_semaphore, #tpu.memory_space<semaphore_mem>>) src(%dma_wait3A_615 : memref<64x128xf32, #tpu.memory_space<vmem>>) dst(%dma_wait3A_621 : memref<10000x128xf32, #tpu.memory_space<vmem_shared>>)
        tpu.yield
      }) : () -> ()
      %add3A_528 = arith.constant 1 : i32
      %add3A_529 = arith.addi %mul3A_484, %add3A_528 : i32
      %add3A_530 = arith.constant 4 : i32
      %add3A_531 = arith.addi %add3A_529, %add3A_530 : i32
      %dma_start3A_532 = arith.constant 1 : i32
      %dma_start3A_533 = arith.constant 0 : i32
      %dma_start3A_534 = arith.constant 0 : i32
      %dma_start3A_535 = tpu.memref_slice %arg8[%dma_start3A_532, %dma_start3A_533, %dma_start3A_534] : memref<4x64x128xf32, #tpu.memory_space<vmem>> -> memref<1x64x128xf32, #tpu.memory_space<vmem>>
      %dma_start3A_536 = tpu.memref_squeeze %dma_start3A_535 : memref<1x64x128xf32, #tpu.memory_space<vmem>> -> memref<64x128xf32, #tpu.memory_space<vmem>>
      %dma_start3A_537 = arith.constant 0 : i32
      %dma_start3A_538 = tpu.memref_slice %arg6[%add3A_531, %dma_start3A_537] : memref<40x64xi32, #tpu.memory_space<vmem>> -> memref<1x64xi32, #tpu.memory_space<vmem>>
      %dma_start3A_539 = tpu.memref_squeeze %dma_start3A_538 : memref<1x64xi32, #tpu.memory_space<vmem>> -> memref<64xi32, #tpu.memory_space<vmem>>
      %dma_start3A_540 = arith.constant 0 : i32
      %dma_start3A_541 = arith.constant 0 : i32
      %dma_start3A_542 = tpu.memref_slice %arg2[%dma_start3A_540, %dma_start3A_541] : memref<13840x128xf32, #tpu.memory_space<hbm>> -> memref<13840x128xf32, #tpu.memory_space<hbm>>
      tpu.enqueue_indirect_dma source(%dma_start3A_542 : memref<13840x128xf32, #tpu.memory_space<hbm>>) target(%dma_start3A_536 : memref<64x128xf32, #tpu.memory_space<vmem>>) offsets(%dma_start3A_539 : memref<64xi32, #tpu.memory_space<vmem>>) semaphore(%arg12 : memref<!tpu.dma_semaphore, #tpu.memory_space<semaphore_mem>>)
      %add3A_543 = arith.constant 2 : i32
      %add3A_544 = arith.addi %mul3A_484, %add3A_543 : i32
      %dma_wait3A_545 = arith.constant 2 : i32
      %dma_wait3A_546 = arith.constant 0 : i32
      %dma_wait3A_547 = arith.constant 0 : i32
      %dma_wait3A_548 = tpu.memref_slice %arg8[%dma_wait3A_545, %dma_wait3A_546, %dma_wait3A_547] : memref<4x64x128xf32, #tpu.memory_space<vmem>> -> memref<1x64x128xf32, #tpu.memory_space<vmem>>
      %dma_wait3A_549 = tpu.memref_squeeze %dma_wait3A_548 : memref<1x64x128xf32, #tpu.memory_space<vmem>> -> memref<64x128xf32, #tpu.memory_space<vmem>>
      %dma_wait3A_550 = arith.constant 0 : i32
      %dma_wait3A_551 = tpu.memref_slice %arg6[%add3A_544, %dma_wait3A_550] : memref<40x64xi32, #tpu.memory_space<vmem>> -> memref<1x64xi32, #tpu.memory_space<vmem>>
      %dma_wait3A_552 = tpu.memref_squeeze %dma_wait3A_551 : memref<1x64xi32, #tpu.memory_space<vmem>> -> memref<64xi32, #tpu.memory_space<vmem>>
      %dma_wait3A_553 = arith.constant 0 : i32
      %dma_wait3A_554 = arith.constant 0 : i32
      %dma_wait3A_555 = tpu.memref_slice %arg2[%dma_wait3A_553, %dma_wait3A_554] : memref<13840x128xf32, #tpu.memory_space<hbm>> -> memref<13840x128xf32, #tpu.memory_space<hbm>>
      tpu.wait_indirect_dma semaphore(%arg13 : memref<!tpu.dma_semaphore, #tpu.memory_space<semaphore_mem>>) src(%dma_wait3A_555 : memref<13840x128xf32, #tpu.memory_space<hbm>>) dst(%dma_wait3A_549 : memref<64x128xf32, #tpu.memory_space<vmem>>)
      %run_scoped3A_556 = arith.constant 2 : i32
      "tpu.region"() ({
        %run_scoped3A_601 = tpu.sem_alloc : memref<!tpu.dma_semaphore, #tpu.memory_space<semaphore_mem>>
        %dma_start3A_602 = arith.constant 0 : i32
        %dma_start3A_603 = arith.constant 0 : i32
        %dma_start3A_604 = tpu.memref_slice %arg8[%run_scoped3A_556, %dma_start3A_602, %dma_start3A_603] : memref<4x64x128xf32, #tpu.memory_space<vmem>> -> memref<1x64x128xf32, #tpu.memory_space<vmem>>
        %dma_start3A_605 = tpu.memref_squeeze %dma_start3A_604 : memref<1x64x128xf32, #tpu.memory_space<vmem>> -> memref<64x128xf32, #tpu.memory_space<vmem>>
        %dma_start3A_606 = arith.constant 0 : i32
        %dma_start3A_607 = tpu.memref_slice %arg7[%add3A_544, %dma_start3A_606] : memref<40x64xi32, #tpu.memory_space<vmem>> -> memref<1x64xi32, #tpu.memory_space<vmem>>
        %dma_start3A_608 = tpu.memref_squeeze %dma_start3A_607 : memref<1x64xi32, #tpu.memory_space<vmem>> -> memref<64xi32, #tpu.memory_space<vmem>>
        %dma_start3A_609 = arith.constant 0 : i32
        %dma_start3A_610 = arith.constant 0 : i32
        %dma_start3A_611 = tpu.memref_slice %arg10[%dma_start3A_609, %dma_start3A_610] : memref<10000x128xf32, #tpu.memory_space<vmem_shared>> -> memref<10000x128xf32, #tpu.memory_space<vmem_shared>>
        tpu.enqueue_indirect_dma source(%dma_start3A_605 : memref<64x128xf32, #tpu.memory_space<vmem>>) target(%dma_start3A_611 : memref<10000x128xf32, #tpu.memory_space<vmem_shared>>) offsets(%dma_start3A_608 : memref<64xi32, #tpu.memory_space<vmem>>) semaphore(%run_scoped3A_601 : memref<!tpu.dma_semaphore, #tpu.memory_space<semaphore_mem>>) {add = true}
        %dma_wait3A_612 = arith.constant 0 : i32
        %dma_wait3A_613 = arith.constant 0 : i32
        %dma_wait3A_614 = tpu.memref_slice %arg8[%run_scoped3A_556, %dma_wait3A_612, %dma_wait3A_613] : memref<4x64x128xf32, #tpu.memory_space<vmem>> -> memref<1x64x128xf32, #tpu.memory_space<vmem>>
        %dma_wait3A_615 = tpu.memref_squeeze %dma_wait3A_614 : memref<1x64x128xf32, #tpu.memory_space<vmem>> -> memref<64x128xf32, #tpu.memory_space<vmem>>
        %dma_wait3A_616 = arith.constant 0 : i32
        %dma_wait3A_617 = tpu.memref_slice %arg7[%add3A_544, %dma_wait3A_616] : memref<40x64xi32, #tpu.memory_space<vmem>> -> memref<1x64xi32, #tpu.memory_space<vmem>>
        %dma_wait3A_618 = tpu.memref_squeeze %dma_wait3A_617 : memref<1x64xi32, #tpu.memory_space<vmem>> -> memref<64xi32, #tpu.memory_space<vmem>>
        %dma_wait3A_619 = arith.constant 0 : i32
        %dma_wait3A_620 = arith.constant 0 : i32
        %dma_wait3A_621 = tpu.memref_slice %arg10[%dma_wait3A_619, %dma_wait3A_620] : memref<10000x128xf32, #tpu.memory_space<vmem_shared>> -> memref<10000x128xf32, #tpu.memory_space<vmem_shared>>
        tpu.wait_indirect_dma semaphore(%run_scoped3A_601 : memref<!tpu.dma_semaphore, #tpu.memory_space<semaphore_mem>>) src(%dma_wait3A_615 : memref<64x128xf32, #tpu.memory_space<vmem>>) dst(%dma_wait3A_621 : memref<10000x128xf32, #tpu.memory_space<vmem_shared>>)
        tpu.yield
      }) : () -> ()
      %add3A_557 = arith.constant 2 : i32
      %add3A_558 = arith.addi %mul3A_484, %add3A_557 : i32
      %add3A_559 = arith.constant 4 : i32
      %add3A_560 = arith.addi %add3A_558, %add3A_559 : i32
      %dma_start3A_561 = arith.constant 2 : i32
      %dma_start3A_562 = arith.constant 0 : i32
      %dma_start3A_563 = arith.constant 0 : i32
      %dma_start3A_564 = tpu.memref_slice %arg8[%dma_start3A_561, %dma_start3A_562, %dma_start3A_563] : memref<4x64x128xf32, #tpu.memory_space<vmem>> -> memref<1x64x128xf32, #tpu.memory_space<vmem>>
      %dma_start3A_565 = tpu.memref_squeeze %dma_start3A_564 : memref<1x64x128xf32, #tpu.memory_space<vmem>> -> memref<64x128xf32, #tpu.memory_space<vmem>>
      %dma_start3A_566 = arith.constant 0 : i32
      %dma_start3A_567 = tpu.memref_slice %arg6[%add3A_560, %dma_start3A_566] : memref<40x64xi32, #tpu.memory_space<vmem>> -> memref<1x64xi32, #tpu.memory_space<vmem>>
      %dma_start3A_568 = tpu.memref_squeeze %dma_start3A_567 : memref<1x64xi32, #tpu.memory_space<vmem>> -> memref<64xi32, #tpu.memory_space<vmem>>
      %dma_start3A_569 = arith.constant 0 : i32
      %dma_start3A_570 = arith.constant 0 : i32
      %dma_start3A_571 = tpu.memref_slice %arg2[%dma_start3A_569, %dma_start3A_570] : memref<13840x128xf32, #tpu.memory_space<hbm>> -> memref<13840x128xf32, #tpu.memory_space<hbm>>
      tpu.enqueue_indirect_dma source(%dma_start3A_571 : memref<13840x128xf32, #tpu.memory_space<hbm>>) target(%dma_start3A_565 : memref<64x128xf32, #tpu.memory_space<vmem>>) offsets(%dma_start3A_568 : memref<64xi32, #tpu.memory_space<vmem>>) semaphore(%arg13 : memref<!tpu.dma_semaphore, #tpu.memory_space<semaphore_mem>>)
      %add3A_572 = arith.constant 3 : i32
      %add3A_573 = arith.addi %mul3A_484, %add3A_572 : i32
      %dma_wait3A_574 = arith.constant 3 : i32
      %dma_wait3A_575 = arith.constant 0 : i32
      %dma_wait3A_576 = arith.constant 0 : i32
      %dma_wait3A_577 = tpu.memref_slice %arg8[%dma_wait3A_574, %dma_wait3A_575, %dma_wait3A_576] : memref<4x64x128xf32, #tpu.memory_space<vmem>> -> memref<1x64x128xf32, #tpu.memory_space<vmem>>
      %dma_wait3A_578 = tpu.memref_squeeze %dma_wait3A_577 : memref<1x64x128xf32, #tpu.memory_space<vmem>> -> memref<64x128xf32, #tpu.memory_space<vmem>>
      %dma_wait3A_579 = arith.constant 0 : i32
      %dma_wait3A_580 = tpu.memref_slice %arg6[%add3A_573, %dma_wait3A_579] : memref<40x64xi32, #tpu.memory_space<vmem>> -> memref<1x64xi32, #tpu.memory_space<vmem>>
      %dma_wait3A_581 = tpu.memref_squeeze %dma_wait3A_580 : memref<1x64xi32, #tpu.memory_space<vmem>> -> memref<64xi32, #tpu.memory_space<vmem>>
      %dma_wait3A_582 = arith.constant 0 : i32
      %dma_wait3A_583 = arith.constant 0 : i32
      %dma_wait3A_584 = tpu.memref_slice %arg2[%dma_wait3A_582, %dma_wait3A_583] : memref<13840x128xf32, #tpu.memory_space<hbm>> -> memref<13840x128xf32, #tpu.memory_space<hbm>>
      tpu.wait_indirect_dma semaphore(%arg14 : memref<!tpu.dma_semaphore, #tpu.memory_space<semaphore_mem>>) src(%dma_wait3A_584 : memref<13840x128xf32, #tpu.memory_space<hbm>>) dst(%dma_wait3A_578 : memref<64x128xf32, #tpu.memory_space<vmem>>)
      %run_scoped3A_585 = arith.constant 3 : i32
      "tpu.region"() ({
        %run_scoped3A_601 = tpu.sem_alloc : memref<!tpu.dma_semaphore, #tpu.memory_space<semaphore_mem>>
        %dma_start3A_602 = arith.constant 0 : i32
        %dma_start3A_603 = arith.constant 0 : i32
        %dma_start3A_604 = tpu.memref_slice %arg8[%run_scoped3A_585, %dma_start3A_602, %dma_start3A_603] : memref<4x64x128xf32, #tpu.memory_space<vmem>> -> memref<1x64x128xf32, #tpu.memory_space<vmem>>
        %dma_start3A_605 = tpu.memref_squeeze %dma_start3A_604 : memref<1x64x128xf32, #tpu.memory_space<vmem>> -> memref<64x128xf32, #tpu.memory_space<vmem>>
        %dma_start3A_606 = arith.constant 0 : i32
        %dma_start3A_607 = tpu.memref_slice %arg7[%add3A_573, %dma_start3A_606] : memref<40x64xi32, #tpu.memory_space<vmem>> -> memref<1x64xi32, #tpu.memory_space<vmem>>
        %dma_start3A_608 = tpu.memref_squeeze %dma_start3A_607 : memref<1x64xi32, #tpu.memory_space<vmem>> -> memref<64xi32, #tpu.memory_space<vmem>>
        %dma_start3A_609 = arith.constant 0 : i32
        %dma_start3A_610 = arith.constant 0 : i32
        %dma_start3A_611 = tpu.memref_slice %arg10[%dma_start3A_609, %dma_start3A_610] : memref<10000x128xf32, #tpu.memory_space<vmem_shared>> -> memref<10000x128xf32, #tpu.memory_space<vmem_shared>>
        tpu.enqueue_indirect_dma source(%dma_start3A_605 : memref<64x128xf32, #tpu.memory_space<vmem>>) target(%dma_start3A_611 : memref<10000x128xf32, #tpu.memory_space<vmem_shared>>) offsets(%dma_start3A_608 : memref<64xi32, #tpu.memory_space<vmem>>) semaphore(%run_scoped3A_601 : memref<!tpu.dma_semaphore, #tpu.memory_space<semaphore_mem>>) {add = true}
        %dma_wait3A_612 = arith.constant 0 : i32
        %dma_wait3A_613 = arith.constant 0 : i32
        %dma_wait3A_614 = tpu.memref_slice %arg8[%run_scoped3A_585, %dma_wait3A_612, %dma_wait3A_613] : memref<4x64x128xf32, #tpu.memory_space<vmem>> -> memref<1x64x128xf32, #tpu.memory_space<vmem>>
        %dma_wait3A_615 = tpu.memref_squeeze %dma_wait3A_614 : memref<1x64x128xf32, #tpu.memory_space<vmem>> -> memref<64x128xf32, #tpu.memory_space<vmem>>
        %dma_wait3A_616 = arith.constant 0 : i32
        %dma_wait3A_617 = tpu.memref_slice %arg7[%add3A_573, %dma_wait3A_616] : memref<40x64xi32, #tpu.memory_space<vmem>> -> memref<1x64xi32, #tpu.memory_space<vmem>>
        %dma_wait3A_618 = tpu.memref_squeeze %dma_wait3A_617 : memref<1x64xi32, #tpu.memory_space<vmem>> -> memref<64xi32, #tpu.memory_space<vmem>>
        %dma_wait3A_619 = arith.constant 0 : i32
        %dma_wait3A_620 = arith.constant 0 : i32
        %dma_wait3A_621 = tpu.memref_slice %arg10[%dma_wait3A_619, %dma_wait3A_620] : memref<10000x128xf32, #tpu.memory_space<vmem_shared>> -> memref<10000x128xf32, #tpu.memory_space<vmem_shared>>
        tpu.wait_indirect_dma semaphore(%run_scoped3A_601 : memref<!tpu.dma_semaphore, #tpu.memory_space<semaphore_mem>>) src(%dma_wait3A_615 : memref<64x128xf32, #tpu.memory_space<vmem>>) dst(%dma_wait3A_621 : memref<10000x128xf32, #tpu.memory_space<vmem_shared>>)
        tpu.yield
      }) : () -> ()
      %add3A_586 = arith.constant 3 : i32
      %add3A_587 = arith.addi %mul3A_484, %add3A_586 : i32
      %add3A_588 = arith.constant 4 : i32
      %add3A_589 = arith.addi %add3A_587, %add3A_588 : i32
      %dma_start3A_590 = arith.constant 3 : i32
      %dma_start3A_591 = arith.constant 0 : i32
      %dma_start3A_592 = arith.constant 0 : i32
      %dma_start3A_593 = tpu.memref_slice %arg8[%dma_start3A_590, %dma_start3A_591, %dma_start3A_592] : memref<4x64x128xf32, #tpu.memory_space<vmem>> -> memref<1x64x128xf32, #tpu.memory_space<vmem>>
      %dma_start3A_594 = tpu.memref_squeeze %dma_start3A_593 : memref<1x64x128xf32, #tpu.memory_space<vmem>> -> memref<64x128xf32, #tpu.memory_space<vmem>>
      %dma_start3A_595 = arith.constant 0 : i32
      %dma_start3A_596 = tpu.memref_slice %arg6[%add3A_589, %dma_start3A_595] : memref<40x64xi32, #tpu.memory_space<vmem>> -> memref<1x64xi32, #tpu.memory_space<vmem>>
      %dma_start3A_597 = tpu.memref_squeeze %dma_start3A_596 : memref<1x64xi32, #tpu.memory_space<vmem>> -> memref<64xi32, #tpu.memory_space<vmem>>
      %dma_start3A_598 = arith.constant 0 : i32
      %dma_start3A_599 = arith.constant 0 : i32
      %dma_start3A_600 = tpu.memref_slice %arg2[%dma_start3A_598, %dma_start3A_599] : memref<13840x128xf32, #tpu.memory_space<hbm>> -> memref<13840x128xf32, #tpu.memory_space<hbm>>
      tpu.enqueue_indirect_dma source(%dma_start3A_600 : memref<13840x128xf32, #tpu.memory_space<hbm>>) target(%dma_start3A_594 : memref<64x128xf32, #tpu.memory_space<vmem>>) offsets(%dma_start3A_597 : memref<64xi32, #tpu.memory_space<vmem>>) semaphore(%arg14 : memref<!tpu.dma_semaphore, #tpu.memory_space<semaphore_mem>>)
    }
    %scan3A_417 = arith.constant 9 : i32
    %dma_wait3A_418 = arith.constant 36 : i32
    %dma_wait3A_419 = arith.constant 0 : i32
    %dma_wait3A_420 = arith.constant 0 : i32
    %dma_wait3A_421 = arith.constant 0 : i32
    %dma_wait3A_422 = tpu.memref_slice %arg8[%dma_wait3A_419, %dma_wait3A_420, %dma_wait3A_421] : memref<4x64x128xf32, #tpu.memory_space<vmem>> -> memref<1x64x128xf32, #tpu.memory_space<vmem>>
    %dma_wait3A_423 = tpu.memref_squeeze %dma_wait3A_422 : memref<1x64x128xf32, #tpu.memory_space<vmem>> -> memref<64x128xf32, #tpu.memory_space<vmem>>
    %dma_wait3A_424 = arith.constant 0 : i32
    %dma_wait3A_425 = tpu.memref_slice %arg6[%dma_wait3A_418, %dma_wait3A_424] : memref<40x64xi32, #tpu.memory_space<vmem>> -> memref<1x64xi32, #tpu.memory_space<vmem>>
    %dma_wait3A_426 = tpu.memref_squeeze %dma_wait3A_425 : memref<1x64xi32, #tpu.memory_space<vmem>> -> memref<64xi32, #tpu.memory_space<vmem>>
    %dma_wait3A_427 = arith.constant 0 : i32
    %dma_wait3A_428 = arith.constant 0 : i32
    %dma_wait3A_429 = tpu.memref_slice %arg2[%dma_wait3A_427, %dma_wait3A_428] : memref<13840x128xf32, #tpu.memory_space<hbm>> -> memref<13840x128xf32, #tpu.memory_space<hbm>>
    tpu.wait_indirect_dma semaphore(%arg11 : memref<!tpu.dma_semaphore, #tpu.memory_space<semaphore_mem>>) src(%dma_wait3A_429 : memref<13840x128xf32, #tpu.memory_space<hbm>>) dst(%dma_wait3A_423 : memref<64x128xf32, #tpu.memory_space<vmem>>)
    %run_scoped3A_430 = arith.constant 0 : i32
    %run_scoped3A_431 = arith.constant 36 : i32
    "tpu.region"() ({
      %run_scoped3A_482 = tpu.sem_alloc : memref<!tpu.dma_semaphore, #tpu.memory_space<semaphore_mem>>
      %dma_start3A_483 = arith.constant 0 : i32
      %dma_start3A_484 = arith.constant 0 : i32
      %dma_start3A_485 = tpu.memref_slice %arg8[%run_scoped3A_430, %dma_start3A_483, %dma_start3A_484] : memref<4x64x128xf32, #tpu.memory_space<vmem>> -> memref<1x64x128xf32, #tpu.memory_space<vmem>>
      %dma_start3A_486 = tpu.memref_squeeze %dma_start3A_485 : memref<1x64x128xf32, #tpu.memory_space<vmem>> -> memref<64x128xf32, #tpu.memory_space<vmem>>
      %dma_start3A_487 = arith.constant 0 : i32
      %dma_start3A_488 = tpu.memref_slice %arg7[%run_scoped3A_431, %dma_start3A_487] : memref<40x64xi32, #tpu.memory_space<vmem>> -> memref<1x64xi32, #tpu.memory_space<vmem>>
      %dma_start3A_489 = tpu.memref_squeeze %dma_start3A_488 : memref<1x64xi32, #tpu.memory_space<vmem>> -> memref<64xi32, #tpu.memory_space<vmem>>
      %dma_start3A_490 = arith.constant 0 : i32
      %dma_start3A_491 = arith.constant 0 : i32
      %dma_start3A_492 = tpu.memref_slice %arg10[%dma_start3A_490, %dma_start3A_491] : memref<10000x128xf32, #tpu.memory_space<vmem_shared>> -> memref<10000x128xf32, #tpu.memory_space<vmem_shared>>
      tpu.enqueue_indirect_dma source(%dma_start3A_486 : memref<64x128xf32, #tpu.memory_space<vmem>>) target(%dma_start3A_492 : memref<10000x128xf32, #tpu.memory_space<vmem_shared>>) offsets(%dma_start3A_489 : memref<64xi32, #tpu.memory_space<vmem>>) semaphore(%run_scoped3A_482 : memref<!tpu.dma_semaphore, #tpu.memory_space<semaphore_mem>>) {add = true}
      %dma_wait3A_493 = arith.constant 0 : i32
      %dma_wait3A_494 = arith.constant 0 : i32
      %dma_wait3A_495 = tpu.memref_slice %arg8[%run_scoped3A_430, %dma_wait3A_493, %dma_wait3A_494] : memref<4x64x128xf32, #tpu.memory_space<vmem>> -> memref<1x64x128xf32, #tpu.memory_space<vmem>>
      %dma_wait3A_496 = tpu.memref_squeeze %dma_wait3A_495 : memref<1x64x128xf32, #tpu.memory_space<vmem>> -> memref<64x128xf32, #tpu.memory_space<vmem>>
      %dma_wait3A_497 = arith.constant 0 : i32
      %dma_wait3A_498 = tpu.memref_slice %arg7[%run_scoped3A_431, %dma_wait3A_497] : memref<40x64xi32, #tpu.memory_space<vmem>> -> memref<1x64xi32, #tpu.memory_space<vmem>>
      %dma_wait3A_499 = tpu.memref_squeeze %dma_wait3A_498 : memref<1x64xi32, #tpu.memory_space<vmem>> -> memref<64xi32, #tpu.memory_space<vmem>>
      %dma_wait3A_500 = arith.constant 0 : i32
      %dma_wait3A_501 = arith.constant 0 : i32
      %dma_wait3A_502 = tpu.memref_slice %arg10[%dma_wait3A_500, %dma_wait3A_501] : memref<10000x128xf32, #tpu.memory_space<vmem_shared>> -> memref<10000x128xf32, #tpu.memory_space<vmem_shared>>
      tpu.wait_indirect_dma semaphore(%run_scoped3A_482 : memref<!tpu.dma_semaphore, #tpu.memory_space<semaphore_mem>>) src(%dma_wait3A_496 : memref<64x128xf32, #tpu.memory_space<vmem>>) dst(%dma_wait3A_502 : memref<10000x128xf32, #tpu.memory_space<vmem_shared>>)
      tpu.yield
    }) : () -> ()
    %dma_wait3A_432 = arith.constant 37 : i32
    %dma_wait3A_433 = arith.constant 1 : i32
    %dma_wait3A_434 = arith.constant 0 : i32
    %dma_wait3A_435 = arith.constant 0 : i32
    %dma_wait3A_436 = tpu.memref_slice %arg8[%dma_wait3A_433, %dma_wait3A_434, %dma_wait3A_435] : memref<4x64x128xf32, #tpu.memory_space<vmem>> -> memref<1x64x128xf32, #tpu.memory_space<vmem>>
    %dma_wait3A_437 = tpu.memref_squeeze %dma_wait3A_436 : memref<1x64x128xf32, #tpu.memory_space<vmem>> -> memref<64x128xf32, #tpu.memory_space<vmem>>
    %dma_wait3A_438 = arith.constant 0 : i32
    %dma_wait3A_439 = tpu.memref_slice %arg6[%dma_wait3A_432, %dma_wait3A_438] : memref<40x64xi32, #tpu.memory_space<vmem>> -> memref<1x64xi32, #tpu.memory_space<vmem>>
    %dma_wait3A_440 = tpu.memref_squeeze %dma_wait3A_439 : memref<1x64xi32, #tpu.memory_space<vmem>> -> memref<64xi32, #tpu.memory_space<vmem>>
    %dma_wait3A_441 = arith.constant 0 : i32
    %dma_wait3A_442 = arith.constant 0 : i32
    %dma_wait3A_443 = tpu.memref_slice %arg2[%dma_wait3A_441, %dma_wait3A_442] : memref<13840x128xf32, #tpu.memory_space<hbm>> -> memref<13840x128xf32, #tpu.memory_space<hbm>>
    tpu.wait_indirect_dma semaphore(%arg12 : memref<!tpu.dma_semaphore, #tpu.memory_space<semaphore_mem>>) src(%dma_wait3A_443 : memref<13840x128xf32, #tpu.memory_space<hbm>>) dst(%dma_wait3A_437 : memref<64x128xf32, #tpu.memory_space<vmem>>)
    %run_scoped3A_444 = arith.constant 1 : i32
    %run_scoped3A_445 = arith.constant 37 : i32
    "tpu.region"() ({
      %run_scoped3A_482 = tpu.sem_alloc : memref<!tpu.dma_semaphore, #tpu.memory_space<semaphore_mem>>
      %dma_start3A_483 = arith.constant 0 : i32
      %dma_start3A_484 = arith.constant 0 : i32
      %dma_start3A_485 = tpu.memref_slice %arg8[%run_scoped3A_444, %dma_start3A_483, %dma_start3A_484] : memref<4x64x128xf32, #tpu.memory_space<vmem>> -> memref<1x64x128xf32, #tpu.memory_space<vmem>>
      %dma_start3A_486 = tpu.memref_squeeze %dma_start3A_485 : memref<1x64x128xf32, #tpu.memory_space<vmem>> -> memref<64x128xf32, #tpu.memory_space<vmem>>
      %dma_start3A_487 = arith.constant 0 : i32
      %dma_start3A_488 = tpu.memref_slice %arg7[%run_scoped3A_445, %dma_start3A_487] : memref<40x64xi32, #tpu.memory_space<vmem>> -> memref<1x64xi32, #tpu.memory_space<vmem>>
      %dma_start3A_489 = tpu.memref_squeeze %dma_start3A_488 : memref<1x64xi32, #tpu.memory_space<vmem>> -> memref<64xi32, #tpu.memory_space<vmem>>
      %dma_start3A_490 = arith.constant 0 : i32
      %dma_start3A_491 = arith.constant 0 : i32
      %dma_start3A_492 = tpu.memref_slice %arg10[%dma_start3A_490, %dma_start3A_491] : memref<10000x128xf32, #tpu.memory_space<vmem_shared>> -> memref<10000x128xf32, #tpu.memory_space<vmem_shared>>
      tpu.enqueue_indirect_dma source(%dma_start3A_486 : memref<64x128xf32, #tpu.memory_space<vmem>>) target(%dma_start3A_492 : memref<10000x128xf32, #tpu.memory_space<vmem_shared>>) offsets(%dma_start3A_489 : memref<64xi32, #tpu.memory_space<vmem>>) semaphore(%run_scoped3A_482 : memref<!tpu.dma_semaphore, #tpu.memory_space<semaphore_mem>>) {add = true}
      %dma_wait3A_493 = arith.constant 0 : i32
      %dma_wait3A_494 = arith.constant 0 : i32
      %dma_wait3A_495 = tpu.memref_slice %arg8[%run_scoped3A_444, %dma_wait3A_493, %dma_wait3A_494] : memref<4x64x128xf32, #tpu.memory_space<vmem>> -> memref<1x64x128xf32, #tpu.memory_space<vmem>>
      %dma_wait3A_496 = tpu.memref_squeeze %dma_wait3A_495 : memref<1x64x128xf32, #tpu.memory_space<vmem>> -> memref<64x128xf32, #tpu.memory_space<vmem>>
      %dma_wait3A_497 = arith.constant 0 : i32
      %dma_wait3A_498 = tpu.memref_slice %arg7[%run_scoped3A_445, %dma_wait3A_497] : memref<40x64xi32, #tpu.memory_space<vmem>> -> memref<1x64xi32, #tpu.memory_space<vmem>>
      %dma_wait3A_499 = tpu.memref_squeeze %dma_wait3A_498 : memref<1x64xi32, #tpu.memory_space<vmem>> -> memref<64xi32, #tpu.memory_space<vmem>>
      %dma_wait3A_500 = arith.constant 0 : i32
      %dma_wait3A_501 = arith.constant 0 : i32
      %dma_wait3A_502 = tpu.memref_slice %arg10[%dma_wait3A_500, %dma_wait3A_501] : memref<10000x128xf32, #tpu.memory_space<vmem_shared>> -> memref<10000x128xf32, #tpu.memory_space<vmem_shared>>
      tpu.wait_indirect_dma semaphore(%run_scoped3A_482 : memref<!tpu.dma_semaphore, #tpu.memory_space<semaphore_mem>>) src(%dma_wait3A_496 : memref<64x128xf32, #tpu.memory_space<vmem>>) dst(%dma_wait3A_502 : memref<10000x128xf32, #tpu.memory_space<vmem_shared>>)
      tpu.yield
    }) : () -> ()
    %dma_wait3A_446 = arith.constant 38 : i32
    %dma_wait3A_447 = arith.constant 2 : i32
    %dma_wait3A_448 = arith.constant 0 : i32
    %dma_wait3A_449 = arith.constant 0 : i32
    %dma_wait3A_450 = tpu.memref_slice %arg8[%dma_wait3A_447, %dma_wait3A_448, %dma_wait3A_449] : memref<4x64x128xf32, #tpu.memory_space<vmem>> -> memref<1x64x128xf32, #tpu.memory_space<vmem>>
    %dma_wait3A_451 = tpu.memref_squeeze %dma_wait3A_450 : memref<1x64x128xf32, #tpu.memory_space<vmem>> -> memref<64x128xf32, #tpu.memory_space<vmem>>
    %dma_wait3A_452 = arith.constant 0 : i32
    %dma_wait3A_453 = tpu.memref_slice %arg6[%dma_wait3A_446, %dma_wait3A_452] : memref<40x64xi32, #tpu.memory_space<vmem>> -> memref<1x64xi32, #tpu.memory_space<vmem>>
    %dma_wait3A_454 = tpu.memref_squeeze %dma_wait3A_453 : memref<1x64xi32, #tpu.memory_space<vmem>> -> memref<64xi32, #tpu.memory_space<vmem>>
    %dma_wait3A_455 = arith.constant 0 : i32
    %dma_wait3A_456 = arith.constant 0 : i32
    %dma_wait3A_457 = tpu.memref_slice %arg2[%dma_wait3A_455, %dma_wait3A_456] : memref<13840x128xf32, #tpu.memory_space<hbm>> -> memref<13840x128xf32, #tpu.memory_space<hbm>>
    tpu.wait_indirect_dma semaphore(%arg13 : memref<!tpu.dma_semaphore, #tpu.memory_space<semaphore_mem>>) src(%dma_wait3A_457 : memref<13840x128xf32, #tpu.memory_space<hbm>>) dst(%dma_wait3A_451 : memref<64x128xf32, #tpu.memory_space<vmem>>)
    %run_scoped3A_458 = arith.constant 2 : i32
    %run_scoped3A_459 = arith.constant 38 : i32
    "tpu.region"() ({
      %run_scoped3A_482 = tpu.sem_alloc : memref<!tpu.dma_semaphore, #tpu.memory_space<semaphore_mem>>
      %dma_start3A_483 = arith.constant 0 : i32
      %dma_start3A_484 = arith.constant 0 : i32
      %dma_start3A_485 = tpu.memref_slice %arg8[%run_scoped3A_458, %dma_start3A_483, %dma_start3A_484] : memref<4x64x128xf32, #tpu.memory_space<vmem>> -> memref<1x64x128xf32, #tpu.memory_space<vmem>>
      %dma_start3A_486 = tpu.memref_squeeze %dma_start3A_485 : memref<1x64x128xf32, #tpu.memory_space<vmem>> -> memref<64x128xf32, #tpu.memory_space<vmem>>
      %dma_start3A_487 = arith.constant 0 : i32
      %dma_start3A_488 = tpu.memref_slice %arg7[%run_scoped3A_459, %dma_start3A_487] : memref<40x64xi32, #tpu.memory_space<vmem>> -> memref<1x64xi32, #tpu.memory_space<vmem>>
      %dma_start3A_489 = tpu.memref_squeeze %dma_start3A_488 : memref<1x64xi32, #tpu.memory_space<vmem>> -> memref<64xi32, #tpu.memory_space<vmem>>
      %dma_start3A_490 = arith.constant 0 : i32
      %dma_start3A_491 = arith.constant 0 : i32
      %dma_start3A_492 = tpu.memref_slice %arg10[%dma_start3A_490, %dma_start3A_491] : memref<10000x128xf32, #tpu.memory_space<vmem_shared>> -> memref<10000x128xf32, #tpu.memory_space<vmem_shared>>
      tpu.enqueue_indirect_dma source(%dma_start3A_486 : memref<64x128xf32, #tpu.memory_space<vmem>>) target(%dma_start3A_492 : memref<10000x128xf32, #tpu.memory_space<vmem_shared>>) offsets(%dma_start3A_489 : memref<64xi32, #tpu.memory_space<vmem>>) semaphore(%run_scoped3A_482 : memref<!tpu.dma_semaphore, #tpu.memory_space<semaphore_mem>>) {add = true}
      %dma_wait3A_493 = arith.constant 0 : i32
      %dma_wait3A_494 = arith.constant 0 : i32
      %dma_wait3A_495 = tpu.memref_slice %arg8[%run_scoped3A_458, %dma_wait3A_493, %dma_wait3A_494] : memref<4x64x128xf32, #tpu.memory_space<vmem>> -> memref<1x64x128xf32, #tpu.memory_space<vmem>>
      %dma_wait3A_496 = tpu.memref_squeeze %dma_wait3A_495 : memref<1x64x128xf32, #tpu.memory_space<vmem>> -> memref<64x128xf32, #tpu.memory_space<vmem>>
      %dma_wait3A_497 = arith.constant 0 : i32
      %dma_wait3A_498 = tpu.memref_slice %arg7[%run_scoped3A_459, %dma_wait3A_497] : memref<40x64xi32, #tpu.memory_space<vmem>> -> memref<1x64xi32, #tpu.memory_space<vmem>>
      %dma_wait3A_499 = tpu.memref_squeeze %dma_wait3A_498 : memref<1x64xi32, #tpu.memory_space<vmem>> -> memref<64xi32, #tpu.memory_space<vmem>>
      %dma_wait3A_500 = arith.constant 0 : i32
      %dma_wait3A_501 = arith.constant 0 : i32
      %dma_wait3A_502 = tpu.memref_slice %arg10[%dma_wait3A_500, %dma_wait3A_501] : memref<10000x128xf32, #tpu.memory_space<vmem_shared>> -> memref<10000x128xf32, #tpu.memory_space<vmem_shared>>
      tpu.wait_indirect_dma semaphore(%run_scoped3A_482 : memref<!tpu.dma_semaphore, #tpu.memory_space<semaphore_mem>>) src(%dma_wait3A_496 : memref<64x128xf32, #tpu.memory_space<vmem>>) dst(%dma_wait3A_502 : memref<10000x128xf32, #tpu.memory_space<vmem_shared>>)
      tpu.yield
    }) : () -> ()
    %dma_wait3A_460 = arith.constant 39 : i32
    %dma_wait3A_461 = arith.constant 3 : i32
    %dma_wait3A_462 = arith.constant 0 : i32
    %dma_wait3A_463 = arith.constant 0 : i32
    %dma_wait3A_464 = tpu.memref_slice %arg8[%dma_wait3A_461, %dma_wait3A_462, %dma_wait3A_463] : memref<4x64x128xf32, #tpu.memory_space<vmem>> -> memref<1x64x128xf32, #tpu.memory_space<vmem>>
    %dma_wait3A_465 = tpu.memref_squeeze %dma_wait3A_464 : memref<1x64x128xf32, #tpu.memory_space<vmem>> -> memref<64x128xf32, #tpu.memory_space<vmem>>
    %dma_wait3A_466 = arith.constant 0 : i32
    %dma_wait3A_467 = tpu.memref_slice %arg6[%dma_wait3A_460, %dma_wait3A_466] : memref<40x64xi32, #tpu.memory_space<vmem>> -> memref<1x64xi32, #tpu.memory_space<vmem>>
    %dma_wait3A_468 = tpu.memref_squeeze %dma_wait3A_467 : memref<1x64xi32, #tpu.memory_space<vmem>> -> memref<64xi32, #tpu.memory_space<vmem>>
    %dma_wait3A_469 = arith.constant 0 : i32
    %dma_wait3A_470 = arith.constant 0 : i32
    %dma_wait3A_471 = tpu.memref_slice %arg2[%dma_wait3A_469, %dma_wait3A_470] : memref<13840x128xf32, #tpu.memory_space<hbm>> -> memref<13840x128xf32, #tpu.memory_space<hbm>>
    tpu.wait_indirect_dma semaphore(%arg14 : memref<!tpu.dma_semaphore, #tpu.memory_space<semaphore_mem>>) src(%dma_wait3A_471 : memref<13840x128xf32, #tpu.memory_space<hbm>>) dst(%dma_wait3A_465 : memref<64x128xf32, #tpu.memory_space<vmem>>)
    %run_scoped3A_472 = arith.constant 3 : i32
    %run_scoped3A_473 = arith.constant 39 : i32
    "tpu.region"() ({
      %run_scoped3A_482 = tpu.sem_alloc : memref<!tpu.dma_semaphore, #tpu.memory_space<semaphore_mem>>
      %dma_start3A_483 = arith.constant 0 : i32
      %dma_start3A_484 = arith.constant 0 : i32
      %dma_start3A_485 = tpu.memref_slice %arg8[%run_scoped3A_472, %dma_start3A_483, %dma_start3A_484] : memref<4x64x128xf32, #tpu.memory_space<vmem>> -> memref<1x64x128xf32, #tpu.memory_space<vmem>>
      %dma_start3A_486 = tpu.memref_squeeze %dma_start3A_485 : memref<1x64x128xf32, #tpu.memory_space<vmem>> -> memref<64x128xf32, #tpu.memory_space<vmem>>
      %dma_start3A_487 = arith.constant 0 : i32
      %dma_start3A_488 = tpu.memref_slice %arg7[%run_scoped3A_473, %dma_start3A_487] : memref<40x64xi32, #tpu.memory_space<vmem>> -> memref<1x64xi32, #tpu.memory_space<vmem>>
      %dma_start3A_489 = tpu.memref_squeeze %dma_start3A_488 : memref<1x64xi32, #tpu.memory_space<vmem>> -> memref<64xi32, #tpu.memory_space<vmem>>
      %dma_start3A_490 = arith.constant 0 : i32
      %dma_start3A_491 = arith.constant 0 : i32
      %dma_start3A_492 = tpu.memref_slice %arg10[%dma_start3A_490, %dma_start3A_491] : memref<10000x128xf32, #tpu.memory_space<vmem_shared>> -> memref<10000x128xf32, #tpu.memory_space<vmem_shared>>
      tpu.enqueue_indirect_dma source(%dma_start3A_486 : memref<64x128xf32, #tpu.memory_space<vmem>>) target(%dma_start3A_492 : memref<10000x128xf32, #tpu.memory_space<vmem_shared>>) offsets(%dma_start3A_489 : memref<64xi32, #tpu.memory_space<vmem>>) semaphore(%run_scoped3A_482 : memref<!tpu.dma_semaphore, #tpu.memory_space<semaphore_mem>>) {add = true}
      %dma_wait3A_493 = arith.constant 0 : i32
      %dma_wait3A_494 = arith.constant 0 : i32
      %dma_wait3A_495 = tpu.memref_slice %arg8[%run_scoped3A_472, %dma_wait3A_493, %dma_wait3A_494] : memref<4x64x128xf32, #tpu.memory_space<vmem>> -> memref<1x64x128xf32, #tpu.memory_space<vmem>>
      %dma_wait3A_496 = tpu.memref_squeeze %dma_wait3A_495 : memref<1x64x128xf32, #tpu.memory_space<vmem>> -> memref<64x128xf32, #tpu.memory_space<vmem>>
      %dma_wait3A_497 = arith.constant 0 : i32
      %dma_wait3A_498 = tpu.memref_slice %arg7[%run_scoped3A_473, %dma_wait3A_497] : memref<40x64xi32, #tpu.memory_space<vmem>> -> memref<1x64xi32, #tpu.memory_space<vmem>>
      %dma_wait3A_499 = tpu.memref_squeeze %dma_wait3A_498 : memref<1x64xi32, #tpu.memory_space<vmem>> -> memref<64xi32, #tpu.memory_space<vmem>>
      %dma_wait3A_500 = arith.constant 0 : i32
      %dma_wait3A_501 = arith.constant 0 : i32
      %dma_wait3A_502 = tpu.memref_slice %arg10[%dma_wait3A_500, %dma_wait3A_501] : memref<10000x128xf32, #tpu.memory_space<vmem_shared>> -> memref<10000x128xf32, #tpu.memory_space<vmem_shared>>
      tpu.wait_indirect_dma semaphore(%run_scoped3A_482 : memref<!tpu.dma_semaphore, #tpu.memory_space<semaphore_mem>>) src(%dma_wait3A_496 : memref<64x128xf32, #tpu.memory_space<vmem>>) dst(%dma_wait3A_502 : memref<10000x128xf32, #tpu.memory_space<vmem_shared>>)
      tpu.yield
    }) : () -> ()
    %barrier3A_474 = arith.constant 0 : index
    tpu.barrier barrier_id(%barrier3A_474)
    %ne3A = arith.constant 15 : i32
    %ne3A_475 = arith.cmpi ne, %arg1, %ne3A : i32
    %convert_element_type3A = arith.extui %ne3A_475 : i1 to i32
    %cond3A = arith.constant 0 : i32
    %cond3A_476 = arith.cmpi ne, %convert_element_type3A, %cond3A : i32
    scf.if %cond3A_476 {
      %mul3A_482 = arith.constant 10000 : i32
      %mul3A_483 = arith.muli %arg0, %mul3A_482 : i32
      %add3A_484 = arith.addi %mul3A_483, %mul3A_7 : i32
      "tpu.region"() ({
        %run_scoped3A_485 = tpu.sem_alloc : memref<!tpu.dma_semaphore, #tpu.memory_space<semaphore_mem>>
        %dma_start3A_486 = arith.constant 0 : i32
        %dma_start3A_487 = tpu.memref_slice %arg5[%add3A_484, %dma_start3A_486] : memref<20000x128xf32, #tpu.memory_space<hbm>> -> memref<624x128xf32, #tpu.memory_space<hbm>>
        %dma_start3A_488 = arith.constant 0 : i32
        %dma_start3A_489 = tpu.memref_slice %arg10[%mul3A_7, %dma_start3A_488] : memref<10000x128xf32, #tpu.memory_space<vmem_shared>> -> memref<624x128xf32, #tpu.memory_space<vmem_shared>>
        tpu.enqueue_dma source(%dma_start3A_489 : memref<624x128xf32, #tpu.memory_space<vmem_shared>>) target(%dma_start3A_487 : memref<624x128xf32, #tpu.memory_space<hbm>>) target_semaphore(%run_scoped3A_485 : memref<!tpu.dma_semaphore, #tpu.memory_space<semaphore_mem>>)
        %dma_wait3A_490 = arith.constant 0 : i32
        %dma_wait3A_491 = tpu.memref_slice %arg5[%add3A_484, %dma_wait3A_490] : memref<20000x128xf32, #tpu.memory_space<hbm>> -> memref<624x128xf32, #tpu.memory_space<hbm>>
        %dma_wait3A_492 = arith.constant 0 : i32
        %dma_wait3A_493 = tpu.memref_slice %arg10[%mul3A_7, %dma_wait3A_492] : memref<10000x128xf32, #tpu.memory_space<vmem_shared>> -> memref<624x128xf32, #tpu.memory_space<vmem_shared>>
        tpu.wait_dma2 semaphore(%run_scoped3A_485 : memref<!tpu.dma_semaphore, #tpu.memory_space<semaphore_mem>>) src(%dma_wait3A_493 : memref<624x128xf32, #tpu.memory_space<vmem_shared>>) dst(%dma_wait3A_491 : memref<624x128xf32, #tpu.memory_space<hbm>>)
        tpu.yield
      }) : () -> ()
    } else {
    }
    %eq3A_477 = arith.constant 15 : i32
    %eq3A_478 = arith.cmpi eq, %arg1, %eq3A_477 : i32
    %convert_element_type3A_479 = arith.extui %eq3A_478 : i1 to i32
    %cond3A_480 = arith.constant 0 : i32
    %cond3A_481 = arith.cmpi ne, %convert_element_type3A_479, %cond3A_480 : i32
    scf.if %cond3A_481 {
      %mul3A_482 = arith.constant 10000 : i32
      %mul3A_483 = arith.muli %arg0, %mul3A_482 : i32
      %add3A_484 = arith.addi %mul3A_483, %mul3A_7 : i32
      "tpu.region"() ({
        %run_scoped3A_485 = tpu.sem_alloc : memref<!tpu.dma_semaphore, #tpu.memory_space<semaphore_mem>>
        %dma_start3A_486 = arith.constant 0 : i32
        %dma_start3A_487 = tpu.memref_slice %arg5[%add3A_484, %dma_start3A_486] : memref<20000x128xf32, #tpu.memory_space<hbm>> -> memref<640x128xf32, #tpu.memory_space<hbm>>
        %dma_start3A_488 = arith.constant 0 : i32
        %dma_start3A_489 = tpu.memref_slice %arg10[%mul3A_7, %dma_start3A_488] : memref<10000x128xf32, #tpu.memory_space<vmem_shared>> -> memref<640x128xf32, #tpu.memory_space<vmem_shared>>
        tpu.enqueue_dma source(%dma_start3A_489 : memref<640x128xf32, #tpu.memory_space<vmem_shared>>) target(%dma_start3A_487 : memref<640x128xf32, #tpu.memory_space<hbm>>) target_semaphore(%run_scoped3A_485 : memref<!tpu.dma_semaphore, #tpu.memory_space<semaphore_mem>>)
        %dma_wait3A_490 = arith.constant 0 : i32
        %dma_wait3A_491 = tpu.memref_slice %arg5[%add3A_484, %dma_wait3A_490] : memref<20000x128xf32, #tpu.memory_space<hbm>> -> memref<640x128xf32, #tpu.memory_space<hbm>>
        %dma_wait3A_492 = arith.constant 0 : i32
        %dma_wait3A_493 = tpu.memref_slice %arg10[%mul3A_7, %dma_wait3A_492] : memref<10000x128xf32, #tpu.memory_space<vmem_shared>> -> memref<640x128xf32, #tpu.memory_space<vmem_shared>>
        tpu.wait_dma2 semaphore(%run_scoped3A_485 : memref<!tpu.dma_semaphore, #tpu.memory_space<semaphore_mem>>) src(%dma_wait3A_493 : memref<640x128xf32, #tpu.memory_space<vmem_shared>>) dst(%dma_wait3A_491 : memref<640x128xf32, #tpu.memory_space<hbm>>)
        tpu.yield
      }) : () -> ()
    } else {
    }
    return
  }
}

</mosaic_0001>

<sc_bundles>
// kernel: _edge_agg.3.cloned.1.call-start
scs
__scs_entry_jumppad:
0x0: {  	(pc) =	sbr.rel $0x88, $3  }
0x1: {  	(tag) =	ssettag $0x0;
	lr =	simm.s32 $0x1  }
0x2: {  	[smem:$0x3F9E] =	sst lr;
	_ =	strace $0xD0000000  }
0x3: {  	_ = 	snop  }
0x4: {  	_ = 	snop  }
0x5: {  	_ = 	snop  }
0x6: {  	_ = 	snop  }
0x7: {  	_ = 	snop  }
__scs_overlays_trampoline_lowered:
0x8: {  	[smem:$0x3FAD] =	sst s0  }
0x9: {  	[smem:$0x3FAE] =	sst s1  }
0xa: {  	[smem:$0x3FAF] =	sst s2  }
0xb: {  	[smem:$0x3FB0] =	sst s3  }
0xc: {  	[smem:$0x3FB1] =	sst s4  }
0xd: {  	[smem:$0x3FB2] =	sst s5  }
0xe: {  	[smem:$0x3FB3] =	sst s6  }
0xf: {  	[smem:$0x3FB4] =	sst s7  }
0x10: {  	[smem:$0x3FB5] =	sst s8  }
0x11: {  	[smem:$0x3FB6] =	sst s9;
	s0 =	simm.s32 @!p0 $0x0  }
0x12: {  	s1 =	sld [smem:$0x3F9C];
	s0 =	simm.s32 @p0 $0x1  }
0x13: {  	[smem:$0x3FB7] =	sst s0;
	s0 =	simm.s32 @!p1 $0x0  }
0x14: {  	s2 =	sld [smem:$0x3F9B];
	s0 =	simm.s32 @p1 $0x1  }
0x15: {  	[smem:$0x3FB8] =	sst s0;
	s0 =	simm.s32 @!p2 $0x0  }
0x16: {  	s3 =	sld [smem:$0x3FDB];
	s0 =	simm.s32 @p2 $0x1  }
0x17: {  	s4 =	simm.s32 $0x1BF5;
	[smem:$0x3FBA] =	sst s0  }
0x18: {  	s0 =	sld [smem:$0x3F9D];
	_ =	swait.ge [sflag:s4], $0x0  }
0x19: {  	s7 =	sld [smem:$0x3F9E]  }
0x1a: {  	s8 =	sadd.s32 $0xFFFFE003, lr  }
0x1b: {  	s9 =	sadd.s32 $0xFFFFFEF7, lr;
	s5 =	simm.s32 $0xFFFFFFFF;
	p2 =	slt.u32 s8, $0xFFFFF086  }
0x1c: {  	p1 =	slt.u32 s9, $0xF7A;
	s5 =	simm.s32 @!p2 $0x0  }
0x1d: {  	s5 =	simm.s32 @p1 $0x1;
	p0 =	seq.s32 s7, s2  }
0x1e: {  	s7 =	smul.u32 @!p0 $0xF7A, s2;
	p2 =	seq.s32 @!p0 s5, $0x0  }
0x1f: {  	s9 =	smul.u32 $0xF7A, s1;
	s8 =	simm.s32 @!p0 $0x1BF5;
	p2 =	por !p2, p0  }
0x20: {  	[sflag:s8] =	ssyncset.s32 @!p0 $0xFFFFF086;
	s6 =	sadd.s32 @!p0 s3, s7;
	s7 =	simm.s32 @!p0 $0x108  }
0x21: {  	s3 =	sadd.s32 s3, s9;
	s6 =	sadd.s32 @!p0 $0x88, s6;
	s7 =	simm.s32 @p2 $0x1082  }
0x22: {  	[simem:s7], [sflag:s8] =	dma.local @!p0 [hbm:s6], $0xF7A  }
0x23: {  	s9 =	sor.u32 $0xD0000000, s2;
	s6 =	simm.s32 $0x108;
	_ =	swait.ge @!p0 [sflag:s8], $0x0  }
0x24: {  	s3 =	sadd.s32 $0x88, s3;
	s6 =	simm.s32 @!p1 $0x1082;
	[sflag:s4] =	ssyncset.s32 $0xFFFFF086  }
0x25: {  	[simem:s6], [sflag:s4] =	dma.local [hbm:s3], $0xF7A  }
0x26: {  	[smem:$0x3F9E] =	sst s1;
	(tag) =	ssettag s2;
	_ =	strace s9  }
0x27: {  	s1 =	sld [smem:$0x3FAE]  }
0x28: {  	s2 =	sld [smem:$0x3FAF]  }
0x29: {  	s4 =	sld [smem:$0x3FB1]  }
0x2a: {  	p0 =	seq.s32 s5, $0x0;
	s5 =	sld [smem:$0x3FB2]  }
0x2b: {  	s6 =	sld [smem:$0x3FB3]  }
0x2c: {  	s7 =	sld [smem:$0x3FB4]  }
0x2d: {  	s3 =	simm.s32 $0x108;
	s8 =	sld [smem:$0x3FB5]  }
0x2e: {  	s3 =	simm.s32 @!p0 $0x1082;
	s9 =	sld [smem:$0x3FB6]  }
0x2f: {  	lr =	sadd.s32 s0, s3;
	s0 =	sld [smem:$0x3FAD]  }
0x30: {  	s3 =	sld [smem:$0x3FB0]  }
0x31: {  	[smem:$0x3FB9] =	sst s10  }
0x32: {  	s10 =	sld [smem:$0x3FB7];
	_ =	sdelay $0x3  }
0x33: {  	p0 =	seq.s32 s10, $0x1;
	s10 =	sld [smem:$0x3FB9];
	_ =	sdelay $0x3  }
0x34: {  	[smem:$0x3FB9] =	sst s10  }
0x35: {  	s10 =	sld [smem:$0x3FB8];
	_ =	sdelay $0x3  }
0x36: {  	p1 =	seq.s32 s10, $0x1;
	s10 =	sld [smem:$0x3FB9];
	_ =	sdelay $0x3  }
0x37: {  	[smem:$0x3FB9] =	sst s10  }
0x38: {  	s10 =	sld [smem:$0x3FBA]  }
0x39: {  	_ = 	snop;
	(pc) =	sbr.ind lr, $3  }
0x3a: {  	_ = 	snop  }
0x3b: {  	_ = 	snop  }
0x3c: {  	p2 =	seq.s32 s10, $0x1;
	s10 =	sld [smem:$0x3FB9]  }
0x3d: {  	_ =	shalt  }
0x3e: {  	_ =	shalt  }
0x3f: {  	_ =	shalt  }
0x40: {  	_ =	shalt  }
0x41: {  	_ =	shalt  }
0x42: {  	_ =	shalt  }
0x43: {  	_ =	shalt  }
0x44: {  	_ =	shalt  }
0x45: {  	_ =	shalt  }
0x46: {  	_ =	shalt  }
0x47: {  	_ =	shalt  }
0x48: {  	_ =	shalt  }
0x49: {  	_ =	shalt  }
0x4a: {  	_ =	shalt  }
0x4b: {  	_ =	shalt  }
0x4c: {  	_ =	shalt  }
0x4d: {  	_ =	shalt  }
0x4e: {  	_ =	shalt  }
0x4f: {  	_ =	shalt  }
0x50: {  	_ =	shalt  }
0x51: {  	_ =	shalt  }
0x52: {  	_ =	shalt  }
0x53: {  	_ =	shalt  }
0x54: {  	_ =	shalt  }
0x55: {  	_ =	shalt  }
0x56: {  	_ =	shalt  }
0x57: {  	_ =	shalt  }
0x58: {  	_ =	shalt  }
0x59: {  	_ =	shalt  }
0x5a: {  	_ =	shalt  }
0x5b: {  	_ =	shalt  }
0x5c: {  	_ =	shalt  }
0x5d: {  	_ =	shalt  }
0x5e: {  	_ =	shalt  }
0x5f: {  	_ =	shalt  }
0x60: {  	_ =	shalt  }
0x61: {  	_ =	shalt  }
0x62: {  	_ =	shalt  }
0x63: {  	_ =	shalt  }
0x64: {  	_ =	shalt  }
0x65: {  	_ =	shalt  }
0x66: {  	_ =	shalt  }
0x67: {  	_ =	shalt  }
0x68: {  	_ =	shalt  }
0x69: {  	_ =	shalt  }
0x6a: {  	_ =	shalt  }
0x6b: {  	_ =	shalt  }
0x6c: {  	_ =	shalt  }
0x6d: {  	_ =	shalt  }
0x6e: {  	_ =	shalt  }
0x6f: {  	_ =	shalt  }
0x70: {  	_ =	shalt  }
0x71: {  	_ =	shalt  }
0x72: {  	_ =	shalt  }
0x73: {  	_ =	shalt  }
0x74: {  	_ =	shalt  }
0x75: {  	_ =	shalt  }
0x76: {  	_ =	shalt  }
0x77: {  	_ =	shalt  }
0x78: {  	_ =	shalt  }
0x79: {  	_ =	shalt  }
0x7a: {  	_ =	shalt  }
0x7b: {  	_ =	shalt  }
0x7c: {  	_ =	shalt  }
0x7d: {  	_ =	shalt  }
0x7e: {  	_ =	shalt  }
0x7f: {  	_ =	shalt  }
0x80: {  	_ =	shalt  }
0x81: {  	_ =	shalt  }
0x82: {  	_ =	shalt  }
0x83: {  	_ =	shalt  }
0x84: {  	_ =	shalt  }
0x85: {  	_ =	shalt  }
0x86: {  	_ =	shalt  }
0x87: {  	_ =	shalt  }
.Lfunc_end0:
.L_simem_size_0:
called_computation_lowered:
.L_overlay_start_0:
0x88: {  	s2 =	sld [smem:$0x3FD9]  }
0x89: {  	s3 =	sld [smem:$0x3FFE];
	_ =	sdelay $0x1  }
0x8a: {  	s1 =	srdreg.scid  }
0x8b: {  	s0 =	sand.u32 $0x1, s1  }
0x8c: {  	s17 =	sshll.u32 s0, $0xA;
	s2 =	sadd.s32 s3, s2  }
0x8d: {  	s2 =	sadd.s32 s2, s17  }
0x8e: {  	[smem:$0x3FC5] =	sst s2  }
0x8f: {  	_ = 	snop  }
0x90: {  	s2 =	sld [smem:$0x3FC9]  }
0x91: {  	s18 =	sld [smem:$0x3FD0];
	(tm) =	ssettm $0x1  }
0x92: {  	s4 =	sld [smem:$0x3FFB];
	_ =	sdelay $0x3  }
0x93: {  	_ =	strace s4  }
0x94: {  	s4 =	sld [smem:$0x3FFC];
	_ =	sdelay $0x3  }
0x95: {  	_ =	strace s4  }
0x96: {  	s4 =	sld [smem:$0x3FFD];
	_ =	sdelay $0x3  }
0x97: {  	_ =	strace s4  }
0x98: {  	_ =	strace $0x8FFFFFFF  }
0x99: {  	s19 =	sld [smem:$0x3FDB];
	_ =	sdelay $0x1  }
0x9a: {  	s5 =	simm.s32 $_scs_section_size  }
0x9b: {  	s6 =	simm.s32 $_size__tile_overlayer_lowered;
	s7 =	simm.s32 $_tile_overlayer_lowered  }
0x9c: {  	s22 =	simm.s32 $0x1BFF;
	s21 =	sshll.u32 s7, $0x1;
	s4 =	sadd.s32 s5, s19  }
0x9d: {  	s8 =	simm.s32 $0x0;
	s20 =	sshll.u32 s6, $0x1;
	s6 =	sadd.s32 s21, s4  }
0x9e: {  	[timem:s8], [sflag:s22] =	dma.local [hbm:s6], s20  }
0x9f: {  	_ =	swait.ge [sflag:s22], s20  }
0xa0: {  	s5 =	ssub.s32 $0x0, s20;
	[sflag:s22] =	ssyncset.done $0x0  }
0xa1: {  	[sflag:s22] =	ssyncadd.s32 s5;
	_ =	sdelay $0x1  }
0xa2: {  	s23 =	simm.s32 $0x1B8B  }
0xa3: {  	_ =	swait.ge [sflag:s23], $0x1  }
0xa4: {  	[sflag:s23] =	ssyncset.done $0x0  }
0xa5: {  	s25 =	simm.s32 $0x1B8E;
	s24 =	sld [smem:$0x3FFE];
	[sflag:s23] =	ssyncadd.s32 $0xFFFFFFFF  }
0xa6: {  	s26 =	simm.s32 $execute0_lowered;
	[smem:$0x3FD2] =	sst s25  }
0xa7: {  	s6 =	sshll.u32 s26, $0x1;
	_ =	strace $0x80000046;
	[dreg:$0x1] =	wrdreg $0xFFFFFFFF  }
0xa8: {  	s28 =	simm.s32 $_size_execute0_lowered;
	s4 =	sadd.s32 s4, s6;
	[dreg:$0x0] =	wrdreg $0x0  }
0xa9: {  	s6 =	sshll.u32 s28, $0x1;
	[dreg:$0x2] =	wrdreg s4  }
0xaa: {  	[dreg:$0x3] =	wrdreg s6  }
0xab: {  	[dreg:$0x4] =	wrdreg $0xC0  }
0xac: {  	_ =	task [dreg:s8], $0x5FFFF  }
0xad: {  	[dreg:$0x1] =	wrdreg $0xFFFFFFFF  }
0xae: {  	[dreg:$0x0] =	wrdreg $0x60  }
0xaf: {  	[dreg:$0x2] =	wrdreg s2  }
0xb0: {  	[dreg:$0x3] =	wrdreg s24  }
0xb1: {  	[dreg:$0x4] =	wrdreg s18  }
0xb2: {  	[dreg:$0x5] =	wrdreg $0xAC000  }
0xb3: {  	[dreg:$0x6] =	wrdreg $0x9  }
0xb4: {  	_ =	task.clear_ibuf [dreg:s8], $0x7FFFF;
	_ =	strace $0x90000046  }
0xb5: {  	s29 =	simm.s32 $0x9;
	_ =	strace $0x80000048  }
0xb6: {  	_ =	swait.ge [sflag:s29], $0x1  }
0xb7: {  	[sflag:s29] =	ssyncadd.s32 $0xFFFFFFFF  }
0xb8: {  	_ =	strace $0x90000048  }
0xb9: {  	_ =	sfence  }
0xba: {  	s30 =	sld [smem:$0x0];
	_ =	sdelay $0x2  }
0xbb: {  	s31 =	sshll.u32 s1, $0xD;
	s1 =	sshrl.u32 s1, $0x2  }
0xbc: {  	s3 =	sand.u32 $0x4000, s31;
	s1 =	sadd.s32 s1, s30  }
0xbd: {  	s0 =	sor.u32 s3, s0;
	s1 =	sshll.u32 s1, $0x11  }
0xbe: {  	s0 =	sor.u32 s1, s0  }
0xbf: {  	s0 =	sadd.s32 $0x8F2B, s0  }
0xc0: {  	[sflag:s0] =	ssyncadd.remote.s32 $0x1  }
0xc1: {  	_ =	sfence.sel $0xFFFF  }
0xc2: {  	[dreg:$0x0] =	wrdreg $0xFFFFFFFF;
	(pc) =	sbr.abs _section_cstart, $3  }
0xc3: {  	[dreg:$0x1] =	wrdreg $0xFFFFFFFF  }
0xc4: {  	_ =	task.clear_ibuf [dreg:s8], $0x2FFFF;
	_ =	strace $0x9FFFFFFF  }
0xc5: {  	(tm) =	ssettm $0x7FFFFFFF  }
tec
execute0_lowered:
.L_overlay_start_1:
0x0: {  	(tag) =	ssettag $0x1  }
0x1: {  	s1 =	rddreg [dreg:$0x0]  }
0x2: {  	s0 =	rddreg [dreg:$0x1]  }
0x3: {  	s3 =	rddreg [dreg:$0x2]  }
0x4: {  	s2 =	rddreg [dreg:$0x3];
	s4 =	simm.s32 $0x0  }
0x5: {  	s15 =	srdreg.scid;
	s12 =	stileid.u32;
	s28 =	simm.s32 $0x6800  }
0x6: {  	s29 =	simm.s32 $0x180;
	s30 =	simm.s32 $0x8800;
	s31 =	simm.s32 $0x1  }
0x7: {  	[smem:$0x7FF] =	sst s4;
	s7 =	sadd.s32 $0x600, s0;
	s8 =	smul.u32 $0x2700, s12  }
0x8: {  	s4 =	sand.u32 $0x1, s15;
	s10 =	smul.u32 $0x4E000, s12;
	s0 =	sadd.s32 $0x14600, s0  }
0x9: {  	p0 =	seq.s32 s12, $0xF;
	_ =	strace $0x80000047;
	s22 =	smul.u32 $0x27100, s4  }
0xa: {  	s5 =	ssub.s32 $0x2, s4;
	s6 =	sshll.u32 s4, $0x4;
	s4 =	smul.u32 $0x138800, s4  }
0xb: {  	s9 =	sshrl.u32 s5, $0x1;
	s6 =	sor.u32 s12, s6;
	s17 =	sshrl.u32 s10, $0x2  }
0xc: {  	s9 =	ssub.s32 s5, s9;
	s11 =	smul.u32 $0x5000, s6;
	s5 =	simm.s32 $0x50  }
0xd: {  	s16 =	smul.u32 $0xA00, s6;
	s6 =	sadd.s32 s17, s2;
	s24 =	sadd.s32 s8, s22  }
0xe: {  	s4 =	sshrl.u32 s4, $0x3;
	s22 =	simm.s32 $0x2800;
	s8 =	simm.s32 $0x2680  }
0xf: {  	s5 =	simm.s32 @!p0 $0x4E;
	s25 =	sadd.s32 s3, s24;
	s26 =	sadd.s32 s3, s4  }
0x10: {  	s3 =	sadd.s32 $0x124800, s2;
	s17 =	smax.u32 s9, $0x1;
	s24 =	simm.s32 $0x4800  }
0x11: {  	s4 =	simm.s32 $0x3;
	s9 =	simm.s32 $0x2700;
	s18 =	sshrl.u32 s11, $0x3  }
0x12: {  	s19 =	sadd.s32 s7, s16;
	s12 =	sadd.s32 s0, s16;
	[dreg:$0xd] =	wrdreg s25  }
0x13: {  	s16 =	sadd.s32 $0x24900, s26;
	s25 =	sshrl.u32 @p0 s3, $0x3;
	s26 =	simm.s32 $0x100  }
0x14: {  	s3 =	simm.s32 $0x4;
	[dreg:$0x5] =	wrdreg s19;
	s20 =	sadd.s32 $0x280, s18  }
0x15: {  	[dreg:$0x6] =	wrdreg s12;
	s23 =	sadd.s32 $0x500, s18;
	s21 =	sadd.s32 s7, s20  }
0x16: {  	s10 =	sadd.s32 $0x780, s18;
	s11 =	sadd.s32 s0, s20;
	[dreg:$0x7] =	wrdreg s21  }
0x17: {  	s18 =	simm.s32 $0xA800;
	s13 =	sadd.s32 s7, s23;
	[dreg:$0x8] =	wrdreg s11  }
0x18: {  	s19 =	simm.s32 $0x5;
	s7 =	sadd.s32 s7, s10;
	[dreg:$0x9] =	wrdreg s13  }
0x19: {  	s20 =	simm.s32 $0x1400;
	s11 =	sadd.s32 s0, s23;
	[dreg:$0xb] =	wrdreg s7  }
0x1a: {  	s0 =	sadd.s32 s0, s10;
	s21 =	simm.s32 $0x40;
	s23 =	simm.s32 $0x80  }
0x1b: {  	s7 =	simm.s32 $0x2600;
	s10 =	simm.s32 $0x2780;
	[dreg:$0xa] =	wrdreg s11  }
0x1c: {  	v0 =	vimm.f32 $0.0e+00;
	[dreg:$0xc] =	wrdreg s0;
	s0 =	simm.s32 $0x2;
	s11 =	simm.s32 $0x0  }
.LBB2_1:
0x1d: {  	s13 =	simm.s32 $0x0  }
0x1e: {  	s12 =	sand.u32 $0xE00, s13  }
0x1f: {  	s13 =	sand.u32 $0x70, s13;
	s14 =	sshrl.u32 s12, $0x2  }
0x20: {  	s12 =	simm.s32 $0x40;
	s14 =	sor.u32 s13, s14;
	s13 =	simm.s32 $0x0  }
.LBB2_2:
0x21: {  	p1 =	sne.s32 s12, $0xFC0  }
0x22: {  	[tilespmem:s14+$0xA800] =	vst v0;
	s13 =	sadd.s32 $0x10, s13;
	s14 =	smov.u32 s12;
	s12 =	sadd.s32 $0x40, s12  }
.Ltmp0:
0x23: {  	(pc) =	sbr.rel @p1 .LBB2_2-.Ltmp0, $4  }
0x24: {  	_ = 	snop  }
0x25: {  	s14 =	sand.u32 $0xE00, s14  }
0x26: {  	s15 =	sand.u32 $0x70, s13;
	s14 =	sshrl.u32 s14, $0x2  }
0x27: {  	s14 =	sor.u32 s15, s14  }
0x28: {  	p1 =	sne.s32 s5, $0x1  }
.Ltmp1:
0x29: {  	_ = 	snop;
	(pc) =	sbr.rel @!p1 .LBB2_5-.Ltmp1, $4  }
0x2a: {  	[tilespmem:s14+$0xA800] =	vst v0  }
0x2b: {  	[spmem:s6] =	stream.linear.scatter [tilespmem:s18], [sflag:$0x5], $0x400, $0x38;
	[tilespmem:$0x1E480] =	vst v63  }
0x2c: {  	_ =	swait.ge [sflag:s19], $0x400  }
0x2d: {  	s12 =	sadd.s32 $0xFFFFFFFF, s5;
	s13 =	smov.u32 s6;
	[sflag:s19] =	ssyncset.done $0x0  }
.LBB2_4:
0x2e: {  	p1 =	sne.s32 s12, $0x1;
	[sflag:s19] =	ssyncadd.s32 $0xFFFFFC00;
	s13 =	sadd.s32 $0x400, s13  }
.Ltmp2:
0x2f: {  	s12 =	sadd.s32 $0xFFFFFFFF, s12;
	(pc) =	sbr.rel @p1 .LBB2_4-.Ltmp2, $4  }
0x30: {  	_ = 	snop  }
0x31: {  	[spmem:s13] =	stream.linear.scatter [tilespmem:s18], [sflag:$0x5], $0x400, $0x38;
	[tilespmem:$0x1E480] =	vst v63  }
0x32: {  	_ =	swait.ge [sflag:s19], $0x400  }
0x33: {  	[sflag:s19] =	ssyncset.done $0x0  }
.LBB2_5:
0x34: {  	[sflag:s19] =	ssyncadd.s32 $0xFFFFFC00  }
0x35: {  	[bflag:$0x0] =	sbarrier.arrive $0xFFFF  }
0x36: {  	s12 =	simm.s32 $0x0;
	s13 =	rddreg [dreg:$0x5]  }
0x37: {  	[tilespmem:s12], [sflag:$0x5] =	stream.linear.gather [hbm4b:s13+s12], $0x1400, $0x38;
	[tilespmem:$0x1E480] =	vst v63  }
0x38: {  	_ =	swait.ge [sflag:s19], $0x1400  }
0x39: {  	[sflag:s19] =	ssyncset.done $0x0  }
0x3a: {  	s14 =	rddreg [dreg:$0x6];
	[sflag:s19] =	ssyncadd.s32 $0xFFFFEC00  }
0x3b: {  	[tilespmem:s20], [sflag:$0x5] =	stream.linear.gather [hbm4b:s14+s12], $0x1400, $0x38;
	[tilespmem:$0x1E480] =	vst v63  }
0x3c: {  	_ =	swait.ge [sflag:s19], $0x1400  }
0x3d: {  	[sflag:s19] =	ssyncset.done $0x0  }
0x3e: {  	[sflag:s19] =	ssyncadd.s32 $0xFFFFEC00  }
0x3f: {  	[tilespmem:s22], [sflag:$0x1] =	stream.indirect.gather [hbm4b:s1+s21], $0x80, s12, s21, $0xb8;
	[tilespmem:$0x1E480] =	vst v63  }
0x40: {  	_ = 	snop  }
0x41: {  	[tilespmem:s24], [sflag:$0x2] =	stream.indirect.gather [hbm4b:s1+s21], $0x80, s23, s21, $0xb8;
	[tilespmem:$0x1E480] =	vst v63  }
0x42: {  	_ = 	snop  }
0x43: {  	[tilespmem:s28], [sflag:$0x3] =	stream.indirect.gather [hbm4b:s1+s21], $0x80, s26, s21, $0xb8;
	[tilespmem:$0x1E480] =	vst v63  }
0x44: {  	_ = 	snop  }
0x45: {  	[tilespmem:s30], [sflag:$0x4] =	stream.indirect.gather [hbm4b:s1+s21], $0x80, s29, s21, $0xb8;
	[tilespmem:$0x1E480] =	vst v63  }
0x46: {  	_ =	swait.ge [sflag:s31], $0x2000  }
0x47: {  	[sflag:s31] =	ssyncset.done $0x0  }
0x48: {  	s15 =	simm.s32 $0x1400;
	[sflag:s31] =	ssyncadd.s32 $0xFFFFE000  }
0x49: {  	[spmem:s2] =	stream.indirect.scatter.add.f32 [tilespmem:s22], [sflag:$0x5], $0x80, s15, s21, $0xb8;
	[tilespmem:$0x1E480] =	vst v63  }
0x4a: {  	_ =	swait.ge [sflag:s19], $0x2000  }
0x4b: {  	[sflag:s19] =	ssyncset.done $0x0  }
0x4c: {  	s13 =	simm.s32 $0x200;
	[sflag:s19] =	ssyncadd.s32 $0xFFFFE000  }
0x4d: {  	[tilespmem:s22], [sflag:$0x1] =	stream.indirect.gather [hbm4b:s1+s21], $0x80, s13, s21, $0xb8;
	[tilespmem:$0x1E480] =	vst v63  }
0x4e: {  	_ =	swait.ge [sflag:s0], $0x2000  }
0x4f: {  	[sflag:s0] =	ssyncset.done $0x0  }
0x50: {  	s14 =	simm.s32 $0x1480;
	[sflag:s0] =	ssyncadd.s32 $0xFFFFE000  }
0x51: {  	[spmem:s2] =	stream.indirect.scatter.add.f32 [tilespmem:s24], [sflag:$0x5], $0x80, s14, s21, $0xb8;
	[tilespmem:$0x1E480] =	vst v63  }
0x52: {  	_ =	swait.ge [sflag:s19], $0x2000  }
0x53: {  	[sflag:s19] =	ssyncset.done $0x0  }
0x54: {  	s15 =	simm.s32 $0x280;
	[sflag:s19] =	ssyncadd.s32 $0xFFFFE000  }
0x55: {  	[tilespmem:s24], [sflag:$0x2] =	stream.indirect.gather [hbm4b:s1+s21], $0x80, s15, s21, $0xb8;
	[tilespmem:$0x1E480] =	vst v63  }
0x56: {  	_ =	swait.ge [sflag:s4], $0x2000  }
0x57: {  	[sflag:s4] =	ssyncset.done $0x0  }
0x58: {  	s13 =	simm.s32 $0x1500;
	[sflag:s4] =	ssyncadd.s32 $0xFFFFE000  }
0x59: {  	[spmem:s2] =	stream.indirect.scatter.add.f32 [tilespmem:s28], [sflag:$0x5], $0x80, s13, s21, $0xb8;
	[tilespmem:$0x1E480] =	vst v63  }
0x5a: {  	_ =	swait.ge [sflag:s19], $0x2000  }
0x5b: {  	[sflag:s19] =	ssyncset.done $0x0  }
0x5c: {  	s14 =	simm.s32 $0x300;
	[sflag:s19] =	ssyncadd.s32 $0xFFFFE000  }
0x5d: {  	[tilespmem:s28], [sflag:$0x3] =	stream.indirect.gather [hbm4b:s1+s21], $0x80, s14, s21, $0xb8;
	[tilespmem:$0x1E480] =	vst v63  }
0x5e: {  	_ =	swait.ge [sflag:s3], $0x2000  }
0x5f: {  	[sflag:s3] =	ssyncset.done $0x0  }
0x60: {  	s15 =	simm.s32 $0x1580;
	[sflag:s3] =	ssyncadd.s32 $0xFFFFE000  }
0x61: {  	[spmem:s2] =	stream.indirect.scatter.add.f32 [tilespmem:s30], [sflag:$0x5], $0x80, s15, s21, $0xb8;
	[tilespmem:$0x1E480] =	vst v63  }
0x62: {  	_ =	swait.ge [sflag:s19], $0x2000  }
0x63: {  	[sflag:s19] =	ssyncset.done $0x0  }
0x64: {  	s12 =	simm.s32 $0x800;
	s13 =	simm.s32 $0x380;
	[sflag:s19] =	ssyncadd.s32 $0xFFFFE000  }
.LBB2_6:
0x65: {  	[tilespmem:s30], [sflag:$0x4] =	stream.indirect.gather [hbm4b:s1+s21], $0x80, s13, s21, $0xb8;
	[tilespmem:$0x1E480] =	vst v63  }
0x66: {  	s13 =	smov.u32 s12  }
0x67: {  	p1 =	sne.s32 s12, $0x4000;
	s12 =	sadd.s32 $0x800, s12;
	_ =	swait.ge [sflag:s31], $0x2000  }
0x68: {  	s13 =	sshra.s32 s13, $0x2;
	[sflag:s31] =	ssyncset.done $0x0  }
0x69: {  	s14 =	sadd.s32 $0x1400, s13;
	[sflag:s31] =	ssyncadd.s32 $0xFFFFE000  }
0x6a: {  	[spmem:s2] =	stream.indirect.scatter.add.f32 [tilespmem:s22], [sflag:$0x5], $0x80, s14, s21, $0xb8;
	[tilespmem:$0x1E480] =	vst v63  }
0x6b: {  	_ =	swait.ge [sflag:s19], $0x2000  }
0x6c: {  	[sflag:s19] =	ssyncset.done $0x0  }
0x6d: {  	s14 =	sadd.s32 $0x200, s13;
	[sflag:s19] =	ssyncadd.s32 $0xFFFFE000  }
0x6e: {  	[tilespmem:s22], [sflag:$0x1] =	stream.indirect.gather [hbm4b:s1+s21], $0x80, s14, s21, $0xb8;
	[tilespmem:$0x1E480] =	vst v63  }
0x6f: {  	_ =	swait.ge [sflag:s0], $0x2000  }
0x70: {  	[sflag:s0] =	ssyncset.done $0x0  }
0x71: {  	s14 =	sadd.s32 $0x1480, s13;
	[sflag:s0] =	ssyncadd.s32 $0xFFFFE000  }
0x72: {  	[spmem:s2] =	stream.indirect.scatter.add.f32 [tilespmem:s24], [sflag:$0x5], $0x80, s14, s21, $0xb8;
	[tilespmem:$0x1E480] =	vst v63  }
0x73: {  	_ =	swait.ge [sflag:s19], $0x2000  }
0x74: {  	[sflag:s19] =	ssyncset.done $0x0  }
0x75: {  	s14 =	sadd.s32 $0x280, s13;
	[sflag:s19] =	ssyncadd.s32 $0xFFFFE000  }
0x76: {  	[tilespmem:s24], [sflag:$0x2] =	stream.indirect.gather [hbm4b:s1+s21], $0x80, s14, s21, $0xb8;
	[tilespmem:$0x1E480] =	vst v63  }
0x77: {  	_ =	swait.ge [sflag:s4], $0x2000  }
0x78: {  	[sflag:s4] =	ssyncset.done $0x0  }
0x79: {  	s14 =	sadd.s32 $0x1500, s13;
	[sflag:s4] =	ssyncadd.s32 $0xFFFFE000  }
0x7a: {  	[spmem:s2] =	stream.indirect.scatter.add.f32 [tilespmem:s28], [sflag:$0x5], $0x80, s14, s21, $0xb8;
	[tilespmem:$0x1E480] =	vst v63  }
0x7b: {  	_ =	swait.ge [sflag:s19], $0x2000  }
0x7c: {  	[sflag:s19] =	ssyncset.done $0x0  }
0x7d: {  	s14 =	sadd.s32 $0x300, s13;
	[sflag:s19] =	ssyncadd.s32 $0xFFFFE000  }
0x7e: {  	[tilespmem:s28], [sflag:$0x3] =	stream.indirect.gather [hbm4b:s1+s21], $0x80, s14, s21, $0xb8;
	[tilespmem:$0x1E480] =	vst v63  }
0x7f: {  	_ =	swait.ge [sflag:s3], $0x2000  }
0x80: {  	[sflag:s3] =	ssyncset.done $0x0  }
.Ltmp3:
0x81: {  	s14 =	sadd.s32 $0x1580, s13;
	[sflag:s3] =	ssyncadd.s32 $0xFFFFE000;
	(pc) =	sbr.rel @p1 .LBB2_6-.Ltmp3, $4  }
0x82: {  	[spmem:s2] =	stream.indirect.scatter.add.f32 [tilespmem:s30], [sflag:$0x5], $0x80, s14, s21, $0xb8;
	[tilespmem:$0x1E480] =	vst v63  }
0x83: {  	_ =	swait.ge [sflag:s19], $0x2000  }
0x84: {  	[sflag:s19] =	ssyncset.done $0x0  }
0x85: {  	s13 =	sadd.s32 $0x380, s13;
	[sflag:s19] =	ssyncadd.s32 $0xFFFFE000  }
0x86: {  	[tilespmem:s30], [sflag:$0x4] =	stream.indirect.gather [hbm4b:s1+s21], $0x80, s13, s21, $0xb8;
	[tilespmem:$0x1E480] =	vst v63  }
0x87: {  	_ =	swait.ge [sflag:s31], $0x2000  }
0x88: {  	[sflag:s31] =	ssyncset.done $0x0  }
0x89: {  	[sflag:s31] =	ssyncadd.s32 $0xFFFFE000  }
0x8a: {  	[spmem:s2] =	stream.indirect.scatter.add.f32 [tilespmem:s22], [sflag:$0x5], $0x80, s7, s21, $0xb8;
	[tilespmem:$0x1E480] =	vst v63  }
0x8b: {  	_ =	swait.ge [sflag:s19], $0x2000  }
0x8c: {  	[sflag:s19] =	ssyncset.done $0x0  }
0x8d: {  	[sflag:s19] =	ssyncadd.s32 $0xFFFFE000  }
0x8e: {  	_ =	swait.ge [sflag:s0], $0x2000  }
0x8f: {  	[sflag:s0] =	ssyncset.done $0x0  }
0x90: {  	[sflag:s0] =	ssyncadd.s32 $0xFFFFE000  }
0x91: {  	[spmem:s2] =	stream.indirect.scatter.add.f32 [tilespmem:s24], [sflag:$0x5], $0x80, s8, s21, $0xb8;
	[tilespmem:$0x1E480] =	vst v63  }
0x92: {  	_ =	swait.ge [sflag:s19], $0x2000  }
0x93: {  	[sflag:s19] =	ssyncset.done $0x0  }
0x94: {  	[sflag:s19] =	ssyncadd.s32 $0xFFFFE000  }
0x95: {  	_ =	swait.ge [sflag:s4], $0x2000  }
0x96: {  	[sflag:s4] =	ssyncset.done $0x0  }
0x97: {  	[sflag:s4] =	ssyncadd.s32 $0xFFFFE000  }
0x98: {  	[spmem:s2] =	stream.indirect.scatter.add.f32 [tilespmem:s28], [sflag:$0x5], $0x80, s9, s21, $0xb8;
	[tilespmem:$0x1E480] =	vst v63  }
0x99: {  	_ =	swait.ge [sflag:s19], $0x2000  }
0x9a: {  	[sflag:s19] =	ssyncset.done $0x0  }
0x9b: {  	[sflag:s19] =	ssyncadd.s32 $0xFFFFE000  }
0x9c: {  	_ =	swait.ge [sflag:s3], $0x2000  }
0x9d: {  	[sflag:s3] =	ssyncset.done $0x0  }
0x9e: {  	[sflag:s3] =	ssyncadd.s32 $0xFFFFE000  }
0x9f: {  	[spmem:s2] =	stream.indirect.scatter.add.f32 [tilespmem:s30], [sflag:$0x5], $0x80, s10, s21, $0xb8;
	[tilespmem:$0x1E480] =	vst v63  }
0xa0: {  	_ =	swait.ge [sflag:s19], $0x2000  }
0xa1: {  	[sflag:s19] =	ssyncset.done $0x0  }
0xa2: {  	s12 =	simm.s32 $0x0;
	s15 =	rddreg [dreg:$0x7];
	[sflag:s19] =	ssyncadd.s32 $0xFFFFE000  }
0xa3: {  	[tilespmem:s12], [sflag:$0x5] =	stream.linear.gather [hbm4b:s15+s12], $0x1400, $0x38;
	[tilespmem:$0x1E480] =	vst v63  }
0xa4: {  	_ =	swait.ge [sflag:s19], $0x1400  }
0xa5: {  	[sflag:s19] =	ssyncset.done $0x0  }
0xa6: {  	s14 =	rddreg [dreg:$0x8];
	[sflag:s19] =	ssyncadd.s32 $0xFFFFEC00  }
0xa7: {  	[tilespmem:s20], [sflag:$0x5] =	stream.linear.gather [hbm4b:s14+s12], $0x1400, $0x38;
	[tilespmem:$0x1E480] =	vst v63  }
0xa8: {  	_ =	swait.ge [sflag:s19], $0x1400  }
0xa9: {  	[sflag:s19] =	ssyncset.done $0x0  }
0xaa: {  	[sflag:s19] =	ssyncadd.s32 $0xFFFFEC00  }
0xab: {  	[tilespmem:s22], [sflag:$0x1] =	stream.indirect.gather [hbm4b:s1+s21], $0x80, s12, s21, $0xb8;
	[tilespmem:$0x1E480] =	vst v63  }
0xac: {  	_ = 	snop  }
0xad: {  	[tilespmem:s24], [sflag:$0x2] =	stream.indirect.gather [hbm4b:s1+s21], $0x80, s23, s21, $0xb8;
	[tilespmem:$0x1E480] =	vst v63  }
0xae: {  	_ = 	snop  }
0xaf: {  	[tilespmem:s28], [sflag:$0x3] =	stream.indirect.gather [hbm4b:s1+s21], $0x80, s26, s21, $0xb8;
	[tilespmem:$0x1E480] =	vst v63  }
0xb0: {  	_ = 	snop  }
0xb1: {  	[tilespmem:s30], [sflag:$0x4] =	stream.indirect.gather [hbm4b:s1+s21], $0x80, s29, s21, $0xb8;
	[tilespmem:$0x1E480] =	vst v63  }
0xb2: {  	_ =	swait.ge [sflag:s31], $0x2000  }
0xb3: {  	[sflag:s31] =	ssyncset.done $0x0  }
0xb4: {  	s15 =	simm.s32 $0x1400;
	[sflag:s31] =	ssyncadd.s32 $0xFFFFE000  }
0xb5: {  	[spmem:s2] =	stream.indirect.scatter.add.f32 [tilespmem:s22], [sflag:$0x5], $0x80, s15, s21, $0xb8;
	[tilespmem:$0x1E480] =	vst v63  }
0xb6: {  	_ =	swait.ge [sflag:s19], $0x2000  }
0xb7: {  	[sflag:s19] =	ssyncset.done $0x0  }
0xb8: {  	s13 =	simm.s32 $0x200;
	[sflag:s19] =	ssyncadd.s32 $0xFFFFE000  }
0xb9: {  	[tilespmem:s22], [sflag:$0x1] =	stream.indirect.gather [hbm4b:s1+s21], $0x80, s13, s21, $0xb8;
	[tilespmem:$0x1E480] =	vst v63  }
0xba: {  	_ =	swait.ge [sflag:s0], $0x2000  }
0xbb: {  	[sflag:s0] =	ssyncset.done $0x0  }
0xbc: {  	s14 =	simm.s32 $0x1480;
	[sflag:s0] =	ssyncadd.s32 $0xFFFFE000  }
0xbd: {  	[spmem:s2] =	stream.indirect.scatter.add.f32 [tilespmem:s24], [sflag:$0x5], $0x80, s14, s21, $0xb8;
	[tilespmem:$0x1E480] =	vst v63  }
0xbe: {  	_ =	swait.ge [sflag:s19], $0x2000  }
0xbf: {  	[sflag:s19] =	ssyncset.done $0x0  }
0xc0: {  	s15 =	simm.s32 $0x280;
	[sflag:s19] =	ssyncadd.s32 $0xFFFFE000  }
0xc1: {  	[tilespmem:s24], [sflag:$0x2] =	stream.indirect.gather [hbm4b:s1+s21], $0x80, s15, s21, $0xb8;
	[tilespmem:$0x1E480] =	vst v63  }
0xc2: {  	_ =	swait.ge [sflag:s4], $0x2000  }
0xc3: {  	[sflag:s4] =	ssyncset.done $0x0  }
0xc4: {  	s13 =	simm.s32 $0x1500;
	[sflag:s4] =	ssyncadd.s32 $0xFFFFE000  }
0xc5: {  	[spmem:s2] =	stream.indirect.scatter.add.f32 [tilespmem:s28], [sflag:$0x5], $0x80, s13, s21, $0xb8;
	[tilespmem:$0x1E480] =	vst v63  }
0xc6: {  	_ =	swait.ge [sflag:s19], $0x2000  }
0xc7: {  	[sflag:s19] =	ssyncset.done $0x0  }
0xc8: {  	s14 =	simm.s32 $0x300;
	[sflag:s19] =	ssyncadd.s32 $0xFFFFE000  }
0xc9: {  	[tilespmem:s28], [sflag:$0x3] =	stream.indirect.gather [hbm4b:s1+s21], $0x80, s14, s21, $0xb8;
	[tilespmem:$0x1E480] =	vst v63  }
0xca: {  	_ =	swait.ge [sflag:s3], $0x2000  }
0xcb: {  	[sflag:s3] =	ssyncset.done $0x0  }
0xcc: {  	s15 =	simm.s32 $0x1580;
	[sflag:s3] =	ssyncadd.s32 $0xFFFFE000  }
0xcd: {  	[spmem:s2] =	stream.indirect.scatter.add.f32 [tilespmem:s30], [sflag:$0x5], $0x80, s15, s21, $0xb8;
	[tilespmem:$0x1E480] =	vst v63  }
0xce: {  	_ =	swait.ge [sflag:s19], $0x2000  }
0xcf: {  	[sflag:s19] =	ssyncset.done $0x0  }
0xd0: {  	s12 =	simm.s32 $0x800;
	s13 =	simm.s32 $0x380;
	[sflag:s19] =	ssyncadd.s32 $0xFFFFE000  }
.LBB2_8:
0xd1: {  	[tilespmem:s30], [sflag:$0x4] =	stream.indirect.gather [hbm4b:s1+s21], $0x80, s13, s21, $0xb8;
	[tilespmem:$0x1E480] =	vst v63  }
0xd2: {  	s13 =	smov.u32 s12  }
0xd3: {  	p1 =	sne.s32 s12, $0x4000;
	s12 =	sadd.s32 $0x800, s12;
	_ =	swait.ge [sflag:s31], $0x2000  }
0xd4: {  	s13 =	sshra.s32 s13, $0x2;
	[sflag:s31] =	ssyncset.done $0x0  }
0xd5: {  	s14 =	sadd.s32 $0x1400, s13;
	[sflag:s31] =	ssyncadd.s32 $0xFFFFE000  }
0xd6: {  	[spmem:s2] =	stream.indirect.scatter.add.f32 [tilespmem:s22], [sflag:$0x5], $0x80, s14, s21, $0xb8;
	[tilespmem:$0x1E480] =	vst v63  }
0xd7: {  	_ =	swait.ge [sflag:s19], $0x2000  }
0xd8: {  	[sflag:s19] =	ssyncset.done $0x0  }
0xd9: {  	s14 =	sadd.s32 $0x200, s13;
	[sflag:s19] =	ssyncadd.s32 $0xFFFFE000  }
0xda: {  	[tilespmem:s22], [sflag:$0x1] =	stream.indirect.gather [hbm4b:s1+s21], $0x80, s14, s21, $0xb8;
	[tilespmem:$0x1E480] =	vst v63  }
0xdb: {  	_ =	swait.ge [sflag:s0], $0x2000  }
0xdc: {  	[sflag:s0] =	ssyncset.done $0x0  }
0xdd: {  	s14 =	sadd.s32 $0x1480, s13;
	[sflag:s0] =	ssyncadd.s32 $0xFFFFE000  }
0xde: {  	[spmem:s2] =	stream.indirect.scatter.add.f32 [tilespmem:s24], [sflag:$0x5], $0x80, s14, s21, $0xb8;
	[tilespmem:$0x1E480] =	vst v63  }
0xdf: {  	_ =	swait.ge [sflag:s19], $0x2000  }
0xe0: {  	[sflag:s19] =	ssyncset.done $0x0  }
0xe1: {  	s14 =	sadd.s32 $0x280, s13;
	[sflag:s19] =	ssyncadd.s32 $0xFFFFE000  }
0xe2: {  	[tilespmem:s24], [sflag:$0x2] =	stream.indirect.gather [hbm4b:s1+s21], $0x80, s14, s21, $0xb8;
	[tilespmem:$0x1E480] =	vst v63  }
0xe3: {  	_ =	swait.ge [sflag:s4], $0x2000  }
0xe4: {  	[sflag:s4] =	ssyncset.done $0x0  }
0xe5: {  	s14 =	sadd.s32 $0x1500, s13;
	[sflag:s4] =	ssyncadd.s32 $0xFFFFE000  }
0xe6: {  	[spmem:s2] =	stream.indirect.scatter.add.f32 [tilespmem:s28], [sflag:$0x5], $0x80, s14, s21, $0xb8;
	[tilespmem:$0x1E480] =	vst v63  }
0xe7: {  	_ =	swait.ge [sflag:s19], $0x2000  }
0xe8: {  	[sflag:s19] =	ssyncset.done $0x0  }
0xe9: {  	s14 =	sadd.s32 $0x300, s13;
	[sflag:s19] =	ssyncadd.s32 $0xFFFFE000  }
0xea: {  	[tilespmem:s28], [sflag:$0x3] =	stream.indirect.gather [hbm4b:s1+s21], $0x80, s14, s21, $0xb8;
	[tilespmem:$0x1E480] =	vst v63  }
0xeb: {  	_ =	swait.ge [sflag:s3], $0x2000  }
0xec: {  	[sflag:s3] =	ssyncset.done $0x0  }
.Ltmp4:
0xed: {  	s14 =	sadd.s32 $0x1580, s13;
	[sflag:s3] =	ssyncadd.s32 $0xFFFFE000;
	(pc) =	sbr.rel @p1 .LBB2_8-.Ltmp4, $4  }
0xee: {  	[spmem:s2] =	stream.indirect.scatter.add.f32 [tilespmem:s30], [sflag:$0x5], $0x80, s14, s21, $0xb8;
	[tilespmem:$0x1E480] =	vst v63  }
0xef: {  	_ =	swait.ge [sflag:s19], $0x2000  }
0xf0: {  	[sflag:s19] =	ssyncset.done $0x0  }
0xf1: {  	s13 =	sadd.s32 $0x380, s13;
	[sflag:s19] =	ssyncadd.s32 $0xFFFFE000  }
0xf2: {  	[tilespmem:s30], [sflag:$0x4] =	stream.indirect.gather [hbm4b:s1+s21], $0x80, s13, s21, $0xb8;
	[tilespmem:$0x1E480] =	vst v63  }
0xf3: {  	_ =	swait.ge [sflag:s31], $0x2000  }
0xf4: {  	[sflag:s31] =	ssyncset.done $0x0  }
0xf5: {  	[sflag:s31] =	ssyncadd.s32 $0xFFFFE000  }
0xf6: {  	[spmem:s2] =	stream.indirect.scatter.add.f32 [tilespmem:s22], [sflag:$0x5], $0x80, s7, s21, $0xb8;
	[tilespmem:$0x1E480] =	vst v63  }
0xf7: {  	_ =	swait.ge [sflag:s19], $0x2000  }
0xf8: {  	[sflag:s19] =	ssyncset.done $0x0  }
0xf9: {  	[sflag:s19] =	ssyncadd.s32 $0xFFFFE000  }
0xfa: {  	_ =	swait.ge [sflag:s0], $0x2000  }
0xfb: {  	[sflag:s0] =	ssyncset.done $0x0  }
0xfc: {  	[sflag:s0] =	ssyncadd.s32 $0xFFFFE000  }
0xfd: {  	[spmem:s2] =	stream.indirect.scatter.add.f32 [tilespmem:s24], [sflag:$0x5], $0x80, s8, s21, $0xb8;
	[tilespmem:$0x1E480] =	vst v63  }
0xfe: {  	_ =	swait.ge [sflag:s19], $0x2000  }
0xff: {  	[sflag:s19] =	ssyncset.done $0x0  }
0x100: {  	[sflag:s19] =	ssyncadd.s32 $0xFFFFE000  }
0x101: {  	_ =	swait.ge [sflag:s4], $0x2000  }
0x102: {  	[sflag:s4] =	ssyncset.done $0x0  }
0x103: {  	[sflag:s4] =	ssyncadd.s32 $0xFFFFE000  }
0x104: {  	[spmem:s2] =	stream.indirect.scatter.add.f32 [tilespmem:s28], [sflag:$0x5], $0x80, s9, s21, $0xb8;
	[tilespmem:$0x1E480] =	vst v63  }
0x105: {  	_ =	swait.ge [sflag:s19], $0x2000  }
0x106: {  	[sflag:s19] =	ssyncset.done $0x0  }
0x107: {  	[sflag:s19] =	ssyncadd.s32 $0xFFFFE000  }
0x108: {  	_ =	swait.ge [sflag:s3], $0x2000  }
0x109: {  	[sflag:s3] =	ssyncset.done $0x0  }
0x10a: {  	[sflag:s3] =	ssyncadd.s32 $0xFFFFE000  }
0x10b: {  	[spmem:s2] =	stream.indirect.scatter.add.f32 [tilespmem:s30], [sflag:$0x5], $0x80, s10, s21, $0xb8;
	[tilespmem:$0x1E480] =	vst v63  }
0x10c: {  	_ =	swait.ge [sflag:s19], $0x2000  }
0x10d: {  	[sflag:s19] =	ssyncset.done $0x0  }
0x10e: {  	s12 =	simm.s32 $0x0;
	s15 =	rddreg [dreg:$0x9];
	[sflag:s19] =	ssyncadd.s32 $0xFFFFE000  }
0x10f: {  	[tilespmem:s12], [sflag:$0x5] =	stream.linear.gather [hbm4b:s15+s12], $0x1400, $0x38;
	[tilespmem:$0x1E480] =	vst v63  }
0x110: {  	_ =	swait.ge [sflag:s19], $0x1400  }
0x111: {  	[sflag:s19] =	ssyncset.done $0x0  }
0x112: {  	s14 =	rddreg [dreg:$0xa];
	[sflag:s19] =	ssyncadd.s32 $0xFFFFEC00  }
0x113: {  	[tilespmem:s20], [sflag:$0x5] =	stream.linear.gather [hbm4b:s14+s12], $0x1400, $0x38;
	[tilespmem:$0x1E480] =	vst v63  }
0x114: {  	_ =	swait.ge [sflag:s19], $0x1400  }
0x115: {  	[sflag:s19] =	ssyncset.done $0x0  }
0x116: {  	[sflag:s19] =	ssyncadd.s32 $0xFFFFEC00  }
0x117: {  	[tilespmem:s22], [sflag:$0x1] =	stream.indirect.gather [hbm4b:s1+s21], $0x80, s12, s21, $0xb8;
	[tilespmem:$0x1E480] =	vst v63  }
0x118: {  	_ = 	snop  }
0x119: {  	[tilespmem:s24], [sflag:$0x2] =	stream.indirect.gather [hbm4b:s1+s21], $0x80, s23, s21, $0xb8;
	[tilespmem:$0x1E480] =	vst v63  }
0x11a: {  	_ = 	snop  }
0x11b: {  	[tilespmem:s28], [sflag:$0x3] =	stream.indirect.gather [hbm4b:s1+s21], $0x80, s26, s21, $0xb8;
	[tilespmem:$0x1E480] =	vst v63  }
0x11c: {  	_ = 	snop  }
0x11d: {  	[tilespmem:s30], [sflag:$0x4] =	stream.indirect.gather [hbm4b:s1+s21], $0x80, s29, s21, $0xb8;
	[tilespmem:$0x1E480] =	vst v63  }
0x11e: {  	_ =	swait.ge [sflag:s31], $0x2000  }
0x11f: {  	[sflag:s31] =	ssyncset.done $0x0  }
0x120: {  	s15 =	simm.s32 $0x1400;
	[sflag:s31] =	ssyncadd.s32 $0xFFFFE000  }
0x121: {  	[spmem:s2] =	stream.indirect.scatter.add.f32 [tilespmem:s22], [sflag:$0x5], $0x80, s15, s21, $0xb8;
	[tilespmem:$0x1E480] =	vst v63  }
0x122: {  	_ =	swait.ge [sflag:s19], $0x2000  }
0x123: {  	[sflag:s19] =	ssyncset.done $0x0  }
0x124: {  	s13 =	simm.s32 $0x200;
	[sflag:s19] =	ssyncadd.s32 $0xFFFFE000  }
0x125: {  	[tilespmem:s22], [sflag:$0x1] =	stream.indirect.gather [hbm4b:s1+s21], $0x80, s13, s21, $0xb8;
	[tilespmem:$0x1E480] =	vst v63  }
0x126: {  	_ =	swait.ge [sflag:s0], $0x2000  }
0x127: {  	[sflag:s0] =	ssyncset.done $0x0  }
0x128: {  	s14 =	simm.s32 $0x1480;
	[sflag:s0] =	ssyncadd.s32 $0xFFFFE000  }
0x129: {  	[spmem:s2] =	stream.indirect.scatter.add.f32 [tilespmem:s24], [sflag:$0x5], $0x80, s14, s21, $0xb8;
	[tilespmem:$0x1E480] =	vst v63  }
0x12a: {  	_ =	swait.ge [sflag:s19], $0x2000  }
0x12b: {  	[sflag:s19] =	ssyncset.done $0x0  }
0x12c: {  	s15 =	simm.s32 $0x280;
	[sflag:s19] =	ssyncadd.s32 $0xFFFFE000  }
0x12d: {  	[tilespmem:s24], [sflag:$0x2] =	stream.indirect.gather [hbm4b:s1+s21], $0x80, s15, s21, $0xb8;
	[tilespmem:$0x1E480] =	vst v63  }
0x12e: {  	_ =	swait.ge [sflag:s4], $0x2000  }
0x12f: {  	[sflag:s4] =	ssyncset.done $0x0  }
0x130: {  	s13 =	simm.s32 $0x1500;
	[sflag:s4] =	ssyncadd.s32 $0xFFFFE000  }
0x131: {  	[spmem:s2] =	stream.indirect.scatter.add.f32 [tilespmem:s28], [sflag:$0x5], $0x80, s13, s21, $0xb8;
	[tilespmem:$0x1E480] =	vst v63  }
0x132: {  	_ =	swait.ge [sflag:s19], $0x2000  }
0x133: {  	[sflag:s19] =	ssyncset.done $0x0  }
0x134: {  	s14 =	simm.s32 $0x300;
	[sflag:s19] =	ssyncadd.s32 $0xFFFFE000  }
0x135: {  	[tilespmem:s28], [sflag:$0x3] =	stream.indirect.gather [hbm4b:s1+s21], $0x80, s14, s21, $0xb8;
	[tilespmem:$0x1E480] =	vst v63  }
0x136: {  	_ =	swait.ge [sflag:s3], $0x2000  }
0x137: {  	[sflag:s3] =	ssyncset.done $0x0  }
0x138: {  	s15 =	simm.s32 $0x1580;
	[sflag:s3] =	ssyncadd.s32 $0xFFFFE000  }
0x139: {  	[spmem:s2] =	stream.indirect.scatter.add.f32 [tilespmem:s30], [sflag:$0x5], $0x80, s15, s21, $0xb8;
	[tilespmem:$0x1E480] =	vst v63  }
0x13a: {  	_ =	swait.ge [sflag:s19], $0x2000  }
0x13b: {  	[sflag:s19] =	ssyncset.done $0x0  }
0x13c: {  	s12 =	simm.s32 $0x800;
	s13 =	simm.s32 $0x380;
	[sflag:s19] =	ssyncadd.s32 $0xFFFFE000  }
.LBB2_10:
0x13d: {  	[tilespmem:s30], [sflag:$0x4] =	stream.indirect.gather [hbm4b:s1+s21], $0x80, s13, s21, $0xb8;
	[tilespmem:$0x1E480] =	vst v63  }
0x13e: {  	s13 =	smov.u32 s12  }
0x13f: {  	p1 =	sne.s32 s12, $0x4000;
	s12 =	sadd.s32 $0x800, s12;
	_ =	swait.ge [sflag:s31], $0x2000  }
0x140: {  	s13 =	sshra.s32 s13, $0x2;
	[sflag:s31] =	ssyncset.done $0x0  }
0x141: {  	s14 =	sadd.s32 $0x1400, s13;
	[sflag:s31] =	ssyncadd.s32 $0xFFFFE000  }
0x142: {  	[spmem:s2] =	stream.indirect.scatter.add.f32 [tilespmem:s22], [sflag:$0x5], $0x80, s14, s21, $0xb8;
	[tilespmem:$0x1E480] =	vst v63  }
0x143: {  	_ =	swait.ge [sflag:s19], $0x2000  }
0x144: {  	[sflag:s19] =	ssyncset.done $0x0  }
0x145: {  	s14 =	sadd.s32 $0x200, s13;
	[sflag:s19] =	ssyncadd.s32 $0xFFFFE000  }
0x146: {  	[tilespmem:s22], [sflag:$0x1] =	stream.indirect.gather [hbm4b:s1+s21], $0x80, s14, s21, $0xb8;
	[tilespmem:$0x1E480] =	vst v63  }
0x147: {  	_ =	swait.ge [sflag:s0], $0x2000  }
0x148: {  	[sflag:s0] =	ssyncset.done $0x0  }
0x149: {  	s14 =	sadd.s32 $0x1480, s13;
	[sflag:s0] =	ssyncadd.s32 $0xFFFFE000  }
0x14a: {  	[spmem:s2] =	stream.indirect.scatter.add.f32 [tilespmem:s24], [sflag:$0x5], $0x80, s14, s21, $0xb8;
	[tilespmem:$0x1E480] =	vst v63  }
0x14b: {  	_ =	swait.ge [sflag:s19], $0x2000  }
0x14c: {  	[sflag:s19] =	ssyncset.done $0x0  }
0x14d: {  	s14 =	sadd.s32 $0x280, s13;
	[sflag:s19] =	ssyncadd.s32 $0xFFFFE000  }
0x14e: {  	[tilespmem:s24], [sflag:$0x2] =	stream.indirect.gather [hbm4b:s1+s21], $0x80, s14, s21, $0xb8;
	[tilespmem:$0x1E480] =	vst v63  }
0x14f: {  	_ =	swait.ge [sflag:s4], $0x2000  }
0x150: {  	[sflag:s4] =	ssyncset.done $0x0  }
0x151: {  	s14 =	sadd.s32 $0x1500, s13;
	[sflag:s4] =	ssyncadd.s32 $0xFFFFE000  }
0x152: {  	[spmem:s2] =	stream.indirect.scatter.add.f32 [tilespmem:s28], [sflag:$0x5], $0x80, s14, s21, $0xb8;
	[tilespmem:$0x1E480] =	vst v63  }
0x153: {  	_ =	swait.ge [sflag:s19], $0x2000  }
0x154: {  	[sflag:s19] =	ssyncset.done $0x0  }
0x155: {  	s14 =	sadd.s32 $0x300, s13;
	[sflag:s19] =	ssyncadd.s32 $0xFFFFE000  }
0x156: {  	[tilespmem:s28], [sflag:$0x3] =	stream.indirect.gather [hbm4b:s1+s21], $0x80, s14, s21, $0xb8;
	[tilespmem:$0x1E480] =	vst v63  }
0x157: {  	_ =	swait.ge [sflag:s3], $0x2000  }
0x158: {  	[sflag:s3] =	ssyncset.done $0x0  }
.Ltmp5:
0x159: {  	s14 =	sadd.s32 $0x1580, s13;
	[sflag:s3] =	ssyncadd.s32 $0xFFFFE000;
	(pc) =	sbr.rel @p1 .LBB2_10-.Ltmp5, $4  }
0x15a: {  	[spmem:s2] =	stream.indirect.scatter.add.f32 [tilespmem:s30], [sflag:$0x5], $0x80, s14, s21, $0xb8;
	[tilespmem:$0x1E480] =	vst v63  }
0x15b: {  	_ =	swait.ge [sflag:s19], $0x2000  }
0x15c: {  	[sflag:s19] =	ssyncset.done $0x0  }
0x15d: {  	s13 =	sadd.s32 $0x380, s13;
	[sflag:s19] =	ssyncadd.s32 $0xFFFFE000  }
0x15e: {  	[tilespmem:s30], [sflag:$0x4] =	stream.indirect.gather [hbm4b:s1+s21], $0x80, s13, s21, $0xb8;
	[tilespmem:$0x1E480] =	vst v63  }
0x15f: {  	_ =	swait.ge [sflag:s31], $0x2000  }
0x160: {  	[sflag:s31] =	ssyncset.done $0x0  }
0x161: {  	[sflag:s31] =	ssyncadd.s32 $0xFFFFE000  }
0x162: {  	[spmem:s2] =	stream.indirect.scatter.add.f32 [tilespmem:s22], [sflag:$0x5], $0x80, s7, s21, $0xb8;
	[tilespmem:$0x1E480] =	vst v63  }
0x163: {  	_ =	swait.ge [sflag:s19], $0x2000  }
0x164: {  	[sflag:s19] =	ssyncset.done $0x0  }
0x165: {  	[sflag:s19] =	ssyncadd.s32 $0xFFFFE000  }
0x166: {  	_ =	swait.ge [sflag:s0], $0x2000  }
0x167: {  	[sflag:s0] =	ssyncset.done $0x0  }
0x168: {  	[sflag:s0] =	ssyncadd.s32 $0xFFFFE000  }
0x169: {  	[spmem:s2] =	stream.indirect.scatter.add.f32 [tilespmem:s24], [sflag:$0x5], $0x80, s8, s21, $0xb8;
	[tilespmem:$0x1E480] =	vst v63  }
0x16a: {  	_ =	swait.ge [sflag:s19], $0x2000  }
0x16b: {  	[sflag:s19] =	ssyncset.done $0x0  }
0x16c: {  	[sflag:s19] =	ssyncadd.s32 $0xFFFFE000  }
0x16d: {  	_ =	swait.ge [sflag:s4], $0x2000  }
0x16e: {  	[sflag:s4] =	ssyncset.done $0x0  }
0x16f: {  	[sflag:s4] =	ssyncadd.s32 $0xFFFFE000  }
0x170: {  	[spmem:s2] =	stream.indirect.scatter.add.f32 [tilespmem:s28], [sflag:$0x5], $0x80, s9, s21, $0xb8;
	[tilespmem:$0x1E480] =	vst v63  }
0x171: {  	_ =	swait.ge [sflag:s19], $0x2000  }
0x172: {  	[sflag:s19] =	ssyncset.done $0x0  }
0x173: {  	[sflag:s19] =	ssyncadd.s32 $0xFFFFE000  }
0x174: {  	_ =	swait.ge [sflag:s3], $0x2000  }
0x175: {  	[sflag:s3] =	ssyncset.done $0x0  }
0x176: {  	[sflag:s3] =	ssyncadd.s32 $0xFFFFE000  }
0x177: {  	[spmem:s2] =	stream.indirect.scatter.add.f32 [tilespmem:s30], [sflag:$0x5], $0x80, s10, s21, $0xb8;
	[tilespmem:$0x1E480] =	vst v63  }
0x178: {  	_ =	swait.ge [sflag:s19], $0x2000  }
0x179: {  	[sflag:s19] =	ssyncset.done $0x0  }
0x17a: {  	s12 =	simm.s32 $0x0;
	s15 =	rddreg [dreg:$0xb];
	[sflag:s19] =	ssyncadd.s32 $0xFFFFE000  }
0x17b: {  	[tilespmem:s12], [sflag:$0x5] =	stream.linear.gather [hbm4b:s15+s12], $0x1400, $0x38;
	[tilespmem:$0x1E480] =	vst v63  }
0x17c: {  	_ =	swait.ge [sflag:s19], $0x1400  }
0x17d: {  	[sflag:s19] =	ssyncset.done $0x0  }
0x17e: {  	s14 =	rddreg [dreg:$0xc];
	[sflag:s19] =	ssyncadd.s32 $0xFFFFEC00  }
0x17f: {  	[tilespmem:s20], [sflag:$0x5] =	stream.linear.gather [hbm4b:s14+s12], $0x1400, $0x38;
	[tilespmem:$0x1E480] =	vst v63  }
0x180: {  	_ =	swait.ge [sflag:s19], $0x1400  }
0x181: {  	[sflag:s19] =	ssyncset.done $0x0  }
0x182: {  	[sflag:s19] =	ssyncadd.s32 $0xFFFFEC00  }
0x183: {  	[tilespmem:s22], [sflag:$0x1] =	stream.indirect.gather [hbm4b:s1+s21], $0x80, s12, s21, $0xb8;
	[tilespmem:$0x1E480] =	vst v63  }
0x184: {  	_ = 	snop  }
0x185: {  	[tilespmem:s24], [sflag:$0x2] =	stream.indirect.gather [hbm4b:s1+s21], $0x80, s23, s21, $0xb8;
	[tilespmem:$0x1E480] =	vst v63  }
0x186: {  	_ = 	snop  }
0x187: {  	[tilespmem:s28], [sflag:$0x3] =	stream.indirect.gather [hbm4b:s1+s21], $0x80, s26, s21, $0xb8;
	[tilespmem:$0x1E480] =	vst v63  }
0x188: {  	_ = 	snop  }
0x189: {  	[tilespmem:s30], [sflag:$0x4] =	stream.indirect.gather [hbm4b:s1+s21], $0x80, s29, s21, $0xb8;
	[tilespmem:$0x1E480] =	vst v63  }
0x18a: {  	_ =	swait.ge [sflag:s31], $0x2000  }
0x18b: {  	[sflag:s31] =	ssyncset.done $0x0  }
0x18c: {  	s15 =	simm.s32 $0x1400;
	[sflag:s31] =	ssyncadd.s32 $0xFFFFE000  }
0x18d: {  	[spmem:s2] =	stream.indirect.scatter.add.f32 [tilespmem:s22], [sflag:$0x5], $0x80, s15, s21, $0xb8;
	[tilespmem:$0x1E480] =	vst v63  }
0x18e: {  	_ =	swait.ge [sflag:s19], $0x2000  }
0x18f: {  	[sflag:s19] =	ssyncset.done $0x0  }
0x190: {  	s13 =	simm.s32 $0x200;
	[sflag:s19] =	ssyncadd.s32 $0xFFFFE000  }
0x191: {  	[tilespmem:s22], [sflag:$0x1] =	stream.indirect.gather [hbm4b:s1+s21], $0x80, s13, s21, $0xb8;
	[tilespmem:$0x1E480] =	vst v63  }
0x192: {  	_ =	swait.ge [sflag:s0], $0x2000  }
0x193: {  	[sflag:s0] =	ssyncset.done $0x0  }
0x194: {  	s14 =	simm.s32 $0x1480;
	[sflag:s0] =	ssyncadd.s32 $0xFFFFE000  }
0x195: {  	[spmem:s2] =	stream.indirect.scatter.add.f32 [tilespmem:s24], [sflag:$0x5], $0x80, s14, s21, $0xb8;
	[tilespmem:$0x1E480] =	vst v63  }
0x196: {  	_ =	swait.ge [sflag:s19], $0x2000  }
0x197: {  	[sflag:s19] =	ssyncset.done $0x0  }
0x198: {  	s15 =	simm.s32 $0x280;
	[sflag:s19] =	ssyncadd.s32 $0xFFFFE000  }
0x199: {  	[tilespmem:s24], [sflag:$0x2] =	stream.indirect.gather [hbm4b:s1+s21], $0x80, s15, s21, $0xb8;
	[tilespmem:$0x1E480] =	vst v63  }
0x19a: {  	_ =	swait.ge [sflag:s4], $0x2000  }
0x19b: {  	[sflag:s4] =	ssyncset.done $0x0  }
0x19c: {  	s13 =	simm.s32 $0x1500;
	[sflag:s4] =	ssyncadd.s32 $0xFFFFE000  }
0x19d: {  	[spmem:s2] =	stream.indirect.scatter.add.f32 [tilespmem:s28], [sflag:$0x5], $0x80, s13, s21, $0xb8;
	[tilespmem:$0x1E480] =	vst v63  }
0x19e: {  	_ =	swait.ge [sflag:s19], $0x2000  }
0x19f: {  	[sflag:s19] =	ssyncset.done $0x0  }
0x1a0: {  	s14 =	simm.s32 $0x300;
	[sflag:s19] =	ssyncadd.s32 $0xFFFFE000  }
0x1a1: {  	[tilespmem:s28], [sflag:$0x3] =	stream.indirect.gather [hbm4b:s1+s21], $0x80, s14, s21, $0xb8;
	[tilespmem:$0x1E480] =	vst v63  }
0x1a2: {  	_ =	swait.ge [sflag:s3], $0x2000  }
0x1a3: {  	[sflag:s3] =	ssyncset.done $0x0  }
0x1a4: {  	s15 =	simm.s32 $0x1580;
	[sflag:s3] =	ssyncadd.s32 $0xFFFFE000  }
0x1a5: {  	[spmem:s2] =	stream.indirect.scatter.add.f32 [tilespmem:s30], [sflag:$0x5], $0x80, s15, s21, $0xb8;
	[tilespmem:$0x1E480] =	vst v63  }
0x1a6: {  	_ =	swait.ge [sflag:s19], $0x2000  }
0x1a7: {  	[sflag:s19] =	ssyncset.done $0x0  }
0x1a8: {  	s12 =	simm.s32 $0x800;
	s13 =	simm.s32 $0x380;
	[sflag:s19] =	ssyncadd.s32 $0xFFFFE000  }
.LBB2_12:
0x1a9: {  	[tilespmem:s30], [sflag:$0x4] =	stream.indirect.gather [hbm4b:s1+s21], $0x80, s13, s21, $0xb8;
	[tilespmem:$0x1E480] =	vst v63  }
0x1aa: {  	s13 =	smov.u32 s12  }
0x1ab: {  	p1 =	sne.s32 s12, $0x4000;
	s12 =	sadd.s32 $0x800, s12;
	_ =	swait.ge [sflag:s31], $0x2000  }
0x1ac: {  	s13 =	sshra.s32 s13, $0x2;
	[sflag:s31] =	ssyncset.done $0x0  }
0x1ad: {  	s14 =	sadd.s32 $0x1400, s13;
	[sflag:s31] =	ssyncadd.s32 $0xFFFFE000  }
0x1ae: {  	[spmem:s2] =	stream.indirect.scatter.add.f32 [tilespmem:s22], [sflag:$0x5], $0x80, s14, s21, $0xb8;
	[tilespmem:$0x1E480] =	vst v63  }
0x1af: {  	_ =	swait.ge [sflag:s19], $0x2000  }
0x1b0: {  	[sflag:s19] =	ssyncset.done $0x0  }
0x1b1: {  	s14 =	sadd.s32 $0x200, s13;
	[sflag:s19] =	ssyncadd.s32 $0xFFFFE000  }
0x1b2: {  	[tilespmem:s22], [sflag:$0x1] =	stream.indirect.gather [hbm4b:s1+s21], $0x80, s14, s21, $0xb8;
	[tilespmem:$0x1E480] =	vst v63  }
0x1b3: {  	_ =	swait.ge [sflag:s0], $0x2000  }
0x1b4: {  	[sflag:s0] =	ssyncset.done $0x0  }
0x1b5: {  	s14 =	sadd.s32 $0x1480, s13;
	[sflag:s0] =	ssyncadd.s32 $0xFFFFE000  }
0x1b6: {  	[spmem:s2] =	stream.indirect.scatter.add.f32 [tilespmem:s24], [sflag:$0x5], $0x80, s14, s21, $0xb8;
	[tilespmem:$0x1E480] =	vst v63  }
0x1b7: {  	_ =	swait.ge [sflag:s19], $0x2000  }
0x1b8: {  	[sflag:s19] =	ssyncset.done $0x0  }
0x1b9: {  	s14 =	sadd.s32 $0x280, s13;
	[sflag:s19] =	ssyncadd.s32 $0xFFFFE000  }
0x1ba: {  	[tilespmem:s24], [sflag:$0x2] =	stream.indirect.gather [hbm4b:s1+s21], $0x80, s14, s21, $0xb8;
	[tilespmem:$0x1E480] =	vst v63  }
0x1bb: {  	_ =	swait.ge [sflag:s4], $0x2000  }
0x1bc: {  	[sflag:s4] =	ssyncset.done $0x0  }
0x1bd: {  	s14 =	sadd.s32 $0x1500, s13;
	[sflag:s4] =	ssyncadd.s32 $0xFFFFE000  }
0x1be: {  	[spmem:s2] =	stream.indirect.scatter.add.f32 [tilespmem:s28], [sflag:$0x5], $0x80, s14, s21, $0xb8;
	[tilespmem:$0x1E480] =	vst v63  }
0x1bf: {  	_ =	swait.ge [sflag:s19], $0x2000  }
0x1c0: {  	[sflag:s19] =	ssyncset.done $0x0  }
0x1c1: {  	s14 =	sadd.s32 $0x300, s13;
	[sflag:s19] =	ssyncadd.s32 $0xFFFFE000  }
0x1c2: {  	[tilespmem:s28], [sflag:$0x3] =	stream.indirect.gather [hbm4b:s1+s21], $0x80, s14, s21, $0xb8;
	[tilespmem:$0x1E480] =	vst v63  }
0x1c3: {  	_ =	swait.ge [sflag:s3], $0x2000  }
0x1c4: {  	[sflag:s3] =	ssyncset.done $0x0  }
.Ltmp6:
0x1c5: {  	s14 =	sadd.s32 $0x1580, s13;
	[sflag:s3] =	ssyncadd.s32 $0xFFFFE000;
	(pc) =	sbr.rel @p1 .LBB2_12-.Ltmp6, $4  }
0x1c6: {  	[spmem:s2] =	stream.indirect.scatter.add.f32 [tilespmem:s30], [sflag:$0x5], $0x80, s14, s21, $0xb8;
	[tilespmem:$0x1E480] =	vst v63  }
0x1c7: {  	_ =	swait.ge [sflag:s19], $0x2000  }
0x1c8: {  	[sflag:s19] =	ssyncset.done $0x0  }
0x1c9: {  	s13 =	sadd.s32 $0x380, s13;
	[sflag:s19] =	ssyncadd.s32 $0xFFFFE000  }
0x1ca: {  	[tilespmem:s30], [sflag:$0x4] =	stream.indirect.gather [hbm4b:s1+s21], $0x80, s13, s21, $0xb8;
	[tilespmem:$0x1E480] =	vst v63  }
0x1cb: {  	_ =	swait.ge [sflag:s31], $0x2000  }
0x1cc: {  	[sflag:s31] =	ssyncset.done $0x0  }
0x1cd: {  	[sflag:s31] =	ssyncadd.s32 $0xFFFFE000  }
0x1ce: {  	[spmem:s2] =	stream.indirect.scatter.add.f32 [tilespmem:s22], [sflag:$0x5], $0x80, s7, s21, $0xb8;
	[tilespmem:$0x1E480] =	vst v63  }
0x1cf: {  	_ =	swait.ge [sflag:s19], $0x2000  }
0x1d0: {  	[sflag:s19] =	ssyncset.done $0x0  }
0x1d1: {  	[sflag:s19] =	ssyncadd.s32 $0xFFFFE000  }
0x1d2: {  	_ =	swait.ge [sflag:s0], $0x2000  }
0x1d3: {  	[sflag:s0] =	ssyncset.done $0x0  }
0x1d4: {  	[sflag:s0] =	ssyncadd.s32 $0xFFFFE000  }
0x1d5: {  	[spmem:s2] =	stream.indirect.scatter.add.f32 [tilespmem:s24], [sflag:$0x5], $0x80, s8, s21, $0xb8;
	[tilespmem:$0x1E480] =	vst v63  }
0x1d6: {  	_ =	swait.ge [sflag:s19], $0x2000  }
0x1d7: {  	[sflag:s19] =	ssyncset.done $0x0  }
0x1d8: {  	[sflag:s19] =	ssyncadd.s32 $0xFFFFE000  }
0x1d9: {  	_ =	swait.ge [sflag:s4], $0x2000  }
0x1da: {  	[sflag:s4] =	ssyncset.done $0x0  }
0x1db: {  	[sflag:s4] =	ssyncadd.s32 $0xFFFFE000  }
0x1dc: {  	[spmem:s2] =	stream.indirect.scatter.add.f32 [tilespmem:s28], [sflag:$0x5], $0x80, s9, s21, $0xb8;
	[tilespmem:$0x1E480] =	vst v63  }
0x1dd: {  	_ =	swait.ge [sflag:s19], $0x2000  }
0x1de: {  	[sflag:s19] =	ssyncset.done $0x0  }
0x1df: {  	[sflag:s19] =	ssyncadd.s32 $0xFFFFE000  }
0x1e0: {  	_ =	swait.ge [sflag:s3], $0x2000  }
0x1e1: {  	[sflag:s3] =	ssyncset.done $0x0  }
0x1e2: {  	[sflag:s3] =	ssyncadd.s32 $0xFFFFE000  }
0x1e3: {  	[spmem:s2] =	stream.indirect.scatter.add.f32 [tilespmem:s30], [sflag:$0x5], $0x80, s10, s21, $0xb8;
	[tilespmem:$0x1E480] =	vst v63  }
0x1e4: {  	_ =	swait.ge [sflag:s19], $0x2000  }
0x1e5: {  	[sflag:s19] =	ssyncset.done $0x0  }
0x1e6: {  	[sflag:s19] =	ssyncadd.s32 $0xFFFFE000  }
0x1e7: {  	s12 =	simm.s32 @p0 $0x1FC5;
	[bflag:$0x0] =	sbarrier.arrive $0xFFFF  }
0x1e8: {  	[hbm:s16], [sflag:s12] =	dma.local @p0 [spmem:s25], $0x2800  }
0x1e9: {  	s13 =	stileid.u32;
	s12 =	simm.s32 @p0 $0x5  }
0x1ea: {  	s11 =	sadd.s32 $0x1, s11;
	s13 =	sshll.u32 @!p0 s13, $0x6;
	_ =	swait.ge @p0 [sflag:s12], $0x2800  }
0x1eb: {  	p1 =	sne.s32 s11, s17;
	[sflag:s12] =	ssyncset.done @p0 $0x0;
	s14 =	rddreg [dreg:$0xd]  }
0x1ec: {  	[sflag:s12] =	ssyncadd.s32 @p0 $0xFFFFD800;
	s12 =	sor.u32 @!p0 $0x1C05, s13;
	s13 =	sshrl.u32 @!p0 s6, $0x3  }
0x1ed: {  	[hbm:s14], [sflag:s12] =	dma.local @!p0 [spmem:s13], $0x2700  }
.Ltmp7:
0x1ee: {  	_ = 	snop;
	(pc) =	sbr.rel @p1 .LBB2_1-.Ltmp7, $4  }
0x1ef: {  	s12 =	simm.s32 @!p0 $0x5  }
0x1f0: {  	_ =	swait.ge @!p0 [sflag:s12], $0x2700  }
0x1f1: {  	[sflag:s12] =	ssyncset.done @!p0 $0x0  }
0x1f2: {  	[sflag:s12] =	ssyncadd.s32 @!p0 $0xFFFFD900  }
0x1f3: {  	_ =	sfence.sel $0x180000  }
0x1f4: {  	[bflag:$0x0] =	sbarrier.arrive $0xFFFF  }
0x1f5: {  	_ =	strace $0x90000047  }
0x1f6: {  	s0 =	stileid.u32;
	[bflag:$0x2] =	sbarrier.arrive $0xFFFF  }
0x1f7: {  	p0 =	sne.s32 s0, $0x0;
	s0 =	rddreg [dreg:$0x4]  }
0x1f8: {  	s0 =	sadd.s32 @!p0 $0x100000, s0  }
0x1f9: {  	[sflag:s0] =	ssyncadd.tile.s32 @!p0 $0x1;
	_ =	shalt  }
.Lfunc_end2:
_tile_overlayer_lowered:
.L_overlay_start_2:
0x1fa: {  	(tag) =	ssettag $0x2  }
0x1fb: {  	s0 =	rddreg [dreg:$0x0];
	s2 =	stileid.u32  }
0x1fc: {  	s1 =	rddreg [dreg:$0x1];
	p0 =	sne.s32 s2, $0x0  }
0x1fd: {  	s3 =	rddreg [dreg:$0x2];
	[bflag:$0x3] =	sbarrier.arrive $0xFFFF;
	s2 =	simm.s32 @!p0 $0x1C05  }
0x1fe: {  	[timem:s3], [sflag:s2] =	dma.local @!p0 [hbm:s0], s1  }
0x1ff: {  	s0 =	simm.s32 @!p0 $0x5  }
0x200: {  	_ =	swait.ge @!p0 [sflag:s0], s1  }
0x201: {  	s1 =	ssub.s32 @!p0 $0x0, s1;
	[sflag:s0] =	ssyncset.done @!p0 $0x0  }
0x202: {  	[sflag:s0] =	ssyncadd.s32 @!p0 s1  }
0x203: {  	[bflag:$0x3] =	sbarrier.arrive $0xFFFF  }
0x204: {  	_ =	shalt  }

</sc_bundles>
